<compile_context>
chip_gen: v7x
topology: tpu7x:2x2x1
jax: 0.10.2.dev20260603
libtpu: 0.0.44.dev20260713+nightly
codegen_flags: <defaults>
</compile_context>

<pallas_src>
import jax
import jax.numpy as jnp
from jax import lax
from jax.experimental import pallas as pl
from jax.experimental.pallas import tpu as pltpu
from jax.experimental.pallas import tpu_sc as plsc

_ALPHA = 0.1

_NC, _NS, _L = 2, 16, 16
_NW = _NC * _NS
_M, _N = 16384, 4096
_ROWS_W = _M // _NW
_CR, _CC = 8, 2048
_COLS_PER_ROWBAND = _N // _CC
_CHUNKS = (_ROWS_W // _CR) * _COLS_PER_ROWBAND
_NB = 4
_P = 2


def _chunk_slice(x_hbm, base_row, k):
    r0 = base_row + (k // _COLS_PER_ROWBAND) * _CR
    c0 = (k % _COLS_PER_ROWBAND) * _CC
    return x_hbm.at[pl.ds(r0, _CR), pl.ds(c0, _CC)]


def _sc_body(x_hbm, o_hbm, *scratch):
    wid = lax.axis_index("s") * _NC + lax.axis_index("c")
    base_row = wid * _ROWS_W
    bufs = scratch[:_NB]
    in_s = scratch[_NB:2 * _NB]
    out_s = scratch[2 * _NB:]

    for k in range(_P):
        pltpu.async_copy(_chunk_slice(x_hbm, base_row, k), bufs[k], in_s[k])

    @pl.loop(0, _CHUNKS, step=_NB)
    def _outer(g):
        for b in range(_NB):
            k = g + b
            bn = (b + _P) % _NB
            @pl.when(k >= _NB - _P)
            def _():
                pltpu.make_async_copy(
                    bufs[bn], _chunk_slice(o_hbm, base_row, k), out_s[bn]
                ).wait()

            @pl.when(k + _P < _CHUNKS)
            def _():
                pltpu.async_copy(
                    _chunk_slice(x_hbm, base_row, k + _P), bufs[bn], in_s[bn]
                )

            pltpu.make_async_copy(
                _chunk_slice(x_hbm, base_row, k), bufs[b], in_s[b]
            ).wait()

            buf = bufs[b]

            @plsc.parallel_loop(0, _CC, step=_L, unroll=8)
            def _compute(i):
                for r in range(_CR):
                    v = buf[r, pl.ds(i, _L)]
                    buf[r, pl.ds(i, _L)] = v + jnp.where(v > -_ALPHA, -_ALPHA, _ALPHA)

            pltpu.async_copy(bufs[b], _chunk_slice(o_hbm, base_row, k), out_s[b])

    for k in range(_CHUNKS - (_NB - _P), _CHUNKS):
        b = k % _NB
        pltpu.make_async_copy(
            bufs[b], _chunk_slice(o_hbm, base_row, k), out_s[b]
        ).wait()


def kernel(X):
    mesh = plsc.VectorSubcoreMesh(core_axis_name="c", subcore_axis_name="s")
    return pl.kernel(
        _sc_body,
        mesh=mesh,
        out_type=jax.ShapeDtypeStruct((_M, _N), jnp.float32),
        scratch_types=(
            [pltpu.VMEM((_CR, _CC), jnp.float32)] * _NB
            + [pltpu.SemaphoreType.DMA] * (2 * _NB)
        ),
        compiler_params=pltpu.CompilerParams(use_tc_tiling_on_sc=True),
    )(X)

# --- scband reference (transcript-rebuilt; emitter-appended) ---
"""Pipeline reference for scband-graph-unrolling-den-64836826301093 (READ-ONLY COPY).

The authoritative reference and input builder live on the scoring server;
editing this copy changes nothing except your own understanding.
"""

import jax, jax.numpy as jnp
import numpy as np

ALPHA = 0.1

def setup_inputs(seed: int = 0) -> dict:
    key = jax.random.key(seed)
    X = jax.random.normal(key, (16384, 4096), dtype=jnp.float32)
    return {"X": X}

def reference(X):
    # Faithful translation of GraphUnrollingDen.soft_thres (the only tensor-in/tensor-out
    # op in this module; no forward() is defined on the nn.Module).
    alpha = ALPHA
    X_th = jnp.zeros(X.shape, dtype=X.dtype)
    X_th = jnp.where(X > -alpha, X - alpha, X_th)
    X_th = jnp.where(X < -alpha, X + alpha, X_th)
    return X_th

if __name__ == "__main__":
    import jax
    _d = setup_inputs()
    print(jax.jit(kernel)(*tuple(_d.values())))

</pallas_src>

<mosaic_0001>
#map = affine_map<(d0, d1) -> (0, 0)>
module attributes {stable_mosaic.version = 14 : i64} {
  func.func @_sc_body(%arg0: i32, %arg1: i32, %arg2: memref<16384x4096xf32, #tpu.memory_space<hbm>>, %arg3: memref<16384x4096xf32, #tpu.memory_space<hbm>>, %arg4: memref<8x2048xf32, #tpu.memory_space<vmem>>, %arg5: memref<8x2048xf32, #tpu.memory_space<vmem>>, %arg6: memref<8x2048xf32, #tpu.memory_space<vmem>>, %arg7: memref<8x2048xf32, #tpu.memory_space<vmem>>, %arg8: memref<!tpu.dma_semaphore, #tpu.memory_space<semaphore_mem>>, %arg9: memref<!tpu.dma_semaphore, #tpu.memory_space<semaphore_mem>>, %arg10: memref<!tpu.dma_semaphore, #tpu.memory_space<semaphore_mem>>, %arg11: memref<!tpu.dma_semaphore, #tpu.memory_space<semaphore_mem>>, %arg12: memref<!tpu.dma_semaphore, #tpu.memory_space<semaphore_mem>>, %arg13: memref<!tpu.dma_semaphore, #tpu.memory_space<semaphore_mem>>, %arg14: memref<!tpu.dma_semaphore, #tpu.memory_space<semaphore_mem>>, %arg15: memref<!tpu.dma_semaphore, #tpu.memory_space<semaphore_mem>>) attributes {dimension_semantics = [#tpu.dimension_semantics<core_parallel>, #tpu.dimension_semantics<subcore_parallel>], iteration_bounds = array<i64: 2, 16>, scalar_prefetch = 0 : i64, scratch_operands = 12 : i64, tpu.core_type = #tpu.core_type<sc_vector_subcore>, window_params = [{transform_indices = #map}, {transform_indices = #map}]} {
    %mul3A = arith.constant 2 : i32
    %mul3A_0 = arith.muli %arg1, %mul3A : i32
    %add3A = arith.addi %mul3A_0, %arg0 : i32
    %mul3A_1 = arith.constant 512 : i32
    %mul3A_2 = arith.muli %add3A, %mul3A_1 : i32
    %add3A_3 = arith.constant 0 : i32
    %add3A_4 = arith.addi %mul3A_2, %add3A_3 : i32
    %dma_start3A = arith.constant 0 : i32
    %dma_start3A_5 = tpu.memref_slice %arg2[%add3A_4, %dma_start3A] : memref<16384x4096xf32, #tpu.memory_space<hbm>> -> memref<8x2048xf32, #tpu.memory_space<hbm>>
    %dma_start3A_6 = arith.constant 0 : i32
    %dma_start3A_7 = tpu.memref_slice %arg2[%add3A_4, %dma_start3A_6] : memref<16384x4096xf32, #tpu.memory_space<hbm>> -> memref<8x2048xf32, #tpu.memory_space<hbm>>
    tpu.enqueue_dma source(%dma_start3A_7 : memref<8x2048xf32, #tpu.memory_space<hbm>>) target(%arg4 : memref<8x2048xf32, #tpu.memory_space<vmem>>) target_semaphore(%arg8 : memref<!tpu.dma_semaphore, #tpu.memory_space<semaphore_mem>>)
    %add3A_8 = arith.constant 0 : i32
    %add3A_9 = arith.addi %mul3A_2, %add3A_8 : i32
    %dma_start3A_10 = arith.constant 2048 : i32
    %dma_start3A_11 = tpu.memref_slice %arg2[%add3A_9, %dma_start3A_10] : memref<16384x4096xf32, #tpu.memory_space<hbm>> -> memref<8x2048xf32, #tpu.memory_space<hbm>>
    %dma_start3A_12 = arith.constant 2048 : i32
    %dma_start3A_13 = tpu.memref_slice %arg2[%add3A_9, %dma_start3A_12] : memref<16384x4096xf32, #tpu.memory_space<hbm>> -> memref<8x2048xf32, #tpu.memory_space<hbm>>
    tpu.enqueue_dma source(%dma_start3A_13 : memref<8x2048xf32, #tpu.memory_space<hbm>>) target(%arg5 : memref<8x2048xf32, #tpu.memory_space<vmem>>) target_semaphore(%arg9 : memref<!tpu.dma_semaphore, #tpu.memory_space<semaphore_mem>>)
    %scan3A = arith.constant 0 : i32
    %scan3A_14 = arith.constant 32 : i32
    %scan3A_15 = arith.addi %scan3A, %scan3A_14 : i32
    %scan3A_16 = arith.constant 1 : i32
    scf.for %scan3A_29 = %scan3A to %scan3A_15 step %scan3A_16  : i32 {
      %mul3A_30 = arith.constant 4 : i32
      %mul3A_31 = arith.muli %scan3A_29, %mul3A_30 : i32
      %add3A_32 = arith.constant 0 : i32
      %add3A_33 = arith.addi %add3A_32, %mul3A_31 : i32
      %add3A_34 = arith.constant 0 : i32
      %add3A_35 = arith.addi %add3A_33, %add3A_34 : i32
      %ge3A = arith.constant 2 : i32
      %ge3A_36 = arith.cmpi sge, %add3A_35, %ge3A : i32
      %convert_element_type3A = arith.extui %ge3A_36 : i1 to i32
      %cond3A = arith.constant 0 : i32
      %cond3A_37 = arith.cmpi ne, %convert_element_type3A, %cond3A : i32
      scf.if %cond3A_37 {
        %jit3A_464 = arith.constant 2 : i32
        %div3A_465 = arith.divsi %add3A_35, %jit3A_464 : i32
        %sign3A_466 = arith.constant 0 : i32
        %sign3A_467 = arith.cmpi sgt, %add3A_35, %sign3A_466 : i32
        %sign3A_468 = arith.extui %sign3A_467 : i1 to i32
        %sign3A_469 = arith.constant 0 : i32
        %sign3A_470 = arith.cmpi slt, %add3A_35, %sign3A_469 : i32
        %sign3A_471 = arith.extui %sign3A_470 : i1 to i32
        %sign3A_472 = arith.subi %sign3A_468, %sign3A_471 : i32
        %sign3A_473 = arith.constant 0 : i32
        %sign3A_474 = arith.cmpi sgt, %jit3A_464, %sign3A_473 : i32
        %sign3A_475 = arith.extui %sign3A_474 : i1 to i32
        %sign3A_476 = arith.constant 0 : i32
        %sign3A_477 = arith.cmpi slt, %jit3A_464, %sign3A_476 : i32
        %sign3A_478 = arith.extui %sign3A_477 : i1 to i32
        %sign3A_479 = arith.subi %sign3A_475, %sign3A_478 : i32
        %ne3A_480 = arith.cmpi ne, %sign3A_472, %sign3A_479 : i32
        %rem3A_481 = arith.remsi %add3A_35, %jit3A_464 : i32
        %ne3A_482 = arith.constant 0 : i32
        %ne3A_483 = arith.cmpi ne, %rem3A_481, %ne3A_482 : i32
        %and3A_484 = arith.andi %ne3A_480, %ne3A_483 : i1
        %sub3A_485 = arith.constant 1 : i32
        %sub3A_486 = arith.subi %div3A_465, %sub3A_485 : i32
        %select_n3A_487 = arith.select %and3A_484, %sub3A_486, %div3A_465 : i32
        %mul3A_488 = arith.constant 8 : i32
        %mul3A_489 = arith.muli %select_n3A_487, %mul3A_488 : i32
        %add3A_490 = arith.addi %mul3A_2, %mul3A_489 : i32
        %jit3A_491 = arith.constant 2 : i32
        %eq3A_492 = arith.constant 0 : i32
        %eq3A_493 = arith.cmpi eq, %jit3A_491, %eq3A_492 : i32
        %jit3A_494 = arith.constant 1 : i32
        %select_n3A_495 = arith.select %eq3A_493, %jit3A_494, %jit3A_491 : i32
        %rem3A_496 = arith.remsi %add3A_35, %select_n3A_495 : i32
        %ne3A_497 = arith.constant 0 : i32
        %ne3A_498 = arith.cmpi ne, %rem3A_496, %ne3A_497 : i32
        %lt3A_499 = arith.constant 0 : i32
        %lt3A_500 = arith.cmpi slt, %rem3A_496, %lt3A_499 : i32
        %lt3A_501 = arith.constant 0 : i32
        %lt3A_502 = arith.cmpi slt, %select_n3A_495, %lt3A_501 : i32
        %ne3A_503 = arith.xori %lt3A_500, %lt3A_502 : i1
        %and3A_504 = arith.andi %ne3A_503, %ne3A_498 : i1
        %add3A_505 = arith.addi %rem3A_496, %select_n3A_495 : i32
        %select_n3A_506 = arith.select %and3A_504, %add3A_505, %rem3A_496 : i32
        %mul3A_507 = arith.constant 2048 : i32
        %mul3A_508 = arith.muli %select_n3A_506, %mul3A_507 : i32
        %dma_wait3A_509 = tpu.memref_slice %arg3[%add3A_490, %mul3A_508] : memref<16384x4096xf32, #tpu.memory_space<hbm>> -> memref<8x2048xf32, #tpu.memory_space<hbm>>
        %dma_wait3A_510 = tpu.memref_slice %arg3[%add3A_490, %mul3A_508] : memref<16384x4096xf32, #tpu.memory_space<hbm>> -> memref<8x2048xf32, #tpu.memory_space<hbm>>
        tpu.wait_dma2 semaphore(%arg14 : memref<!tpu.dma_semaphore, #tpu.memory_space<semaphore_mem>>) src(%arg6 : memref<8x2048xf32, #tpu.memory_space<vmem>>) dst(%dma_wait3A_510 : memref<8x2048xf32, #tpu.memory_space<hbm>>)
      } else {
      }
      %add3A_38 = arith.constant 2 : i32
      %add3A_39 = arith.addi %add3A_35, %add3A_38 : i32
      %lt3A = arith.constant 128 : i32
      %lt3A_40 = arith.cmpi slt, %add3A_39, %lt3A : i32
      %convert_element_type3A_41 = arith.extui %lt3A_40 : i1 to i32
      %cond3A_42 = arith.constant 0 : i32
      %cond3A_43 = arith.cmpi ne, %convert_element_type3A_41, %cond3A_42 : i32
      scf.if %cond3A_43 {
        %add3A_464 = arith.constant 2 : i32
        %add3A_465 = arith.addi %add3A_35, %add3A_464 : i32
        %jit3A_466 = arith.constant 2 : i32
        %div3A_467 = arith.divsi %add3A_465, %jit3A_466 : i32
        %sign3A_468 = arith.constant 0 : i32
        %sign3A_469 = arith.cmpi sgt, %add3A_465, %sign3A_468 : i32
        %sign3A_470 = arith.extui %sign3A_469 : i1 to i32
        %sign3A_471 = arith.constant 0 : i32
        %sign3A_472 = arith.cmpi slt, %add3A_465, %sign3A_471 : i32
        %sign3A_473 = arith.extui %sign3A_472 : i1 to i32
        %sign3A_474 = arith.subi %sign3A_470, %sign3A_473 : i32
        %sign3A_475 = arith.constant 0 : i32
        %sign3A_476 = arith.cmpi sgt, %jit3A_466, %sign3A_475 : i32
        %sign3A_477 = arith.extui %sign3A_476 : i1 to i32
        %sign3A_478 = arith.constant 0 : i32
        %sign3A_479 = arith.cmpi slt, %jit3A_466, %sign3A_478 : i32
        %sign3A_480 = arith.extui %sign3A_479 : i1 to i32
        %sign3A_481 = arith.subi %sign3A_477, %sign3A_480 : i32
        %ne3A_482 = arith.cmpi ne, %sign3A_474, %sign3A_481 : i32
        %rem3A_483 = arith.remsi %add3A_465, %jit3A_466 : i32
        %ne3A_484 = arith.constant 0 : i32
        %ne3A_485 = arith.cmpi ne, %rem3A_483, %ne3A_484 : i32
        %and3A_486 = arith.andi %ne3A_482, %ne3A_485 : i1
        %sub3A_487 = arith.constant 1 : i32
        %sub3A_488 = arith.subi %div3A_467, %sub3A_487 : i32
        %select_n3A_489 = arith.select %and3A_486, %sub3A_488, %div3A_467 : i32
        %mul3A_490 = arith.constant 8 : i32
        %mul3A_491 = arith.muli %select_n3A_489, %mul3A_490 : i32
        %add3A_492 = arith.addi %mul3A_2, %mul3A_491 : i32
        %jit3A_493 = arith.constant 2 : i32
        %eq3A_494 = arith.constant 0 : i32
        %eq3A_495 = arith.cmpi eq, %jit3A_493, %eq3A_494 : i32
        %jit3A_496 = arith.constant 1 : i32
        %select_n3A_497 = arith.select %eq3A_495, %jit3A_496, %jit3A_493 : i32
        %rem3A_498 = arith.remsi %add3A_465, %select_n3A_497 : i32
        %ne3A_499 = arith.constant 0 : i32
        %ne3A_500 = arith.cmpi ne, %rem3A_498, %ne3A_499 : i32
        %lt3A_501 = arith.constant 0 : i32
        %lt3A_502 = arith.cmpi slt, %rem3A_498, %lt3A_501 : i32
        %lt3A_503 = arith.constant 0 : i32
        %lt3A_504 = arith.cmpi slt, %select_n3A_497, %lt3A_503 : i32
        %ne3A_505 = arith.xori %lt3A_502, %lt3A_504 : i1
        %and3A_506 = arith.andi %ne3A_505, %ne3A_500 : i1
        %add3A_507 = arith.addi %rem3A_498, %select_n3A_497 : i32
        %select_n3A_508 = arith.select %and3A_506, %add3A_507, %rem3A_498 : i32
        %mul3A_509 = arith.constant 2048 : i32
        %mul3A_510 = arith.muli %select_n3A_508, %mul3A_509 : i32
        %dma_start3A_511 = tpu.memref_slice %arg2[%add3A_492, %mul3A_510] : memref<16384x4096xf32, #tpu.memory_space<hbm>> -> memref<8x2048xf32, #tpu.memory_space<hbm>>
        %dma_start3A_512 = tpu.memref_slice %arg2[%add3A_492, %mul3A_510] : memref<16384x4096xf32, #tpu.memory_space<hbm>> -> memref<8x2048xf32, #tpu.memory_space<hbm>>
        tpu.enqueue_dma source(%dma_start3A_512 : memref<8x2048xf32, #tpu.memory_space<hbm>>) target(%arg6 : memref<8x2048xf32, #tpu.memory_space<vmem>>) target_semaphore(%arg10 : memref<!tpu.dma_semaphore, #tpu.memory_space<semaphore_mem>>)
      } else {
      }
      %jit3A = arith.constant 2 : i32
      %div3A = arith.divsi %add3A_35, %jit3A : i32
      %sign3A = arith.constant 0 : i32
      %sign3A_44 = arith.cmpi sgt, %add3A_35, %sign3A : i32
      %sign3A_45 = arith.extui %sign3A_44 : i1 to i32
      %sign3A_46 = arith.constant 0 : i32
      %sign3A_47 = arith.cmpi slt, %add3A_35, %sign3A_46 : i32
      %sign3A_48 = arith.extui %sign3A_47 : i1 to i32
      %sign3A_49 = arith.subi %sign3A_45, %sign3A_48 : i32
      %sign3A_50 = arith.constant 0 : i32
      %sign3A_51 = arith.cmpi sgt, %jit3A, %sign3A_50 : i32
      %sign3A_52 = arith.extui %sign3A_51 : i1 to i32
      %sign3A_53 = arith.constant 0 : i32
      %sign3A_54 = arith.cmpi slt, %jit3A, %sign3A_53 : i32
      %sign3A_55 = arith.extui %sign3A_54 : i1 to i32
      %sign3A_56 = arith.subi %sign3A_52, %sign3A_55 : i32
      %ne3A = arith.cmpi ne, %sign3A_49, %sign3A_56 : i32
      %rem3A = arith.remsi %add3A_35, %jit3A : i32
      %ne3A_57 = arith.constant 0 : i32
      %ne3A_58 = arith.cmpi ne, %rem3A, %ne3A_57 : i32
      %and3A = arith.andi %ne3A, %ne3A_58 : i1
      %sub3A = arith.constant 1 : i32
      %sub3A_59 = arith.subi %div3A, %sub3A : i32
      %select_n3A = arith.select %and3A, %sub3A_59, %div3A : i32
      %mul3A_60 = arith.constant 8 : i32
      %mul3A_61 = arith.muli %select_n3A, %mul3A_60 : i32
      %add3A_62 = arith.addi %mul3A_2, %mul3A_61 : i32
      %jit3A_63 = arith.constant 2 : i32
      %eq3A = arith.constant 0 : i32
      %eq3A_64 = arith.cmpi eq, %jit3A_63, %eq3A : i32
      %jit3A_65 = arith.constant 1 : i32
      %select_n3A_66 = arith.select %eq3A_64, %jit3A_65, %jit3A_63 : i32
      %rem3A_67 = arith.remsi %add3A_35, %select_n3A_66 : i32
      %ne3A_68 = arith.constant 0 : i32
      %ne3A_69 = arith.cmpi ne, %rem3A_67, %ne3A_68 : i32
      %lt3A_70 = arith.constant 0 : i32
      %lt3A_71 = arith.cmpi slt, %rem3A_67, %lt3A_70 : i32
      %lt3A_72 = arith.constant 0 : i32
      %lt3A_73 = arith.cmpi slt, %select_n3A_66, %lt3A_72 : i32
      %ne3A_74 = arith.xori %lt3A_71, %lt3A_73 : i1
      %and3A_75 = arith.andi %ne3A_74, %ne3A_69 : i1
      %add3A_76 = arith.addi %rem3A_67, %select_n3A_66 : i32
      %select_n3A_77 = arith.select %and3A_75, %add3A_76, %rem3A_67 : i32
      %mul3A_78 = arith.constant 2048 : i32
      %mul3A_79 = arith.muli %select_n3A_77, %mul3A_78 : i32
      %dma_wait3A_80 = tpu.memref_slice %arg2[%add3A_62, %mul3A_79] : memref<16384x4096xf32, #tpu.memory_space<hbm>> -> memref<8x2048xf32, #tpu.memory_space<hbm>>
      %dma_wait3A_81 = tpu.memref_slice %arg2[%add3A_62, %mul3A_79] : memref<16384x4096xf32, #tpu.memory_space<hbm>> -> memref<8x2048xf32, #tpu.memory_space<hbm>>
      tpu.wait_dma2 semaphore(%arg8 : memref<!tpu.dma_semaphore, #tpu.memory_space<semaphore_mem>>) src(%dma_wait3A_81 : memref<8x2048xf32, #tpu.memory_space<hbm>>) dst(%arg4 : memref<8x2048xf32, #tpu.memory_space<vmem>>)
      %parallel_loop3A = arith.constant 0 : i32
      %parallel_loop3A_82 = arith.constant 2048 : i32
      %parallel_loop3A_83 = arith.constant 16 : i32
      scf.for %parallel_loop3A_464 = %parallel_loop3A to %parallel_loop3A_82 step %parallel_loop3A_83  : i32 {
        %parallel_loop3A_465 = arith.constant 0 : i32
        %parallel_loop3A_466 = arith.index_cast %parallel_loop3A_465 : i32 to index
        %parallel_loop3A_467 = arith.index_cast %parallel_loop3A_464 : i32 to index
        %parallel_loop3A_468 = tpu.vector_load %arg4[%parallel_loop3A_466, %parallel_loop3A_467] {strides = array<i32>} : memref<8x2048xf32, #tpu.memory_space<vmem>>, vector<1x16xf32>,
        %parallel_loop3A_469 = vector.shape_cast %parallel_loop3A_468 : vector<1x16xf32> to vector<16xf32>
        %parallel_loop3A_470 = arith.constant -1.000000e-01 : f32
        %parallel_loop3A_471 = vector.broadcast %parallel_loop3A_470 : f32 to vector<16xf32>
        %parallel_loop3A_472 = arith.cmpf ogt, %parallel_loop3A_469, %parallel_loop3A_471 : vector<16xf32>
        %parallel_loop3A_473 = arith.constant -1.000000e-01 : f32
        %parallel_loop3A_474 = arith.constant 1.000000e-01 : f32
        %parallel_loop3A_475 = vector.broadcast %parallel_loop3A_473 : f32 to vector<16xf32>
        %parallel_loop3A_476 = vector.broadcast %parallel_loop3A_474 : f32 to vector<16xf32>
        %parallel_loop3A_477 = arith.select %parallel_loop3A_472, %parallel_loop3A_475, %parallel_loop3A_476 : vector<16xi1>, vector<16xf32>
        %parallel_loop3A_478 = arith.addf %parallel_loop3A_469, %parallel_loop3A_477 : vector<16xf32>
        %parallel_loop3A_479 = arith.constant 0 : i32
        %parallel_loop3A_480 = arith.index_cast %parallel_loop3A_479 : i32 to index
        %parallel_loop3A_481 = arith.index_cast %parallel_loop3A_464 : i32 to index
        %parallel_loop3A_482 = tpu.vector_load %arg4[%parallel_loop3A_480, %parallel_loop3A_481] {strides = array<i32>} : memref<8x2048xf32, #tpu.memory_space<vmem>>, vector<1x16xf32>,
        %parallel_loop3A_483 = vector.shape_cast %parallel_loop3A_482 : vector<1x16xf32> to vector<16xf32>
        %parallel_loop3A_484 = vector.shape_cast %parallel_loop3A_478 : vector<16xf32> to vector<1x16xf32>
        tpu.vector_store %arg4[%parallel_loop3A_480, %parallel_loop3A_481], %parallel_loop3A_484 {strides = array<i32>} : memref<8x2048xf32, #tpu.memory_space<vmem>>, vector<1x16xf32>,
        %parallel_loop3A_485 = arith.constant 1 : i32
        %parallel_loop3A_486 = arith.index_cast %parallel_loop3A_485 : i32 to index
        %parallel_loop3A_487 = arith.index_cast %parallel_loop3A_464 : i32 to index
        %parallel_loop3A_488 = tpu.vector_load %arg4[%parallel_loop3A_486, %parallel_loop3A_487] {strides = array<i32>} : memref<8x2048xf32, #tpu.memory_space<vmem>>, vector<1x16xf32>,
        %parallel_loop3A_489 = vector.shape_cast %parallel_loop3A_488 : vector<1x16xf32> to vector<16xf32>
        %parallel_loop3A_490 = arith.constant -1.000000e-01 : f32
        %parallel_loop3A_491 = vector.broadcast %parallel_loop3A_490 : f32 to vector<16xf32>
        %parallel_loop3A_492 = arith.cmpf ogt, %parallel_loop3A_489, %parallel_loop3A_491 : vector<16xf32>
        %parallel_loop3A_493 = arith.constant -1.000000e-01 : f32
        %parallel_loop3A_494 = arith.constant 1.000000e-01 : f32
        %parallel_loop3A_495 = vector.broadcast %parallel_loop3A_493 : f32 to vector<16xf32>
        %parallel_loop3A_496 = vector.broadcast %parallel_loop3A_494 : f32 to vector<16xf32>
        %parallel_loop3A_497 = arith.select %parallel_loop3A_492, %parallel_loop3A_495, %parallel_loop3A_496 : vector<16xi1>, vector<16xf32>
        %parallel_loop3A_498 = arith.addf %parallel_loop3A_489, %parallel_loop3A_497 : vector<16xf32>
        %parallel_loop3A_499 = arith.constant 1 : i32
        %parallel_loop3A_500 = arith.index_cast %parallel_loop3A_499 : i32 to index
        %parallel_loop3A_501 = arith.index_cast %parallel_loop3A_464 : i32 to index
        %parallel_loop3A_502 = tpu.vector_load %arg4[%parallel_loop3A_500, %parallel_loop3A_501] {strides = array<i32>} : memref<8x2048xf32, #tpu.memory_space<vmem>>, vector<1x16xf32>,
        %parallel_loop3A_503 = vector.shape_cast %parallel_loop3A_502 : vector<1x16xf32> to vector<16xf32>
        %parallel_loop3A_504 = vector.shape_cast %parallel_loop3A_498 : vector<16xf32> to vector<1x16xf32>
        tpu.vector_store %arg4[%parallel_loop3A_500, %parallel_loop3A_501], %parallel_loop3A_504 {strides = array<i32>} : memref<8x2048xf32, #tpu.memory_space<vmem>>, vector<1x16xf32>,
        %parallel_loop3A_505 = arith.constant 2 : i32
        %parallel_loop3A_506 = arith.index_cast %parallel_loop3A_505 : i32 to index
        %parallel_loop3A_507 = arith.index_cast %parallel_loop3A_464 : i32 to index
        %parallel_loop3A_508 = tpu.vector_load %arg4[%parallel_loop3A_506, %parallel_loop3A_507] {strides = array<i32>} : memref<8x2048xf32, #tpu.memory_space<vmem>>, vector<1x16xf32>,
        %parallel_loop3A_509 = vector.shape_cast %parallel_loop3A_508 : vector<1x16xf32> to vector<16xf32>
        %parallel_loop3A_510 = arith.constant -1.000000e-01 : f32
        %parallel_loop3A_511 = vector.broadcast %parallel_loop3A_510 : f32 to vector<16xf32>
        %parallel_loop3A_512 = arith.cmpf ogt, %parallel_loop3A_509, %parallel_loop3A_511 : vector<16xf32>
        %parallel_loop3A_513 = arith.constant -1.000000e-01 : f32
        %parallel_loop3A_514 = arith.constant 1.000000e-01 : f32
        %parallel_loop3A_515 = vector.broadcast %parallel_loop3A_513 : f32 to vector<16xf32>
        %parallel_loop3A_516 = vector.broadcast %parallel_loop3A_514 : f32 to vector<16xf32>
        %parallel_loop3A_517 = arith.select %parallel_loop3A_512, %parallel_loop3A_515, %parallel_loop3A_516 : vector<16xi1>, vector<16xf32>
        %parallel_loop3A_518 = arith.addf %parallel_loop3A_509, %parallel_loop3A_517 : vector<16xf32>
        %parallel_loop3A_519 = arith.constant 2 : i32
        %parallel_loop3A_520 = arith.index_cast %parallel_loop3A_519 : i32 to index
        %parallel_loop3A_521 = arith.index_cast %parallel_loop3A_464 : i32 to index
        %parallel_loop3A_522 = tpu.vector_load %arg4[%parallel_loop3A_520, %parallel_loop3A_521] {strides = array<i32>} : memref<8x2048xf32, #tpu.memory_space<vmem>>, vector<1x16xf32>,
        %parallel_loop3A_523 = vector.shape_cast %parallel_loop3A_522 : vector<1x16xf32> to vector<16xf32>
        %parallel_loop3A_524 = vector.shape_cast %parallel_loop3A_518 : vector<16xf32> to vector<1x16xf32>
        tpu.vector_store %arg4[%parallel_loop3A_520, %parallel_loop3A_521], %parallel_loop3A_524 {strides = array<i32>} : memref<8x2048xf32, #tpu.memory_space<vmem>>, vector<1x16xf32>,
        %parallel_loop3A_525 = arith.constant 3 : i32
        %parallel_loop3A_526 = arith.index_cast %parallel_loop3A_525 : i32 to index
        %parallel_loop3A_527 = arith.index_cast %parallel_loop3A_464 : i32 to index
        %parallel_loop3A_528 = tpu.vector_load %arg4[%parallel_loop3A_526, %parallel_loop3A_527] {strides = array<i32>} : memref<8x2048xf32, #tpu.memory_space<vmem>>, vector<1x16xf32>,
        %parallel_loop3A_529 = vector.shape_cast %parallel_loop3A_528 : vector<1x16xf32> to vector<16xf32>
        %parallel_loop3A_530 = arith.constant -1.000000e-01 : f32
        %parallel_loop3A_531 = vector.broadcast %parallel_loop3A_530 : f32 to vector<16xf32>
        %parallel_loop3A_532 = arith.cmpf ogt, %parallel_loop3A_529, %parallel_loop3A_531 : vector<16xf32>
        %parallel_loop3A_533 = arith.constant -1.000000e-01 : f32
        %parallel_loop3A_534 = arith.constant 1.000000e-01 : f32
        %parallel_loop3A_535 = vector.broadcast %parallel_loop3A_533 : f32 to vector<16xf32>
        %parallel_loop3A_536 = vector.broadcast %parallel_loop3A_534 : f32 to vector<16xf32>
        %parallel_loop3A_537 = arith.select %parallel_loop3A_532, %parallel_loop3A_535, %parallel_loop3A_536 : vector<16xi1>, vector<16xf32>
        %parallel_loop3A_538 = arith.addf %parallel_loop3A_529, %parallel_loop3A_537 : vector<16xf32>
        %parallel_loop3A_539 = arith.constant 3 : i32
        %parallel_loop3A_540 = arith.index_cast %parallel_loop3A_539 : i32 to index
        %parallel_loop3A_541 = arith.index_cast %parallel_loop3A_464 : i32 to index
        %parallel_loop3A_542 = tpu.vector_load %arg4[%parallel_loop3A_540, %parallel_loop3A_541] {strides = array<i32>} : memref<8x2048xf32, #tpu.memory_space<vmem>>, vector<1x16xf32>,
        %parallel_loop3A_543 = vector.shape_cast %parallel_loop3A_542 : vector<1x16xf32> to vector<16xf32>
        %parallel_loop3A_544 = vector.shape_cast %parallel_loop3A_538 : vector<16xf32> to vector<1x16xf32>
        tpu.vector_store %arg4[%parallel_loop3A_540, %parallel_loop3A_541], %parallel_loop3A_544 {strides = array<i32>} : memref<8x2048xf32, #tpu.memory_space<vmem>>, vector<1x16xf32>,
        %parallel_loop3A_545 = arith.constant 4 : i32
        %parallel_loop3A_546 = arith.index_cast %parallel_loop3A_545 : i32 to index
        %parallel_loop3A_547 = arith.index_cast %parallel_loop3A_464 : i32 to index
        %parallel_loop3A_548 = tpu.vector_load %arg4[%parallel_loop3A_546, %parallel_loop3A_547] {strides = array<i32>} : memref<8x2048xf32, #tpu.memory_space<vmem>>, vector<1x16xf32>,
        %parallel_loop3A_549 = vector.shape_cast %parallel_loop3A_548 : vector<1x16xf32> to vector<16xf32>
        %parallel_loop3A_550 = arith.constant -1.000000e-01 : f32
        %parallel_loop3A_551 = vector.broadcast %parallel_loop3A_550 : f32 to vector<16xf32>
        %parallel_loop3A_552 = arith.cmpf ogt, %parallel_loop3A_549, %parallel_loop3A_551 : vector<16xf32>
        %parallel_loop3A_553 = arith.constant -1.000000e-01 : f32
        %parallel_loop3A_554 = arith.constant 1.000000e-01 : f32
        %parallel_loop3A_555 = vector.broadcast %parallel_loop3A_553 : f32 to vector<16xf32>
        %parallel_loop3A_556 = vector.broadcast %parallel_loop3A_554 : f32 to vector<16xf32>
        %parallel_loop3A_557 = arith.select %parallel_loop3A_552, %parallel_loop3A_555, %parallel_loop3A_556 : vector<16xi1>, vector<16xf32>
        %parallel_loop3A_558 = arith.addf %parallel_loop3A_549, %parallel_loop3A_557 : vector<16xf32>
        %parallel_loop3A_559 = arith.constant 4 : i32
        %parallel_loop3A_560 = arith.index_cast %parallel_loop3A_559 : i32 to index
        %parallel_loop3A_561 = arith.index_cast %parallel_loop3A_464 : i32 to index
        %parallel_loop3A_562 = tpu.vector_load %arg4[%parallel_loop3A_560, %parallel_loop3A_561] {strides = array<i32>} : memref<8x2048xf32, #tpu.memory_space<vmem>>, vector<1x16xf32>,
        %parallel_loop3A_563 = vector.shape_cast %parallel_loop3A_562 : vector<1x16xf32> to vector<16xf32>
        %parallel_loop3A_564 = vector.shape_cast %parallel_loop3A_558 : vector<16xf32> to vector<1x16xf32>
        tpu.vector_store %arg4[%parallel_loop3A_560, %parallel_loop3A_561], %parallel_loop3A_564 {strides = array<i32>} : memref<8x2048xf32, #tpu.memory_space<vmem>>, vector<1x16xf32>,
        %parallel_loop3A_565 = arith.constant 5 : i32
        %parallel_loop3A_566 = arith.index_cast %parallel_loop3A_565 : i32 to index
        %parallel_loop3A_567 = arith.index_cast %parallel_loop3A_464 : i32 to index
        %parallel_loop3A_568 = tpu.vector_load %arg4[%parallel_loop3A_566, %parallel_loop3A_567] {strides = array<i32>} : memref<8x2048xf32, #tpu.memory_space<vmem>>, vector<1x16xf32>,
        %parallel_loop3A_569 = vector.shape_cast %parallel_loop3A_568 : vector<1x16xf32> to vector<16xf32>
        %parallel_loop3A_570 = arith.constant -1.000000e-01 : f32
        %parallel_loop3A_571 = vector.broadcast %parallel_loop3A_570 : f32 to vector<16xf32>
        %parallel_loop3A_572 = arith.cmpf ogt, %parallel_loop3A_569, %parallel_loop3A_571 : vector<16xf32>
        %parallel_loop3A_573 = arith.constant -1.000000e-01 : f32
        %parallel_loop3A_574 = arith.constant 1.000000e-01 : f32
        %parallel_loop3A_575 = vector.broadcast %parallel_loop3A_573 : f32 to vector<16xf32>
        %parallel_loop3A_576 = vector.broadcast %parallel_loop3A_574 : f32 to vector<16xf32>
        %parallel_loop3A_577 = arith.select %parallel_loop3A_572, %parallel_loop3A_575, %parallel_loop3A_576 : vector<16xi1>, vector<16xf32>
        %parallel_loop3A_578 = arith.addf %parallel_loop3A_569, %parallel_loop3A_577 : vector<16xf32>
        %parallel_loop3A_579 = arith.constant 5 : i32
        %parallel_loop3A_580 = arith.index_cast %parallel_loop3A_579 : i32 to index
        %parallel_loop3A_581 = arith.index_cast %parallel_loop3A_464 : i32 to index
        %parallel_loop3A_582 = tpu.vector_load %arg4[%parallel_loop3A_580, %parallel_loop3A_581] {strides = array<i32>} : memref<8x2048xf32, #tpu.memory_space<vmem>>, vector<1x16xf32>,
        %parallel_loop3A_583 = vector.shape_cast %parallel_loop3A_582 : vector<1x16xf32> to vector<16xf32>
        %parallel_loop3A_584 = vector.shape_cast %parallel_loop3A_578 : vector<16xf32> to vector<1x16xf32>
        tpu.vector_store %arg4[%parallel_loop3A_580, %parallel_loop3A_581], %parallel_loop3A_584 {strides = array<i32>} : memref<8x2048xf32, #tpu.memory_space<vmem>>, vector<1x16xf32>,
        %parallel_loop3A_585 = arith.constant 6 : i32
        %parallel_loop3A_586 = arith.index_cast %parallel_loop3A_585 : i32 to index
        %parallel_loop3A_587 = arith.index_cast %parallel_loop3A_464 : i32 to index
        %parallel_loop3A_588 = tpu.vector_load %arg4[%parallel_loop3A_586, %parallel_loop3A_587] {strides = array<i32>} : memref<8x2048xf32, #tpu.memory_space<vmem>>, vector<1x16xf32>,
        %parallel_loop3A_589 = vector.shape_cast %parallel_loop3A_588 : vector<1x16xf32> to vector<16xf32>
        %parallel_loop3A_590 = arith.constant -1.000000e-01 : f32
        %parallel_loop3A_591 = vector.broadcast %parallel_loop3A_590 : f32 to vector<16xf32>
        %parallel_loop3A_592 = arith.cmpf ogt, %parallel_loop3A_589, %parallel_loop3A_591 : vector<16xf32>
        %parallel_loop3A_593 = arith.constant -1.000000e-01 : f32
        %parallel_loop3A_594 = arith.constant 1.000000e-01 : f32
        %parallel_loop3A_595 = vector.broadcast %parallel_loop3A_593 : f32 to vector<16xf32>
        %parallel_loop3A_596 = vector.broadcast %parallel_loop3A_594 : f32 to vector<16xf32>
        %parallel_loop3A_597 = arith.select %parallel_loop3A_592, %parallel_loop3A_595, %parallel_loop3A_596 : vector<16xi1>, vector<16xf32>
        %parallel_loop3A_598 = arith.addf %parallel_loop3A_589, %parallel_loop3A_597 : vector<16xf32>
        %parallel_loop3A_599 = arith.constant 6 : i32
        %parallel_loop3A_600 = arith.index_cast %parallel_loop3A_599 : i32 to index
        %parallel_loop3A_601 = arith.index_cast %parallel_loop3A_464 : i32 to index
        %parallel_loop3A_602 = tpu.vector_load %arg4[%parallel_loop3A_600, %parallel_loop3A_601] {strides = array<i32>} : memref<8x2048xf32, #tpu.memory_space<vmem>>, vector<1x16xf32>,
        %parallel_loop3A_603 = vector.shape_cast %parallel_loop3A_602 : vector<1x16xf32> to vector<16xf32>
        %parallel_loop3A_604 = vector.shape_cast %parallel_loop3A_598 : vector<16xf32> to vector<1x16xf32>
        tpu.vector_store %arg4[%parallel_loop3A_600, %parallel_loop3A_601], %parallel_loop3A_604 {strides = array<i32>} : memref<8x2048xf32, #tpu.memory_space<vmem>>, vector<1x16xf32>,
        %parallel_loop3A_605 = arith.constant 7 : i32
        %parallel_loop3A_606 = arith.index_cast %parallel_loop3A_605 : i32 to index
        %parallel_loop3A_607 = arith.index_cast %parallel_loop3A_464 : i32 to index
        %parallel_loop3A_608 = tpu.vector_load %arg4[%parallel_loop3A_606, %parallel_loop3A_607] {strides = array<i32>} : memref<8x2048xf32, #tpu.memory_space<vmem>>, vector<1x16xf32>,
        %parallel_loop3A_609 = vector.shape_cast %parallel_loop3A_608 : vector<1x16xf32> to vector<16xf32>
        %parallel_loop3A_610 = arith.constant -1.000000e-01 : f32
        %parallel_loop3A_611 = vector.broadcast %parallel_loop3A_610 : f32 to vector<16xf32>
        %parallel_loop3A_612 = arith.cmpf ogt, %parallel_loop3A_609, %parallel_loop3A_611 : vector<16xf32>
        %parallel_loop3A_613 = arith.constant -1.000000e-01 : f32
        %parallel_loop3A_614 = arith.constant 1.000000e-01 : f32
        %parallel_loop3A_615 = vector.broadcast %parallel_loop3A_613 : f32 to vector<16xf32>
        %parallel_loop3A_616 = vector.broadcast %parallel_loop3A_614 : f32 to vector<16xf32>
        %parallel_loop3A_617 = arith.select %parallel_loop3A_612, %parallel_loop3A_615, %parallel_loop3A_616 : vector<16xi1>, vector<16xf32>
        %parallel_loop3A_618 = arith.addf %parallel_loop3A_609, %parallel_loop3A_617 : vector<16xf32>
        %parallel_loop3A_619 = arith.constant 7 : i32
        %parallel_loop3A_620 = arith.index_cast %parallel_loop3A_619 : i32 to index
        %parallel_loop3A_621 = arith.index_cast %parallel_loop3A_464 : i32 to index
        %parallel_loop3A_622 = tpu.vector_load %arg4[%parallel_loop3A_620, %parallel_loop3A_621] {strides = array<i32>} : memref<8x2048xf32, #tpu.memory_space<vmem>>, vector<1x16xf32>,
        %parallel_loop3A_623 = vector.shape_cast %parallel_loop3A_622 : vector<1x16xf32> to vector<16xf32>
        %parallel_loop3A_624 = vector.shape_cast %parallel_loop3A_618 : vector<16xf32> to vector<1x16xf32>
        tpu.vector_store %arg4[%parallel_loop3A_620, %parallel_loop3A_621], %parallel_loop3A_624 {strides = array<i32>} : memref<8x2048xf32, #tpu.memory_space<vmem>>, vector<1x16xf32>,
      } {sc.loop_unroll_factor = 8 : i64, sc.parallel_access}
      %jit3A_84 = arith.constant 2 : i32
      %div3A_85 = arith.divsi %add3A_35, %jit3A_84 : i32
      %sign3A_86 = arith.constant 0 : i32
      %sign3A_87 = arith.cmpi sgt, %add3A_35, %sign3A_86 : i32
      %sign3A_88 = arith.extui %sign3A_87 : i1 to i32
      %sign3A_89 = arith.constant 0 : i32
      %sign3A_90 = arith.cmpi slt, %add3A_35, %sign3A_89 : i32
      %sign3A_91 = arith.extui %sign3A_90 : i1 to i32
      %sign3A_92 = arith.subi %sign3A_88, %sign3A_91 : i32
      %sign3A_93 = arith.constant 0 : i32
      %sign3A_94 = arith.cmpi sgt, %jit3A_84, %sign3A_93 : i32
      %sign3A_95 = arith.extui %sign3A_94 : i1 to i32
      %sign3A_96 = arith.constant 0 : i32
      %sign3A_97 = arith.cmpi slt, %jit3A_84, %sign3A_96 : i32
      %sign3A_98 = arith.extui %sign3A_97 : i1 to i32
      %sign3A_99 = arith.subi %sign3A_95, %sign3A_98 : i32
      %ne3A_100 = arith.cmpi ne, %sign3A_92, %sign3A_99 : i32
      %rem3A_101 = arith.remsi %add3A_35, %jit3A_84 : i32
      %ne3A_102 = arith.constant 0 : i32
      %ne3A_103 = arith.cmpi ne, %rem3A_101, %ne3A_102 : i32
      %and3A_104 = arith.andi %ne3A_100, %ne3A_103 : i1
      %sub3A_105 = arith.constant 1 : i32
      %sub3A_106 = arith.subi %div3A_85, %sub3A_105 : i32
      %select_n3A_107 = arith.select %and3A_104, %sub3A_106, %div3A_85 : i32
      %mul3A_108 = arith.constant 8 : i32
      %mul3A_109 = arith.muli %select_n3A_107, %mul3A_108 : i32
      %add3A_110 = arith.addi %mul3A_2, %mul3A_109 : i32
      %jit3A_111 = arith.constant 2 : i32
      %eq3A_112 = arith.constant 0 : i32
      %eq3A_113 = arith.cmpi eq, %jit3A_111, %eq3A_112 : i32
      %jit3A_114 = arith.constant 1 : i32
      %select_n3A_115 = arith.select %eq3A_113, %jit3A_114, %jit3A_111 : i32
      %rem3A_116 = arith.remsi %add3A_35, %select_n3A_115 : i32
      %ne3A_117 = arith.constant 0 : i32
      %ne3A_118 = arith.cmpi ne, %rem3A_116, %ne3A_117 : i32
      %lt3A_119 = arith.constant 0 : i32
      %lt3A_120 = arith.cmpi slt, %rem3A_116, %lt3A_119 : i32
      %lt3A_121 = arith.constant 0 : i32
      %lt3A_122 = arith.cmpi slt, %select_n3A_115, %lt3A_121 : i32
      %ne3A_123 = arith.xori %lt3A_120, %lt3A_122 : i1
      %and3A_124 = arith.andi %ne3A_123, %ne3A_118 : i1
      %add3A_125 = arith.addi %rem3A_116, %select_n3A_115 : i32
      %select_n3A_126 = arith.select %and3A_124, %add3A_125, %rem3A_116 : i32
      %mul3A_127 = arith.constant 2048 : i32
      %mul3A_128 = arith.muli %select_n3A_126, %mul3A_127 : i32
      %dma_start3A_129 = tpu.memref_slice %arg3[%add3A_110, %mul3A_128] : memref<16384x4096xf32, #tpu.memory_space<hbm>> -> memref<8x2048xf32, #tpu.memory_space<hbm>>
      %dma_start3A_130 = tpu.memref_slice %arg3[%add3A_110, %mul3A_128] : memref<16384x4096xf32, #tpu.memory_space<hbm>> -> memref<8x2048xf32, #tpu.memory_space<hbm>>
      tpu.enqueue_dma source(%arg4 : memref<8x2048xf32, #tpu.memory_space<vmem>>) target(%dma_start3A_130 : memref<8x2048xf32, #tpu.memory_space<hbm>>) target_semaphore(%arg12 : memref<!tpu.dma_semaphore, #tpu.memory_space<semaphore_mem>>)
      %add3A_131 = arith.constant 1 : i32
      %add3A_132 = arith.addi %add3A_33, %add3A_131 : i32
      %ge3A_133 = arith.constant 2 : i32
      %ge3A_134 = arith.cmpi sge, %add3A_132, %ge3A_133 : i32
      %convert_element_type3A_135 = arith.extui %ge3A_134 : i1 to i32
      %cond3A_136 = arith.constant 0 : i32
      %cond3A_137 = arith.cmpi ne, %convert_element_type3A_135, %cond3A_136 : i32
      scf.if %cond3A_137 {
        %jit3A_464 = arith.constant 2 : i32
        %div3A_465 = arith.divsi %add3A_132, %jit3A_464 : i32
        %sign3A_466 = arith.constant 0 : i32
        %sign3A_467 = arith.cmpi sgt, %add3A_132, %sign3A_466 : i32
        %sign3A_468 = arith.extui %sign3A_467 : i1 to i32
        %sign3A_469 = arith.constant 0 : i32
        %sign3A_470 = arith.cmpi slt, %add3A_132, %sign3A_469 : i32
        %sign3A_471 = arith.extui %sign3A_470 : i1 to i32
        %sign3A_472 = arith.subi %sign3A_468, %sign3A_471 : i32
        %sign3A_473 = arith.constant 0 : i32
        %sign3A_474 = arith.cmpi sgt, %jit3A_464, %sign3A_473 : i32
        %sign3A_475 = arith.extui %sign3A_474 : i1 to i32
        %sign3A_476 = arith.constant 0 : i32
        %sign3A_477 = arith.cmpi slt, %jit3A_464, %sign3A_476 : i32
        %sign3A_478 = arith.extui %sign3A_477 : i1 to i32
        %sign3A_479 = arith.subi %sign3A_475, %sign3A_478 : i32
        %ne3A_480 = arith.cmpi ne, %sign3A_472, %sign3A_479 : i32
        %rem3A_481 = arith.remsi %add3A_132, %jit3A_464 : i32
        %ne3A_482 = arith.constant 0 : i32
        %ne3A_483 = arith.cmpi ne, %rem3A_481, %ne3A_482 : i32
        %and3A_484 = arith.andi %ne3A_480, %ne3A_483 : i1
        %sub3A_485 = arith.constant 1 : i32
        %sub3A_486 = arith.subi %div3A_465, %sub3A_485 : i32
        %select_n3A_487 = arith.select %and3A_484, %sub3A_486, %div3A_465 : i32
        %mul3A_488 = arith.constant 8 : i32
        %mul3A_489 = arith.muli %select_n3A_487, %mul3A_488 : i32
        %add3A_490 = arith.addi %mul3A_2, %mul3A_489 : i32
        %jit3A_491 = arith.constant 2 : i32
        %eq3A_492 = arith.constant 0 : i32
        %eq3A_493 = arith.cmpi eq, %jit3A_491, %eq3A_492 : i32
        %jit3A_494 = arith.constant 1 : i32
        %select_n3A_495 = arith.select %eq3A_493, %jit3A_494, %jit3A_491 : i32
        %rem3A_496 = arith.remsi %add3A_132, %select_n3A_495 : i32
        %ne3A_497 = arith.constant 0 : i32
        %ne3A_498 = arith.cmpi ne, %rem3A_496, %ne3A_497 : i32
        %lt3A_499 = arith.constant 0 : i32
        %lt3A_500 = arith.cmpi slt, %rem3A_496, %lt3A_499 : i32
        %lt3A_501 = arith.constant 0 : i32
        %lt3A_502 = arith.cmpi slt, %select_n3A_495, %lt3A_501 : i32
        %ne3A_503 = arith.xori %lt3A_500, %lt3A_502 : i1
        %and3A_504 = arith.andi %ne3A_503, %ne3A_498 : i1
        %add3A_505 = arith.addi %rem3A_496, %select_n3A_495 : i32
        %select_n3A_506 = arith.select %and3A_504, %add3A_505, %rem3A_496 : i32
        %mul3A_507 = arith.constant 2048 : i32
        %mul3A_508 = arith.muli %select_n3A_506, %mul3A_507 : i32
        %dma_wait3A_509 = tpu.memref_slice %arg3[%add3A_490, %mul3A_508] : memref<16384x4096xf32, #tpu.memory_space<hbm>> -> memref<8x2048xf32, #tpu.memory_space<hbm>>
        %dma_wait3A_510 = tpu.memref_slice %arg3[%add3A_490, %mul3A_508] : memref<16384x4096xf32, #tpu.memory_space<hbm>> -> memref<8x2048xf32, #tpu.memory_space<hbm>>
        tpu.wait_dma2 semaphore(%arg15 : memref<!tpu.dma_semaphore, #tpu.memory_space<semaphore_mem>>) src(%arg7 : memref<8x2048xf32, #tpu.memory_space<vmem>>) dst(%dma_wait3A_510 : memref<8x2048xf32, #tpu.memory_space<hbm>>)
      } else {
      }
      %add3A_138 = arith.constant 2 : i32
      %add3A_139 = arith.addi %add3A_132, %add3A_138 : i32
      %lt3A_140 = arith.constant 128 : i32
      %lt3A_141 = arith.cmpi slt, %add3A_139, %lt3A_140 : i32
      %convert_element_type3A_142 = arith.extui %lt3A_141 : i1 to i32
      %cond3A_143 = arith.constant 0 : i32
      %cond3A_144 = arith.cmpi ne, %convert_element_type3A_142, %cond3A_143 : i32
      scf.if %cond3A_144 {
        %add3A_464 = arith.constant 2 : i32
        %add3A_465 = arith.addi %add3A_132, %add3A_464 : i32
        %jit3A_466 = arith.constant 2 : i32
        %div3A_467 = arith.divsi %add3A_465, %jit3A_466 : i32
        %sign3A_468 = arith.constant 0 : i32
        %sign3A_469 = arith.cmpi sgt, %add3A_465, %sign3A_468 : i32
        %sign3A_470 = arith.extui %sign3A_469 : i1 to i32
        %sign3A_471 = arith.constant 0 : i32
        %sign3A_472 = arith.cmpi slt, %add3A_465, %sign3A_471 : i32
        %sign3A_473 = arith.extui %sign3A_472 : i1 to i32
        %sign3A_474 = arith.subi %sign3A_470, %sign3A_473 : i32
        %sign3A_475 = arith.constant 0 : i32
        %sign3A_476 = arith.cmpi sgt, %jit3A_466, %sign3A_475 : i32
        %sign3A_477 = arith.extui %sign3A_476 : i1 to i32
        %sign3A_478 = arith.constant 0 : i32
        %sign3A_479 = arith.cmpi slt, %jit3A_466, %sign3A_478 : i32
        %sign3A_480 = arith.extui %sign3A_479 : i1 to i32
        %sign3A_481 = arith.subi %sign3A_477, %sign3A_480 : i32
        %ne3A_482 = arith.cmpi ne, %sign3A_474, %sign3A_481 : i32
        %rem3A_483 = arith.remsi %add3A_465, %jit3A_466 : i32
        %ne3A_484 = arith.constant 0 : i32
        %ne3A_485 = arith.cmpi ne, %rem3A_483, %ne3A_484 : i32
        %and3A_486 = arith.andi %ne3A_482, %ne3A_485 : i1
        %sub3A_487 = arith.constant 1 : i32
        %sub3A_488 = arith.subi %div3A_467, %sub3A_487 : i32
        %select_n3A_489 = arith.select %and3A_486, %sub3A_488, %div3A_467 : i32
        %mul3A_490 = arith.constant 8 : i32
        %mul3A_491 = arith.muli %select_n3A_489, %mul3A_490 : i32
        %add3A_492 = arith.addi %mul3A_2, %mul3A_491 : i32
        %jit3A_493 = arith.constant 2 : i32
        %eq3A_494 = arith.constant 0 : i32
        %eq3A_495 = arith.cmpi eq, %jit3A_493, %eq3A_494 : i32
        %jit3A_496 = arith.constant 1 : i32
        %select_n3A_497 = arith.select %eq3A_495, %jit3A_496, %jit3A_493 : i32
        %rem3A_498 = arith.remsi %add3A_465, %select_n3A_497 : i32
        %ne3A_499 = arith.constant 0 : i32
        %ne3A_500 = arith.cmpi ne, %rem3A_498, %ne3A_499 : i32
        %lt3A_501 = arith.constant 0 : i32
        %lt3A_502 = arith.cmpi slt, %rem3A_498, %lt3A_501 : i32
        %lt3A_503 = arith.constant 0 : i32
        %lt3A_504 = arith.cmpi slt, %select_n3A_497, %lt3A_503 : i32
        %ne3A_505 = arith.xori %lt3A_502, %lt3A_504 : i1
        %and3A_506 = arith.andi %ne3A_505, %ne3A_500 : i1
        %add3A_507 = arith.addi %rem3A_498, %select_n3A_497 : i32
        %select_n3A_508 = arith.select %and3A_506, %add3A_507, %rem3A_498 : i32
        %mul3A_509 = arith.constant 2048 : i32
        %mul3A_510 = arith.muli %select_n3A_508, %mul3A_509 : i32
        %dma_start3A_511 = tpu.memref_slice %arg2[%add3A_492, %mul3A_510] : memref<16384x4096xf32, #tpu.memory_space<hbm>> -> memref<8x2048xf32, #tpu.memory_space<hbm>>
        %dma_start3A_512 = tpu.memref_slice %arg2[%add3A_492, %mul3A_510] : memref<16384x4096xf32, #tpu.memory_space<hbm>> -> memref<8x2048xf32, #tpu.memory_space<hbm>>
        tpu.enqueue_dma source(%dma_start3A_512 : memref<8x2048xf32, #tpu.memory_space<hbm>>) target(%arg7 : memref<8x2048xf32, #tpu.memory_space<vmem>>) target_semaphore(%arg11 : memref<!tpu.dma_semaphore, #tpu.memory_space<semaphore_mem>>)
      } else {
      }
      %jit3A_145 = arith.constant 2 : i32
      %div3A_146 = arith.divsi %add3A_132, %jit3A_145 : i32
      %sign3A_147 = arith.constant 0 : i32
      %sign3A_148 = arith.cmpi sgt, %add3A_132, %sign3A_147 : i32
      %sign3A_149 = arith.extui %sign3A_148 : i1 to i32
      %sign3A_150 = arith.constant 0 : i32
      %sign3A_151 = arith.cmpi slt, %add3A_132, %sign3A_150 : i32
      %sign3A_152 = arith.extui %sign3A_151 : i1 to i32
      %sign3A_153 = arith.subi %sign3A_149, %sign3A_152 : i32
      %sign3A_154 = arith.constant 0 : i32
      %sign3A_155 = arith.cmpi sgt, %jit3A_145, %sign3A_154 : i32
      %sign3A_156 = arith.extui %sign3A_155 : i1 to i32
      %sign3A_157 = arith.constant 0 : i32
      %sign3A_158 = arith.cmpi slt, %jit3A_145, %sign3A_157 : i32
      %sign3A_159 = arith.extui %sign3A_158 : i1 to i32
      %sign3A_160 = arith.subi %sign3A_156, %sign3A_159 : i32
      %ne3A_161 = arith.cmpi ne, %sign3A_153, %sign3A_160 : i32
      %rem3A_162 = arith.remsi %add3A_132, %jit3A_145 : i32
      %ne3A_163 = arith.constant 0 : i32
      %ne3A_164 = arith.cmpi ne, %rem3A_162, %ne3A_163 : i32
      %and3A_165 = arith.andi %ne3A_161, %ne3A_164 : i1
      %sub3A_166 = arith.constant 1 : i32
      %sub3A_167 = arith.subi %div3A_146, %sub3A_166 : i32
      %select_n3A_168 = arith.select %and3A_165, %sub3A_167, %div3A_146 : i32
      %mul3A_169 = arith.constant 8 : i32
      %mul3A_170 = arith.muli %select_n3A_168, %mul3A_169 : i32
      %add3A_171 = arith.addi %mul3A_2, %mul3A_170 : i32
      %jit3A_172 = arith.constant 2 : i32
      %eq3A_173 = arith.constant 0 : i32
      %eq3A_174 = arith.cmpi eq, %jit3A_172, %eq3A_173 : i32
      %jit3A_175 = arith.constant 1 : i32
      %select_n3A_176 = arith.select %eq3A_174, %jit3A_175, %jit3A_172 : i32
      %rem3A_177 = arith.remsi %add3A_132, %select_n3A_176 : i32
      %ne3A_178 = arith.constant 0 : i32
      %ne3A_179 = arith.cmpi ne, %rem3A_177, %ne3A_178 : i32
      %lt3A_180 = arith.constant 0 : i32
      %lt3A_181 = arith.cmpi slt, %rem3A_177, %lt3A_180 : i32
      %lt3A_182 = arith.constant 0 : i32
      %lt3A_183 = arith.cmpi slt, %select_n3A_176, %lt3A_182 : i32
      %ne3A_184 = arith.xori %lt3A_181, %lt3A_183 : i1
      %and3A_185 = arith.andi %ne3A_184, %ne3A_179 : i1
      %add3A_186 = arith.addi %rem3A_177, %select_n3A_176 : i32
      %select_n3A_187 = arith.select %and3A_185, %add3A_186, %rem3A_177 : i32
      %mul3A_188 = arith.constant 2048 : i32
      %mul3A_189 = arith.muli %select_n3A_187, %mul3A_188 : i32
      %dma_wait3A_190 = tpu.memref_slice %arg2[%add3A_171, %mul3A_189] : memref<16384x4096xf32, #tpu.memory_space<hbm>> -> memref<8x2048xf32, #tpu.memory_space<hbm>>
      %dma_wait3A_191 = tpu.memref_slice %arg2[%add3A_171, %mul3A_189] : memref<16384x4096xf32, #tpu.memory_space<hbm>> -> memref<8x2048xf32, #tpu.memory_space<hbm>>
      tpu.wait_dma2 semaphore(%arg9 : memref<!tpu.dma_semaphore, #tpu.memory_space<semaphore_mem>>) src(%dma_wait3A_191 : memref<8x2048xf32, #tpu.memory_space<hbm>>) dst(%arg5 : memref<8x2048xf32, #tpu.memory_space<vmem>>)
      %parallel_loop3A_192 = arith.constant 0 : i32
      %parallel_loop3A_193 = arith.constant 2048 : i32
      %parallel_loop3A_194 = arith.constant 16 : i32
      scf.for %parallel_loop3A_464 = %parallel_loop3A_192 to %parallel_loop3A_193 step %parallel_loop3A_194  : i32 {
        %parallel_loop3A_465 = arith.constant 0 : i32
        %parallel_loop3A_466 = arith.index_cast %parallel_loop3A_465 : i32 to index
        %parallel_loop3A_467 = arith.index_cast %parallel_loop3A_464 : i32 to index
        %parallel_loop3A_468 = tpu.vector_load %arg5[%parallel_loop3A_466, %parallel_loop3A_467] {strides = array<i32>} : memref<8x2048xf32, #tpu.memory_space<vmem>>, vector<1x16xf32>,
        %parallel_loop3A_469 = vector.shape_cast %parallel_loop3A_468 : vector<1x16xf32> to vector<16xf32>
        %parallel_loop3A_470 = arith.constant -1.000000e-01 : f32
        %parallel_loop3A_471 = vector.broadcast %parallel_loop3A_470 : f32 to vector<16xf32>
        %parallel_loop3A_472 = arith.cmpf ogt, %parallel_loop3A_469, %parallel_loop3A_471 : vector<16xf32>
        %parallel_loop3A_473 = arith.constant -1.000000e-01 : f32
        %parallel_loop3A_474 = arith.constant 1.000000e-01 : f32
        %parallel_loop3A_475 = vector.broadcast %parallel_loop3A_473 : f32 to vector<16xf32>
        %parallel_loop3A_476 = vector.broadcast %parallel_loop3A_474 : f32 to vector<16xf32>
        %parallel_loop3A_477 = arith.select %parallel_loop3A_472, %parallel_loop3A_475, %parallel_loop3A_476 : vector<16xi1>, vector<16xf32>
        %parallel_loop3A_478 = arith.addf %parallel_loop3A_469, %parallel_loop3A_477 : vector<16xf32>
        %parallel_loop3A_479 = arith.constant 0 : i32
        %parallel_loop3A_480 = arith.index_cast %parallel_loop3A_479 : i32 to index
        %parallel_loop3A_481 = arith.index_cast %parallel_loop3A_464 : i32 to index
        %parallel_loop3A_482 = tpu.vector_load %arg5[%parallel_loop3A_480, %parallel_loop3A_481] {strides = array<i32>} : memref<8x2048xf32, #tpu.memory_space<vmem>>, vector<1x16xf32>,
        %parallel_loop3A_483 = vector.shape_cast %parallel_loop3A_482 : vector<1x16xf32> to vector<16xf32>
        %parallel_loop3A_484 = vector.shape_cast %parallel_loop3A_478 : vector<16xf32> to vector<1x16xf32>
        tpu.vector_store %arg5[%parallel_loop3A_480, %parallel_loop3A_481], %parallel_loop3A_484 {strides = array<i32>} : memref<8x2048xf32, #tpu.memory_space<vmem>>, vector<1x16xf32>,
        %parallel_loop3A_485 = arith.constant 1 : i32
        %parallel_loop3A_486 = arith.index_cast %parallel_loop3A_485 : i32 to index
        %parallel_loop3A_487 = arith.index_cast %parallel_loop3A_464 : i32 to index
        %parallel_loop3A_488 = tpu.vector_load %arg5[%parallel_loop3A_486, %parallel_loop3A_487] {strides = array<i32>} : memref<8x2048xf32, #tpu.memory_space<vmem>>, vector<1x16xf32>,
        %parallel_loop3A_489 = vector.shape_cast %parallel_loop3A_488 : vector<1x16xf32> to vector<16xf32>
        %parallel_loop3A_490 = arith.constant -1.000000e-01 : f32
        %parallel_loop3A_491 = vector.broadcast %parallel_loop3A_490 : f32 to vector<16xf32>
        %parallel_loop3A_492 = arith.cmpf ogt, %parallel_loop3A_489, %parallel_loop3A_491 : vector<16xf32>
        %parallel_loop3A_493 = arith.constant -1.000000e-01 : f32
        %parallel_loop3A_494 = arith.constant 1.000000e-01 : f32
        %parallel_loop3A_495 = vector.broadcast %parallel_loop3A_493 : f32 to vector<16xf32>
        %parallel_loop3A_496 = vector.broadcast %parallel_loop3A_494 : f32 to vector<16xf32>
        %parallel_loop3A_497 = arith.select %parallel_loop3A_492, %parallel_loop3A_495, %parallel_loop3A_496 : vector<16xi1>, vector<16xf32>
        %parallel_loop3A_498 = arith.addf %parallel_loop3A_489, %parallel_loop3A_497 : vector<16xf32>
        %parallel_loop3A_499 = arith.constant 1 : i32
        %parallel_loop3A_500 = arith.index_cast %parallel_loop3A_499 : i32 to index
        %parallel_loop3A_501 = arith.index_cast %parallel_loop3A_464 : i32 to index
        %parallel_loop3A_502 = tpu.vector_load %arg5[%parallel_loop3A_500, %parallel_loop3A_501] {strides = array<i32>} : memref<8x2048xf32, #tpu.memory_space<vmem>>, vector<1x16xf32>,
        %parallel_loop3A_503 = vector.shape_cast %parallel_loop3A_502 : vector<1x16xf32> to vector<16xf32>
        %parallel_loop3A_504 = vector.shape_cast %parallel_loop3A_498 : vector<16xf32> to vector<1x16xf32>
        tpu.vector_store %arg5[%parallel_loop3A_500, %parallel_loop3A_501], %parallel_loop3A_504 {strides = array<i32>} : memref<8x2048xf32, #tpu.memory_space<vmem>>, vector<1x16xf32>,
        %parallel_loop3A_505 = arith.constant 2 : i32
        %parallel_loop3A_506 = arith.index_cast %parallel_loop3A_505 : i32 to index
        %parallel_loop3A_507 = arith.index_cast %parallel_loop3A_464 : i32 to index
        %parallel_loop3A_508 = tpu.vector_load %arg5[%parallel_loop3A_506, %parallel_loop3A_507] {strides = array<i32>} : memref<8x2048xf32, #tpu.memory_space<vmem>>, vector<1x16xf32>,
        %parallel_loop3A_509 = vector.shape_cast %parallel_loop3A_508 : vector<1x16xf32> to vector<16xf32>
        %parallel_loop3A_510 = arith.constant -1.000000e-01 : f32
        %parallel_loop3A_511 = vector.broadcast %parallel_loop3A_510 : f32 to vector<16xf32>
        %parallel_loop3A_512 = arith.cmpf ogt, %parallel_loop3A_509, %parallel_loop3A_511 : vector<16xf32>
        %parallel_loop3A_513 = arith.constant -1.000000e-01 : f32
        %parallel_loop3A_514 = arith.constant 1.000000e-01 : f32
        %parallel_loop3A_515 = vector.broadcast %parallel_loop3A_513 : f32 to vector<16xf32>
        %parallel_loop3A_516 = vector.broadcast %parallel_loop3A_514 : f32 to vector<16xf32>
        %parallel_loop3A_517 = arith.select %parallel_loop3A_512, %parallel_loop3A_515, %parallel_loop3A_516 : vector<16xi1>, vector<16xf32>
        %parallel_loop3A_518 = arith.addf %parallel_loop3A_509, %parallel_loop3A_517 : vector<16xf32>
        %parallel_loop3A_519 = arith.constant 2 : i32
        %parallel_loop3A_520 = arith.index_cast %parallel_loop3A_519 : i32 to index
        %parallel_loop3A_521 = arith.index_cast %parallel_loop3A_464 : i32 to index
        %parallel_loop3A_522 = tpu.vector_load %arg5[%parallel_loop3A_520, %parallel_loop3A_521] {strides = array<i32>} : memref<8x2048xf32, #tpu.memory_space<vmem>>, vector<1x16xf32>,
        %parallel_loop3A_523 = vector.shape_cast %parallel_loop3A_522 : vector<1x16xf32> to vector<16xf32>
        %parallel_loop3A_524 = vector.shape_cast %parallel_loop3A_518 : vector<16xf32> to vector<1x16xf32>
        tpu.vector_store %arg5[%parallel_loop3A_520, %parallel_loop3A_521], %parallel_loop3A_524 {strides = array<i32>} : memref<8x2048xf32, #tpu.memory_space<vmem>>, vector<1x16xf32>,
        %parallel_loop3A_525 = arith.constant 3 : i32
        %parallel_loop3A_526 = arith.index_cast %parallel_loop3A_525 : i32 to index
        %parallel_loop3A_527 = arith.index_cast %parallel_loop3A_464 : i32 to index
        %parallel_loop3A_528 = tpu.vector_load %arg5[%parallel_loop3A_526, %parallel_loop3A_527] {strides = array<i32>} : memref<8x2048xf32, #tpu.memory_space<vmem>>, vector<1x16xf32>,
        %parallel_loop3A_529 = vector.shape_cast %parallel_loop3A_528 : vector<1x16xf32> to vector<16xf32>
        %parallel_loop3A_530 = arith.constant -1.000000e-01 : f32
        %parallel_loop3A_531 = vector.broadcast %parallel_loop3A_530 : f32 to vector<16xf32>
        %parallel_loop3A_532 = arith.cmpf ogt, %parallel_loop3A_529, %parallel_loop3A_531 : vector<16xf32>
        %parallel_loop3A_533 = arith.constant -1.000000e-01 : f32
        %parallel_loop3A_534 = arith.constant 1.000000e-01 : f32
        %parallel_loop3A_535 = vector.broadcast %parallel_loop3A_533 : f32 to vector<16xf32>
        %parallel_loop3A_536 = vector.broadcast %parallel_loop3A_534 : f32 to vector<16xf32>
        %parallel_loop3A_537 = arith.select %parallel_loop3A_532, %parallel_loop3A_535, %parallel_loop3A_536 : vector<16xi1>, vector<16xf32>
        %parallel_loop3A_538 = arith.addf %parallel_loop3A_529, %parallel_loop3A_537 : vector<16xf32>
        %parallel_loop3A_539 = arith.constant 3 : i32
        %parallel_loop3A_540 = arith.index_cast %parallel_loop3A_539 : i32 to index
        %parallel_loop3A_541 = arith.index_cast %parallel_loop3A_464 : i32 to index
        %parallel_loop3A_542 = tpu.vector_load %arg5[%parallel_loop3A_540, %parallel_loop3A_541] {strides = array<i32>} : memref<8x2048xf32, #tpu.memory_space<vmem>>, vector<1x16xf32>,
        %parallel_loop3A_543 = vector.shape_cast %parallel_loop3A_542 : vector<1x16xf32> to vector<16xf32>
        %parallel_loop3A_544 = vector.shape_cast %parallel_loop3A_538 : vector<16xf32> to vector<1x16xf32>
        tpu.vector_store %arg5[%parallel_loop3A_540, %parallel_loop3A_541], %parallel_loop3A_544 {strides = array<i32>} : memref<8x2048xf32, #tpu.memory_space<vmem>>, vector<1x16xf32>,
        %parallel_loop3A_545 = arith.constant 4 : i32
        %parallel_loop3A_546 = arith.index_cast %parallel_loop3A_545 : i32 to index
        %parallel_loop3A_547 = arith.index_cast %parallel_loop3A_464 : i32 to index
        %parallel_loop3A_548 = tpu.vector_load %arg5[%parallel_loop3A_546, %parallel_loop3A_547] {strides = array<i32>} : memref<8x2048xf32, #tpu.memory_space<vmem>>, vector<1x16xf32>,
        %parallel_loop3A_549 = vector.shape_cast %parallel_loop3A_548 : vector<1x16xf32> to vector<16xf32>
        %parallel_loop3A_550 = arith.constant -1.000000e-01 : f32
        %parallel_loop3A_551 = vector.broadcast %parallel_loop3A_550 : f32 to vector<16xf32>
        %parallel_loop3A_552 = arith.cmpf ogt, %parallel_loop3A_549, %parallel_loop3A_551 : vector<16xf32>
        %parallel_loop3A_553 = arith.constant -1.000000e-01 : f32
        %parallel_loop3A_554 = arith.constant 1.000000e-01 : f32
        %parallel_loop3A_555 = vector.broadcast %parallel_loop3A_553 : f32 to vector<16xf32>
        %parallel_loop3A_556 = vector.broadcast %parallel_loop3A_554 : f32 to vector<16xf32>
        %parallel_loop3A_557 = arith.select %parallel_loop3A_552, %parallel_loop3A_555, %parallel_loop3A_556 : vector<16xi1>, vector<16xf32>
        %parallel_loop3A_558 = arith.addf %parallel_loop3A_549, %parallel_loop3A_557 : vector<16xf32>
        %parallel_loop3A_559 = arith.constant 4 : i32
        %parallel_loop3A_560 = arith.index_cast %parallel_loop3A_559 : i32 to index
        %parallel_loop3A_561 = arith.index_cast %parallel_loop3A_464 : i32 to index
        %parallel_loop3A_562 = tpu.vector_load %arg5[%parallel_loop3A_560, %parallel_loop3A_561] {strides = array<i32>} : memref<8x2048xf32, #tpu.memory_space<vmem>>, vector<1x16xf32>,
        %parallel_loop3A_563 = vector.shape_cast %parallel_loop3A_562 : vector<1x16xf32> to vector<16xf32>
        %parallel_loop3A_564 = vector.shape_cast %parallel_loop3A_558 : vector<16xf32> to vector<1x16xf32>
        tpu.vector_store %arg5[%parallel_loop3A_560, %parallel_loop3A_561], %parallel_loop3A_564 {strides = array<i32>} : memref<8x2048xf32, #tpu.memory_space<vmem>>, vector<1x16xf32>,
        %parallel_loop3A_565 = arith.constant 5 : i32
        %parallel_loop3A_566 = arith.index_cast %parallel_loop3A_565 : i32 to index
        %parallel_loop3A_567 = arith.index_cast %parallel_loop3A_464 : i32 to index
        %parallel_loop3A_568 = tpu.vector_load %arg5[%parallel_loop3A_566, %parallel_loop3A_567] {strides = array<i32>} : memref<8x2048xf32, #tpu.memory_space<vmem>>, vector<1x16xf32>,
        %parallel_loop3A_569 = vector.shape_cast %parallel_loop3A_568 : vector<1x16xf32> to vector<16xf32>
        %parallel_loop3A_570 = arith.constant -1.000000e-01 : f32
        %parallel_loop3A_571 = vector.broadcast %parallel_loop3A_570 : f32 to vector<16xf32>
        %parallel_loop3A_572 = arith.cmpf ogt, %parallel_loop3A_569, %parallel_loop3A_571 : vector<16xf32>
        %parallel_loop3A_573 = arith.constant -1.000000e-01 : f32
        %parallel_loop3A_574 = arith.constant 1.000000e-01 : f32
        %parallel_loop3A_575 = vector.broadcast %parallel_loop3A_573 : f32 to vector<16xf32>
        %parallel_loop3A_576 = vector.broadcast %parallel_loop3A_574 : f32 to vector<16xf32>
        %parallel_loop3A_577 = arith.select %parallel_loop3A_572, %parallel_loop3A_575, %parallel_loop3A_576 : vector<16xi1>, vector<16xf32>
        %parallel_loop3A_578 = arith.addf %parallel_loop3A_569, %parallel_loop3A_577 : vector<16xf32>
        %parallel_loop3A_579 = arith.constant 5 : i32
        %parallel_loop3A_580 = arith.index_cast %parallel_loop3A_579 : i32 to index
        %parallel_loop3A_581 = arith.index_cast %parallel_loop3A_464 : i32 to index
        %parallel_loop3A_582 = tpu.vector_load %arg5[%parallel_loop3A_580, %parallel_loop3A_581] {strides = array<i32>} : memref<8x2048xf32, #tpu.memory_space<vmem>>, vector<1x16xf32>,
        %parallel_loop3A_583 = vector.shape_cast %parallel_loop3A_582 : vector<1x16xf32> to vector<16xf32>
        %parallel_loop3A_584 = vector.shape_cast %parallel_loop3A_578 : vector<16xf32> to vector<1x16xf32>
        tpu.vector_store %arg5[%parallel_loop3A_580, %parallel_loop3A_581], %parallel_loop3A_584 {strides = array<i32>} : memref<8x2048xf32, #tpu.memory_space<vmem>>, vector<1x16xf32>,
        %parallel_loop3A_585 = arith.constant 6 : i32
        %parallel_loop3A_586 = arith.index_cast %parallel_loop3A_585 : i32 to index
        %parallel_loop3A_587 = arith.index_cast %parallel_loop3A_464 : i32 to index
        %parallel_loop3A_588 = tpu.vector_load %arg5[%parallel_loop3A_586, %parallel_loop3A_587] {strides = array<i32>} : memref<8x2048xf32, #tpu.memory_space<vmem>>, vector<1x16xf32>,
        %parallel_loop3A_589 = vector.shape_cast %parallel_loop3A_588 : vector<1x16xf32> to vector<16xf32>
        %parallel_loop3A_590 = arith.constant -1.000000e-01 : f32
        %parallel_loop3A_591 = vector.broadcast %parallel_loop3A_590 : f32 to vector<16xf32>
        %parallel_loop3A_592 = arith.cmpf ogt, %parallel_loop3A_589, %parallel_loop3A_591 : vector<16xf32>
        %parallel_loop3A_593 = arith.constant -1.000000e-01 : f32
        %parallel_loop3A_594 = arith.constant 1.000000e-01 : f32
        %parallel_loop3A_595 = vector.broadcast %parallel_loop3A_593 : f32 to vector<16xf32>
        %parallel_loop3A_596 = vector.broadcast %parallel_loop3A_594 : f32 to vector<16xf32>
        %parallel_loop3A_597 = arith.select %parallel_loop3A_592, %parallel_loop3A_595, %parallel_loop3A_596 : vector<16xi1>, vector<16xf32>
        %parallel_loop3A_598 = arith.addf %parallel_loop3A_589, %parallel_loop3A_597 : vector<16xf32>
        %parallel_loop3A_599 = arith.constant 6 : i32
        %parallel_loop3A_600 = arith.index_cast %parallel_loop3A_599 : i32 to index
        %parallel_loop3A_601 = arith.index_cast %parallel_loop3A_464 : i32 to index
        %parallel_loop3A_602 = tpu.vector_load %arg5[%parallel_loop3A_600, %parallel_loop3A_601] {strides = array<i32>} : memref<8x2048xf32, #tpu.memory_space<vmem>>, vector<1x16xf32>,
        %parallel_loop3A_603 = vector.shape_cast %parallel_loop3A_602 : vector<1x16xf32> to vector<16xf32>
        %parallel_loop3A_604 = vector.shape_cast %parallel_loop3A_598 : vector<16xf32> to vector<1x16xf32>
        tpu.vector_store %arg5[%parallel_loop3A_600, %parallel_loop3A_601], %parallel_loop3A_604 {strides = array<i32>} : memref<8x2048xf32, #tpu.memory_space<vmem>>, vector<1x16xf32>,
        %parallel_loop3A_605 = arith.constant 7 : i32
        %parallel_loop3A_606 = arith.index_cast %parallel_loop3A_605 : i32 to index
        %parallel_loop3A_607 = arith.index_cast %parallel_loop3A_464 : i32 to index
        %parallel_loop3A_608 = tpu.vector_load %arg5[%parallel_loop3A_606, %parallel_loop3A_607] {strides = array<i32>} : memref<8x2048xf32, #tpu.memory_space<vmem>>, vector<1x16xf32>,
        %parallel_loop3A_609 = vector.shape_cast %parallel_loop3A_608 : vector<1x16xf32> to vector<16xf32>
        %parallel_loop3A_610 = arith.constant -1.000000e-01 : f32
        %parallel_loop3A_611 = vector.broadcast %parallel_loop3A_610 : f32 to vector<16xf32>
        %parallel_loop3A_612 = arith.cmpf ogt, %parallel_loop3A_609, %parallel_loop3A_611 : vector<16xf32>
        %parallel_loop3A_613 = arith.constant -1.000000e-01 : f32
        %parallel_loop3A_614 = arith.constant 1.000000e-01 : f32
        %parallel_loop3A_615 = vector.broadcast %parallel_loop3A_613 : f32 to vector<16xf32>
        %parallel_loop3A_616 = vector.broadcast %parallel_loop3A_614 : f32 to vector<16xf32>
        %parallel_loop3A_617 = arith.select %parallel_loop3A_612, %parallel_loop3A_615, %parallel_loop3A_616 : vector<16xi1>, vector<16xf32>
        %parallel_loop3A_618 = arith.addf %parallel_loop3A_609, %parallel_loop3A_617 : vector<16xf32>
        %parallel_loop3A_619 = arith.constant 7 : i32
        %parallel_loop3A_620 = arith.index_cast %parallel_loop3A_619 : i32 to index
        %parallel_loop3A_621 = arith.index_cast %parallel_loop3A_464 : i32 to index
        %parallel_loop3A_622 = tpu.vector_load %arg5[%parallel_loop3A_620, %parallel_loop3A_621] {strides = array<i32>} : memref<8x2048xf32, #tpu.memory_space<vmem>>, vector<1x16xf32>,
        %parallel_loop3A_623 = vector.shape_cast %parallel_loop3A_622 : vector<1x16xf32> to vector<16xf32>
        %parallel_loop3A_624 = vector.shape_cast %parallel_loop3A_618 : vector<16xf32> to vector<1x16xf32>
        tpu.vector_store %arg5[%parallel_loop3A_620, %parallel_loop3A_621], %parallel_loop3A_624 {strides = array<i32>} : memref<8x2048xf32, #tpu.memory_space<vmem>>, vector<1x16xf32>,
      } {sc.loop_unroll_factor = 8 : i64, sc.parallel_access}
      %jit3A_195 = arith.constant 2 : i32
      %div3A_196 = arith.divsi %add3A_132, %jit3A_195 : i32
      %sign3A_197 = arith.constant 0 : i32
      %sign3A_198 = arith.cmpi sgt, %add3A_132, %sign3A_197 : i32
      %sign3A_199 = arith.extui %sign3A_198 : i1 to i32
      %sign3A_200 = arith.constant 0 : i32
      %sign3A_201 = arith.cmpi slt, %add3A_132, %sign3A_200 : i32
      %sign3A_202 = arith.extui %sign3A_201 : i1 to i32
      %sign3A_203 = arith.subi %sign3A_199, %sign3A_202 : i32
      %sign3A_204 = arith.constant 0 : i32
      %sign3A_205 = arith.cmpi sgt, %jit3A_195, %sign3A_204 : i32
      %sign3A_206 = arith.extui %sign3A_205 : i1 to i32
      %sign3A_207 = arith.constant 0 : i32
      %sign3A_208 = arith.cmpi slt, %jit3A_195, %sign3A_207 : i32
      %sign3A_209 = arith.extui %sign3A_208 : i1 to i32
      %sign3A_210 = arith.subi %sign3A_206, %sign3A_209 : i32
      %ne3A_211 = arith.cmpi ne, %sign3A_203, %sign3A_210 : i32
      %rem3A_212 = arith.remsi %add3A_132, %jit3A_195 : i32
      %ne3A_213 = arith.constant 0 : i32
      %ne3A_214 = arith.cmpi ne, %rem3A_212, %ne3A_213 : i32
      %and3A_215 = arith.andi %ne3A_211, %ne3A_214 : i1
      %sub3A_216 = arith.constant 1 : i32
      %sub3A_217 = arith.subi %div3A_196, %sub3A_216 : i32
      %select_n3A_218 = arith.select %and3A_215, %sub3A_217, %div3A_196 : i32
      %mul3A_219 = arith.constant 8 : i32
      %mul3A_220 = arith.muli %select_n3A_218, %mul3A_219 : i32
      %add3A_221 = arith.addi %mul3A_2, %mul3A_220 : i32
      %jit3A_222 = arith.constant 2 : i32
      %eq3A_223 = arith.constant 0 : i32
      %eq3A_224 = arith.cmpi eq, %jit3A_222, %eq3A_223 : i32
      %jit3A_225 = arith.constant 1 : i32
      %select_n3A_226 = arith.select %eq3A_224, %jit3A_225, %jit3A_222 : i32
      %rem3A_227 = arith.remsi %add3A_132, %select_n3A_226 : i32
      %ne3A_228 = arith.constant 0 : i32
      %ne3A_229 = arith.cmpi ne, %rem3A_227, %ne3A_228 : i32
      %lt3A_230 = arith.constant 0 : i32
      %lt3A_231 = arith.cmpi slt, %rem3A_227, %lt3A_230 : i32
      %lt3A_232 = arith.constant 0 : i32
      %lt3A_233 = arith.cmpi slt, %select_n3A_226, %lt3A_232 : i32
      %ne3A_234 = arith.xori %lt3A_231, %lt3A_233 : i1
      %and3A_235 = arith.andi %ne3A_234, %ne3A_229 : i1
      %add3A_236 = arith.addi %rem3A_227, %select_n3A_226 : i32
      %select_n3A_237 = arith.select %and3A_235, %add3A_236, %rem3A_227 : i32
      %mul3A_238 = arith.constant 2048 : i32
      %mul3A_239 = arith.muli %select_n3A_237, %mul3A_238 : i32
      %dma_start3A_240 = tpu.memref_slice %arg3[%add3A_221, %mul3A_239] : memref<16384x4096xf32, #tpu.memory_space<hbm>> -> memref<8x2048xf32, #tpu.memory_space<hbm>>
      %dma_start3A_241 = tpu.memref_slice %arg3[%add3A_221, %mul3A_239] : memref<16384x4096xf32, #tpu.memory_space<hbm>> -> memref<8x2048xf32, #tpu.memory_space<hbm>>
      tpu.enqueue_dma source(%arg5 : memref<8x2048xf32, #tpu.memory_space<vmem>>) target(%dma_start3A_241 : memref<8x2048xf32, #tpu.memory_space<hbm>>) target_semaphore(%arg13 : memref<!tpu.dma_semaphore, #tpu.memory_space<semaphore_mem>>)
      %add3A_242 = arith.constant 2 : i32
      %add3A_243 = arith.addi %add3A_33, %add3A_242 : i32
      %ge3A_244 = arith.constant 2 : i32
      %ge3A_245 = arith.cmpi sge, %add3A_243, %ge3A_244 : i32
      %convert_element_type3A_246 = arith.extui %ge3A_245 : i1 to i32
      %cond3A_247 = arith.constant 0 : i32
      %cond3A_248 = arith.cmpi ne, %convert_element_type3A_246, %cond3A_247 : i32
      scf.if %cond3A_248 {
        %jit3A_464 = arith.constant 2 : i32
        %div3A_465 = arith.divsi %add3A_243, %jit3A_464 : i32
        %sign3A_466 = arith.constant 0 : i32
        %sign3A_467 = arith.cmpi sgt, %add3A_243, %sign3A_466 : i32
        %sign3A_468 = arith.extui %sign3A_467 : i1 to i32
        %sign3A_469 = arith.constant 0 : i32
        %sign3A_470 = arith.cmpi slt, %add3A_243, %sign3A_469 : i32
        %sign3A_471 = arith.extui %sign3A_470 : i1 to i32
        %sign3A_472 = arith.subi %sign3A_468, %sign3A_471 : i32
        %sign3A_473 = arith.constant 0 : i32
        %sign3A_474 = arith.cmpi sgt, %jit3A_464, %sign3A_473 : i32
        %sign3A_475 = arith.extui %sign3A_474 : i1 to i32
        %sign3A_476 = arith.constant 0 : i32
        %sign3A_477 = arith.cmpi slt, %jit3A_464, %sign3A_476 : i32
        %sign3A_478 = arith.extui %sign3A_477 : i1 to i32
        %sign3A_479 = arith.subi %sign3A_475, %sign3A_478 : i32
        %ne3A_480 = arith.cmpi ne, %sign3A_472, %sign3A_479 : i32
        %rem3A_481 = arith.remsi %add3A_243, %jit3A_464 : i32
        %ne3A_482 = arith.constant 0 : i32
        %ne3A_483 = arith.cmpi ne, %rem3A_481, %ne3A_482 : i32
        %and3A_484 = arith.andi %ne3A_480, %ne3A_483 : i1
        %sub3A_485 = arith.constant 1 : i32
        %sub3A_486 = arith.subi %div3A_465, %sub3A_485 : i32
        %select_n3A_487 = arith.select %and3A_484, %sub3A_486, %div3A_465 : i32
        %mul3A_488 = arith.constant 8 : i32
        %mul3A_489 = arith.muli %select_n3A_487, %mul3A_488 : i32
        %add3A_490 = arith.addi %mul3A_2, %mul3A_489 : i32
        %jit3A_491 = arith.constant 2 : i32
        %eq3A_492 = arith.constant 0 : i32
        %eq3A_493 = arith.cmpi eq, %jit3A_491, %eq3A_492 : i32
        %jit3A_494 = arith.constant 1 : i32
        %select_n3A_495 = arith.select %eq3A_493, %jit3A_494, %jit3A_491 : i32
        %rem3A_496 = arith.remsi %add3A_243, %select_n3A_495 : i32
        %ne3A_497 = arith.constant 0 : i32
        %ne3A_498 = arith.cmpi ne, %rem3A_496, %ne3A_497 : i32
        %lt3A_499 = arith.constant 0 : i32
        %lt3A_500 = arith.cmpi slt, %rem3A_496, %lt3A_499 : i32
        %lt3A_501 = arith.constant 0 : i32
        %lt3A_502 = arith.cmpi slt, %select_n3A_495, %lt3A_501 : i32
        %ne3A_503 = arith.xori %lt3A_500, %lt3A_502 : i1
        %and3A_504 = arith.andi %ne3A_503, %ne3A_498 : i1
        %add3A_505 = arith.addi %rem3A_496, %select_n3A_495 : i32
        %select_n3A_506 = arith.select %and3A_504, %add3A_505, %rem3A_496 : i32
        %mul3A_507 = arith.constant 2048 : i32
        %mul3A_508 = arith.muli %select_n3A_506, %mul3A_507 : i32
        %dma_wait3A_509 = tpu.memref_slice %arg3[%add3A_490, %mul3A_508] : memref<16384x4096xf32, #tpu.memory_space<hbm>> -> memref<8x2048xf32, #tpu.memory_space<hbm>>
        %dma_wait3A_510 = tpu.memref_slice %arg3[%add3A_490, %mul3A_508] : memref<16384x4096xf32, #tpu.memory_space<hbm>> -> memref<8x2048xf32, #tpu.memory_space<hbm>>
        tpu.wait_dma2 semaphore(%arg12 : memref<!tpu.dma_semaphore, #tpu.memory_space<semaphore_mem>>) src(%arg4 : memref<8x2048xf32, #tpu.memory_space<vmem>>) dst(%dma_wait3A_510 : memref<8x2048xf32, #tpu.memory_space<hbm>>)
      } else {
      }
      %add3A_249 = arith.constant 2 : i32
      %add3A_250 = arith.addi %add3A_243, %add3A_249 : i32
      %lt3A_251 = arith.constant 128 : i32
      %lt3A_252 = arith.cmpi slt, %add3A_250, %lt3A_251 : i32
      %convert_element_type3A_253 = arith.extui %lt3A_252 : i1 to i32
      %cond3A_254 = arith.constant 0 : i32
      %cond3A_255 = arith.cmpi ne, %convert_element_type3A_253, %cond3A_254 : i32
      scf.if %cond3A_255 {
        %add3A_464 = arith.constant 2 : i32
        %add3A_465 = arith.addi %add3A_243, %add3A_464 : i32
        %jit3A_466 = arith.constant 2 : i32
        %div3A_467 = arith.divsi %add3A_465, %jit3A_466 : i32
        %sign3A_468 = arith.constant 0 : i32
        %sign3A_469 = arith.cmpi sgt, %add3A_465, %sign3A_468 : i32
        %sign3A_470 = arith.extui %sign3A_469 : i1 to i32
        %sign3A_471 = arith.constant 0 : i32
        %sign3A_472 = arith.cmpi slt, %add3A_465, %sign3A_471 : i32
        %sign3A_473 = arith.extui %sign3A_472 : i1 to i32
        %sign3A_474 = arith.subi %sign3A_470, %sign3A_473 : i32
        %sign3A_475 = arith.constant 0 : i32
        %sign3A_476 = arith.cmpi sgt, %jit3A_466, %sign3A_475 : i32
        %sign3A_477 = arith.extui %sign3A_476 : i1 to i32
        %sign3A_478 = arith.constant 0 : i32
        %sign3A_479 = arith.cmpi slt, %jit3A_466, %sign3A_478 : i32
        %sign3A_480 = arith.extui %sign3A_479 : i1 to i32
        %sign3A_481 = arith.subi %sign3A_477, %sign3A_480 : i32
        %ne3A_482 = arith.cmpi ne, %sign3A_474, %sign3A_481 : i32
        %rem3A_483 = arith.remsi %add3A_465, %jit3A_466 : i32
        %ne3A_484 = arith.constant 0 : i32
        %ne3A_485 = arith.cmpi ne, %rem3A_483, %ne3A_484 : i32
        %and3A_486 = arith.andi %ne3A_482, %ne3A_485 : i1
        %sub3A_487 = arith.constant 1 : i32
        %sub3A_488 = arith.subi %div3A_467, %sub3A_487 : i32
        %select_n3A_489 = arith.select %and3A_486, %sub3A_488, %div3A_467 : i32
        %mul3A_490 = arith.constant 8 : i32
        %mul3A_491 = arith.muli %select_n3A_489, %mul3A_490 : i32
        %add3A_492 = arith.addi %mul3A_2, %mul3A_491 : i32
        %jit3A_493 = arith.constant 2 : i32
        %eq3A_494 = arith.constant 0 : i32
        %eq3A_495 = arith.cmpi eq, %jit3A_493, %eq3A_494 : i32
        %jit3A_496 = arith.constant 1 : i32
        %select_n3A_497 = arith.select %eq3A_495, %jit3A_496, %jit3A_493 : i32
        %rem3A_498 = arith.remsi %add3A_465, %select_n3A_497 : i32
        %ne3A_499 = arith.constant 0 : i32
        %ne3A_500 = arith.cmpi ne, %rem3A_498, %ne3A_499 : i32
        %lt3A_501 = arith.constant 0 : i32
        %lt3A_502 = arith.cmpi slt, %rem3A_498, %lt3A_501 : i32
        %lt3A_503 = arith.constant 0 : i32
        %lt3A_504 = arith.cmpi slt, %select_n3A_497, %lt3A_503 : i32
        %ne3A_505 = arith.xori %lt3A_502, %lt3A_504 : i1
        %and3A_506 = arith.andi %ne3A_505, %ne3A_500 : i1
        %add3A_507 = arith.addi %rem3A_498, %select_n3A_497 : i32
        %select_n3A_508 = arith.select %and3A_506, %add3A_507, %rem3A_498 : i32
        %mul3A_509 = arith.constant 2048 : i32
        %mul3A_510 = arith.muli %select_n3A_508, %mul3A_509 : i32
        %dma_start3A_511 = tpu.memref_slice %arg2[%add3A_492, %mul3A_510] : memref<16384x4096xf32, #tpu.memory_space<hbm>> -> memref<8x2048xf32, #tpu.memory_space<hbm>>
        %dma_start3A_512 = tpu.memref_slice %arg2[%add3A_492, %mul3A_510] : memref<16384x4096xf32, #tpu.memory_space<hbm>> -> memref<8x2048xf32, #tpu.memory_space<hbm>>
        tpu.enqueue_dma source(%dma_start3A_512 : memref<8x2048xf32, #tpu.memory_space<hbm>>) target(%arg4 : memref<8x2048xf32, #tpu.memory_space<vmem>>) target_semaphore(%arg8 : memref<!tpu.dma_semaphore, #tpu.memory_space<semaphore_mem>>)
      } else {
      }
      %jit3A_256 = arith.constant 2 : i32
      %div3A_257 = arith.divsi %add3A_243, %jit3A_256 : i32
      %sign3A_258 = arith.constant 0 : i32
      %sign3A_259 = arith.cmpi sgt, %add3A_243, %sign3A_258 : i32
      %sign3A_260 = arith.extui %sign3A_259 : i1 to i32
      %sign3A_261 = arith.constant 0 : i32
      %sign3A_262 = arith.cmpi slt, %add3A_243, %sign3A_261 : i32
      %sign3A_263 = arith.extui %sign3A_262 : i1 to i32
      %sign3A_264 = arith.subi %sign3A_260, %sign3A_263 : i32
      %sign3A_265 = arith.constant 0 : i32
      %sign3A_266 = arith.cmpi sgt, %jit3A_256, %sign3A_265 : i32
      %sign3A_267 = arith.extui %sign3A_266 : i1 to i32
      %sign3A_268 = arith.constant 0 : i32
      %sign3A_269 = arith.cmpi slt, %jit3A_256, %sign3A_268 : i32
      %sign3A_270 = arith.extui %sign3A_269 : i1 to i32
      %sign3A_271 = arith.subi %sign3A_267, %sign3A_270 : i32
      %ne3A_272 = arith.cmpi ne, %sign3A_264, %sign3A_271 : i32
      %rem3A_273 = arith.remsi %add3A_243, %jit3A_256 : i32
      %ne3A_274 = arith.constant 0 : i32
      %ne3A_275 = arith.cmpi ne, %rem3A_273, %ne3A_274 : i32
      %and3A_276 = arith.andi %ne3A_272, %ne3A_275 : i1
      %sub3A_277 = arith.constant 1 : i32
      %sub3A_278 = arith.subi %div3A_257, %sub3A_277 : i32
      %select_n3A_279 = arith.select %and3A_276, %sub3A_278, %div3A_257 : i32
      %mul3A_280 = arith.constant 8 : i32
      %mul3A_281 = arith.muli %select_n3A_279, %mul3A_280 : i32
      %add3A_282 = arith.addi %mul3A_2, %mul3A_281 : i32
      %jit3A_283 = arith.constant 2 : i32
      %eq3A_284 = arith.constant 0 : i32
      %eq3A_285 = arith.cmpi eq, %jit3A_283, %eq3A_284 : i32
      %jit3A_286 = arith.constant 1 : i32
      %select_n3A_287 = arith.select %eq3A_285, %jit3A_286, %jit3A_283 : i32
      %rem3A_288 = arith.remsi %add3A_243, %select_n3A_287 : i32
      %ne3A_289 = arith.constant 0 : i32
      %ne3A_290 = arith.cmpi ne, %rem3A_288, %ne3A_289 : i32
      %lt3A_291 = arith.constant 0 : i32
      %lt3A_292 = arith.cmpi slt, %rem3A_288, %lt3A_291 : i32
      %lt3A_293 = arith.constant 0 : i32
      %lt3A_294 = arith.cmpi slt, %select_n3A_287, %lt3A_293 : i32
      %ne3A_295 = arith.xori %lt3A_292, %lt3A_294 : i1
      %and3A_296 = arith.andi %ne3A_295, %ne3A_290 : i1
      %add3A_297 = arith.addi %rem3A_288, %select_n3A_287 : i32
      %select_n3A_298 = arith.select %and3A_296, %add3A_297, %rem3A_288 : i32
      %mul3A_299 = arith.constant 2048 : i32
      %mul3A_300 = arith.muli %select_n3A_298, %mul3A_299 : i32
      %dma_wait3A_301 = tpu.memref_slice %arg2[%add3A_282, %mul3A_300] : memref<16384x4096xf32, #tpu.memory_space<hbm>> -> memref<8x2048xf32, #tpu.memory_space<hbm>>
      %dma_wait3A_302 = tpu.memref_slice %arg2[%add3A_282, %mul3A_300] : memref<16384x4096xf32, #tpu.memory_space<hbm>> -> memref<8x2048xf32, #tpu.memory_space<hbm>>
      tpu.wait_dma2 semaphore(%arg10 : memref<!tpu.dma_semaphore, #tpu.memory_space<semaphore_mem>>) src(%dma_wait3A_302 : memref<8x2048xf32, #tpu.memory_space<hbm>>) dst(%arg6 : memref<8x2048xf32, #tpu.memory_space<vmem>>)
      %parallel_loop3A_303 = arith.constant 0 : i32
      %parallel_loop3A_304 = arith.constant 2048 : i32
      %parallel_loop3A_305 = arith.constant 16 : i32
      scf.for %parallel_loop3A_464 = %parallel_loop3A_303 to %parallel_loop3A_304 step %parallel_loop3A_305  : i32 {
        %parallel_loop3A_465 = arith.constant 0 : i32
        %parallel_loop3A_466 = arith.index_cast %parallel_loop3A_465 : i32 to index
        %parallel_loop3A_467 = arith.index_cast %parallel_loop3A_464 : i32 to index
        %parallel_loop3A_468 = tpu.vector_load %arg6[%parallel_loop3A_466, %parallel_loop3A_467] {strides = array<i32>} : memref<8x2048xf32, #tpu.memory_space<vmem>>, vector<1x16xf32>,
        %parallel_loop3A_469 = vector.shape_cast %parallel_loop3A_468 : vector<1x16xf32> to vector<16xf32>
        %parallel_loop3A_470 = arith.constant -1.000000e-01 : f32
        %parallel_loop3A_471 = vector.broadcast %parallel_loop3A_470 : f32 to vector<16xf32>
        %parallel_loop3A_472 = arith.cmpf ogt, %parallel_loop3A_469, %parallel_loop3A_471 : vector<16xf32>
        %parallel_loop3A_473 = arith.constant -1.000000e-01 : f32
        %parallel_loop3A_474 = arith.constant 1.000000e-01 : f32
        %parallel_loop3A_475 = vector.broadcast %parallel_loop3A_473 : f32 to vector<16xf32>
        %parallel_loop3A_476 = vector.broadcast %parallel_loop3A_474 : f32 to vector<16xf32>
        %parallel_loop3A_477 = arith.select %parallel_loop3A_472, %parallel_loop3A_475, %parallel_loop3A_476 : vector<16xi1>, vector<16xf32>
        %parallel_loop3A_478 = arith.addf %parallel_loop3A_469, %parallel_loop3A_477 : vector<16xf32>
        %parallel_loop3A_479 = arith.constant 0 : i32
        %parallel_loop3A_480 = arith.index_cast %parallel_loop3A_479 : i32 to index
        %parallel_loop3A_481 = arith.index_cast %parallel_loop3A_464 : i32 to index
        %parallel_loop3A_482 = tpu.vector_load %arg6[%parallel_loop3A_480, %parallel_loop3A_481] {strides = array<i32>} : memref<8x2048xf32, #tpu.memory_space<vmem>>, vector<1x16xf32>,
        %parallel_loop3A_483 = vector.shape_cast %parallel_loop3A_482 : vector<1x16xf32> to vector<16xf32>
        %parallel_loop3A_484 = vector.shape_cast %parallel_loop3A_478 : vector<16xf32> to vector<1x16xf32>
        tpu.vector_store %arg6[%parallel_loop3A_480, %parallel_loop3A_481], %parallel_loop3A_484 {strides = array<i32>} : memref<8x2048xf32, #tpu.memory_space<vmem>>, vector<1x16xf32>,
        %parallel_loop3A_485 = arith.constant 1 : i32
        %parallel_loop3A_486 = arith.index_cast %parallel_loop3A_485 : i32 to index
        %parallel_loop3A_487 = arith.index_cast %parallel_loop3A_464 : i32 to index
        %parallel_loop3A_488 = tpu.vector_load %arg6[%parallel_loop3A_486, %parallel_loop3A_487] {strides = array<i32>} : memref<8x2048xf32, #tpu.memory_space<vmem>>, vector<1x16xf32>,
        %parallel_loop3A_489 = vector.shape_cast %parallel_loop3A_488 : vector<1x16xf32> to vector<16xf32>
        %parallel_loop3A_490 = arith.constant -1.000000e-01 : f32
        %parallel_loop3A_491 = vector.broadcast %parallel_loop3A_490 : f32 to vector<16xf32>
        %parallel_loop3A_492 = arith.cmpf ogt, %parallel_loop3A_489, %parallel_loop3A_491 : vector<16xf32>
        %parallel_loop3A_493 = arith.constant -1.000000e-01 : f32
        %parallel_loop3A_494 = arith.constant 1.000000e-01 : f32
        %parallel_loop3A_495 = vector.broadcast %parallel_loop3A_493 : f32 to vector<16xf32>
        %parallel_loop3A_496 = vector.broadcast %parallel_loop3A_494 : f32 to vector<16xf32>
        %parallel_loop3A_497 = arith.select %parallel_loop3A_492, %parallel_loop3A_495, %parallel_loop3A_496 : vector<16xi1>, vector<16xf32>
        %parallel_loop3A_498 = arith.addf %parallel_loop3A_489, %parallel_loop3A_497 : vector<16xf32>
        %parallel_loop3A_499 = arith.constant 1 : i32
        %parallel_loop3A_500 = arith.index_cast %parallel_loop3A_499 : i32 to index
        %parallel_loop3A_501 = arith.index_cast %parallel_loop3A_464 : i32 to index
        %parallel_loop3A_502 = tpu.vector_load %arg6[%parallel_loop3A_500, %parallel_loop3A_501] {strides = array<i32>} : memref<8x2048xf32, #tpu.memory_space<vmem>>, vector<1x16xf32>,
        %parallel_loop3A_503 = vector.shape_cast %parallel_loop3A_502 : vector<1x16xf32> to vector<16xf32>
        %parallel_loop3A_504 = vector.shape_cast %parallel_loop3A_498 : vector<16xf32> to vector<1x16xf32>
        tpu.vector_store %arg6[%parallel_loop3A_500, %parallel_loop3A_501], %parallel_loop3A_504 {strides = array<i32>} : memref<8x2048xf32, #tpu.memory_space<vmem>>, vector<1x16xf32>,
        %parallel_loop3A_505 = arith.constant 2 : i32
        %parallel_loop3A_506 = arith.index_cast %parallel_loop3A_505 : i32 to index
        %parallel_loop3A_507 = arith.index_cast %parallel_loop3A_464 : i32 to index
        %parallel_loop3A_508 = tpu.vector_load %arg6[%parallel_loop3A_506, %parallel_loop3A_507] {strides = array<i32>} : memref<8x2048xf32, #tpu.memory_space<vmem>>, vector<1x16xf32>,
        %parallel_loop3A_509 = vector.shape_cast %parallel_loop3A_508 : vector<1x16xf32> to vector<16xf32>
        %parallel_loop3A_510 = arith.constant -1.000000e-01 : f32
        %parallel_loop3A_511 = vector.broadcast %parallel_loop3A_510 : f32 to vector<16xf32>
        %parallel_loop3A_512 = arith.cmpf ogt, %parallel_loop3A_509, %parallel_loop3A_511 : vector<16xf32>
        %parallel_loop3A_513 = arith.constant -1.000000e-01 : f32
        %parallel_loop3A_514 = arith.constant 1.000000e-01 : f32
        %parallel_loop3A_515 = vector.broadcast %parallel_loop3A_513 : f32 to vector<16xf32>
        %parallel_loop3A_516 = vector.broadcast %parallel_loop3A_514 : f32 to vector<16xf32>
        %parallel_loop3A_517 = arith.select %parallel_loop3A_512, %parallel_loop3A_515, %parallel_loop3A_516 : vector<16xi1>, vector<16xf32>
        %parallel_loop3A_518 = arith.addf %parallel_loop3A_509, %parallel_loop3A_517 : vector<16xf32>
        %parallel_loop3A_519 = arith.constant 2 : i32
        %parallel_loop3A_520 = arith.index_cast %parallel_loop3A_519 : i32 to index
        %parallel_loop3A_521 = arith.index_cast %parallel_loop3A_464 : i32 to index
        %parallel_loop3A_522 = tpu.vector_load %arg6[%parallel_loop3A_520, %parallel_loop3A_521] {strides = array<i32>} : memref<8x2048xf32, #tpu.memory_space<vmem>>, vector<1x16xf32>,
        %parallel_loop3A_523 = vector.shape_cast %parallel_loop3A_522 : vector<1x16xf32> to vector<16xf32>
        %parallel_loop3A_524 = vector.shape_cast %parallel_loop3A_518 : vector<16xf32> to vector<1x16xf32>
        tpu.vector_store %arg6[%parallel_loop3A_520, %parallel_loop3A_521], %parallel_loop3A_524 {strides = array<i32>} : memref<8x2048xf32, #tpu.memory_space<vmem>>, vector<1x16xf32>,
        %parallel_loop3A_525 = arith.constant 3 : i32
        %parallel_loop3A_526 = arith.index_cast %parallel_loop3A_525 : i32 to index
        %parallel_loop3A_527 = arith.index_cast %parallel_loop3A_464 : i32 to index
        %parallel_loop3A_528 = tpu.vector_load %arg6[%parallel_loop3A_526, %parallel_loop3A_527] {strides = array<i32>} : memref<8x2048xf32, #tpu.memory_space<vmem>>, vector<1x16xf32>,
        %parallel_loop3A_529 = vector.shape_cast %parallel_loop3A_528 : vector<1x16xf32> to vector<16xf32>
        %parallel_loop3A_530 = arith.constant -1.000000e-01 : f32
        %parallel_loop3A_531 = vector.broadcast %parallel_loop3A_530 : f32 to vector<16xf32>
        %parallel_loop3A_532 = arith.cmpf ogt, %parallel_loop3A_529, %parallel_loop3A_531 : vector<16xf32>
        %parallel_loop3A_533 = arith.constant -1.000000e-01 : f32
        %parallel_loop3A_534 = arith.constant 1.000000e-01 : f32
        %parallel_loop3A_535 = vector.broadcast %parallel_loop3A_533 : f32 to vector<16xf32>
        %parallel_loop3A_536 = vector.broadcast %parallel_loop3A_534 : f32 to vector<16xf32>
        %parallel_loop3A_537 = arith.select %parallel_loop3A_532, %parallel_loop3A_535, %parallel_loop3A_536 : vector<16xi1>, vector<16xf32>
        %parallel_loop3A_538 = arith.addf %parallel_loop3A_529, %parallel_loop3A_537 : vector<16xf32>
        %parallel_loop3A_539 = arith.constant 3 : i32
        %parallel_loop3A_540 = arith.index_cast %parallel_loop3A_539 : i32 to index
        %parallel_loop3A_541 = arith.index_cast %parallel_loop3A_464 : i32 to index
        %parallel_loop3A_542 = tpu.vector_load %arg6[%parallel_loop3A_540, %parallel_loop3A_541] {strides = array<i32>} : memref<8x2048xf32, #tpu.memory_space<vmem>>, vector<1x16xf32>,
        %parallel_loop3A_543 = vector.shape_cast %parallel_loop3A_542 : vector<1x16xf32> to vector<16xf32>
        %parallel_loop3A_544 = vector.shape_cast %parallel_loop3A_538 : vector<16xf32> to vector<1x16xf32>
        tpu.vector_store %arg6[%parallel_loop3A_540, %parallel_loop3A_541], %parallel_loop3A_544 {strides = array<i32>} : memref<8x2048xf32, #tpu.memory_space<vmem>>, vector<1x16xf32>,
        %parallel_loop3A_545 = arith.constant 4 : i32
        %parallel_loop3A_546 = arith.index_cast %parallel_loop3A_545 : i32 to index
        %parallel_loop3A_547 = arith.index_cast %parallel_loop3A_464 : i32 to index
        %parallel_loop3A_548 = tpu.vector_load %arg6[%parallel_loop3A_546, %parallel_loop3A_547] {strides = array<i32>} : memref<8x2048xf32, #tpu.memory_space<vmem>>, vector<1x16xf32>,
        %parallel_loop3A_549 = vector.shape_cast %parallel_loop3A_548 : vector<1x16xf32> to vector<16xf32>
        %parallel_loop3A_550 = arith.constant -1.000000e-01 : f32
        %parallel_loop3A_551 = vector.broadcast %parallel_loop3A_550 : f32 to vector<16xf32>
        %parallel_loop3A_552 = arith.cmpf ogt, %parallel_loop3A_549, %parallel_loop3A_551 : vector<16xf32>
        %parallel_loop3A_553 = arith.constant -1.000000e-01 : f32
        %parallel_loop3A_554 = arith.constant 1.000000e-01 : f32
        %parallel_loop3A_555 = vector.broadcast %parallel_loop3A_553 : f32 to vector<16xf32>
        %parallel_loop3A_556 = vector.broadcast %parallel_loop3A_554 : f32 to vector<16xf32>
        %parallel_loop3A_557 = arith.select %parallel_loop3A_552, %parallel_loop3A_555, %parallel_loop3A_556 : vector<16xi1>, vector<16xf32>
        %parallel_loop3A_558 = arith.addf %parallel_loop3A_549, %parallel_loop3A_557 : vector<16xf32>
        %parallel_loop3A_559 = arith.constant 4 : i32
        %parallel_loop3A_560 = arith.index_cast %parallel_loop3A_559 : i32 to index
        %parallel_loop3A_561 = arith.index_cast %parallel_loop3A_464 : i32 to index
        %parallel_loop3A_562 = tpu.vector_load %arg6[%parallel_loop3A_560, %parallel_loop3A_561] {strides = array<i32>} : memref<8x2048xf32, #tpu.memory_space<vmem>>, vector<1x16xf32>,
        %parallel_loop3A_563 = vector.shape_cast %parallel_loop3A_562 : vector<1x16xf32> to vector<16xf32>
        %parallel_loop3A_564 = vector.shape_cast %parallel_loop3A_558 : vector<16xf32> to vector<1x16xf32>
        tpu.vector_store %arg6[%parallel_loop3A_560, %parallel_loop3A_561], %parallel_loop3A_564 {strides = array<i32>} : memref<8x2048xf32, #tpu.memory_space<vmem>>, vector<1x16xf32>,
        %parallel_loop3A_565 = arith.constant 5 : i32
        %parallel_loop3A_566 = arith.index_cast %parallel_loop3A_565 : i32 to index
        %parallel_loop3A_567 = arith.index_cast %parallel_loop3A_464 : i32 to index
        %parallel_loop3A_568 = tpu.vector_load %arg6[%parallel_loop3A_566, %parallel_loop3A_567] {strides = array<i32>} : memref<8x2048xf32, #tpu.memory_space<vmem>>, vector<1x16xf32>,
        %parallel_loop3A_569 = vector.shape_cast %parallel_loop3A_568 : vector<1x16xf32> to vector<16xf32>
        %parallel_loop3A_570 = arith.constant -1.000000e-01 : f32
        %parallel_loop3A_571 = vector.broadcast %parallel_loop3A_570 : f32 to vector<16xf32>
        %parallel_loop3A_572 = arith.cmpf ogt, %parallel_loop3A_569, %parallel_loop3A_571 : vector<16xf32>
        %parallel_loop3A_573 = arith.constant -1.000000e-01 : f32
        %parallel_loop3A_574 = arith.constant 1.000000e-01 : f32
        %parallel_loop3A_575 = vector.broadcast %parallel_loop3A_573 : f32 to vector<16xf32>
        %parallel_loop3A_576 = vector.broadcast %parallel_loop3A_574 : f32 to vector<16xf32>
        %parallel_loop3A_577 = arith.select %parallel_loop3A_572, %parallel_loop3A_575, %parallel_loop3A_576 : vector<16xi1>, vector<16xf32>
        %parallel_loop3A_578 = arith.addf %parallel_loop3A_569, %parallel_loop3A_577 : vector<16xf32>
        %parallel_loop3A_579 = arith.constant 5 : i32
        %parallel_loop3A_580 = arith.index_cast %parallel_loop3A_579 : i32 to index
        %parallel_loop3A_581 = arith.index_cast %parallel_loop3A_464 : i32 to index
        %parallel_loop3A_582 = tpu.vector_load %arg6[%parallel_loop3A_580, %parallel_loop3A_581] {strides = array<i32>} : memref<8x2048xf32, #tpu.memory_space<vmem>>, vector<1x16xf32>,
        %parallel_loop3A_583 = vector.shape_cast %parallel_loop3A_582 : vector<1x16xf32> to vector<16xf32>
        %parallel_loop3A_584 = vector.shape_cast %parallel_loop3A_578 : vector<16xf32> to vector<1x16xf32>
        tpu.vector_store %arg6[%parallel_loop3A_580, %parallel_loop3A_581], %parallel_loop3A_584 {strides = array<i32>} : memref<8x2048xf32, #tpu.memory_space<vmem>>, vector<1x16xf32>,
        %parallel_loop3A_585 = arith.constant 6 : i32
        %parallel_loop3A_586 = arith.index_cast %parallel_loop3A_585 : i32 to index
        %parallel_loop3A_587 = arith.index_cast %parallel_loop3A_464 : i32 to index
        %parallel_loop3A_588 = tpu.vector_load %arg6[%parallel_loop3A_586, %parallel_loop3A_587] {strides = array<i32>} : memref<8x2048xf32, #tpu.memory_space<vmem>>, vector<1x16xf32>,
        %parallel_loop3A_589 = vector.shape_cast %parallel_loop3A_588 : vector<1x16xf32> to vector<16xf32>
        %parallel_loop3A_590 = arith.constant -1.000000e-01 : f32
        %parallel_loop3A_591 = vector.broadcast %parallel_loop3A_590 : f32 to vector<16xf32>
        %parallel_loop3A_592 = arith.cmpf ogt, %parallel_loop3A_589, %parallel_loop3A_591 : vector<16xf32>
        %parallel_loop3A_593 = arith.constant -1.000000e-01 : f32
        %parallel_loop3A_594 = arith.constant 1.000000e-01 : f32
        %parallel_loop3A_595 = vector.broadcast %parallel_loop3A_593 : f32 to vector<16xf32>
        %parallel_loop3A_596 = vector.broadcast %parallel_loop3A_594 : f32 to vector<16xf32>
        %parallel_loop3A_597 = arith.select %parallel_loop3A_592, %parallel_loop3A_595, %parallel_loop3A_596 : vector<16xi1>, vector<16xf32>
        %parallel_loop3A_598 = arith.addf %parallel_loop3A_589, %parallel_loop3A_597 : vector<16xf32>
        %parallel_loop3A_599 = arith.constant 6 : i32
        %parallel_loop3A_600 = arith.index_cast %parallel_loop3A_599 : i32 to index
        %parallel_loop3A_601 = arith.index_cast %parallel_loop3A_464 : i32 to index
        %parallel_loop3A_602 = tpu.vector_load %arg6[%parallel_loop3A_600, %parallel_loop3A_601] {strides = array<i32>} : memref<8x2048xf32, #tpu.memory_space<vmem>>, vector<1x16xf32>,
        %parallel_loop3A_603 = vector.shape_cast %parallel_loop3A_602 : vector<1x16xf32> to vector<16xf32>
        %parallel_loop3A_604 = vector.shape_cast %parallel_loop3A_598 : vector<16xf32> to vector<1x16xf32>
        tpu.vector_store %arg6[%parallel_loop3A_600, %parallel_loop3A_601], %parallel_loop3A_604 {strides = array<i32>} : memref<8x2048xf32, #tpu.memory_space<vmem>>, vector<1x16xf32>,
        %parallel_loop3A_605 = arith.constant 7 : i32
        %parallel_loop3A_606 = arith.index_cast %parallel_loop3A_605 : i32 to index
        %parallel_loop3A_607 = arith.index_cast %parallel_loop3A_464 : i32 to index
        %parallel_loop3A_608 = tpu.vector_load %arg6[%parallel_loop3A_606, %parallel_loop3A_607] {strides = array<i32>} : memref<8x2048xf32, #tpu.memory_space<vmem>>, vector<1x16xf32>,
        %parallel_loop3A_609 = vector.shape_cast %parallel_loop3A_608 : vector<1x16xf32> to vector<16xf32>
        %parallel_loop3A_610 = arith.constant -1.000000e-01 : f32
        %parallel_loop3A_611 = vector.broadcast %parallel_loop3A_610 : f32 to vector<16xf32>
        %parallel_loop3A_612 = arith.cmpf ogt, %parallel_loop3A_609, %parallel_loop3A_611 : vector<16xf32>
        %parallel_loop3A_613 = arith.constant -1.000000e-01 : f32
        %parallel_loop3A_614 = arith.constant 1.000000e-01 : f32
        %parallel_loop3A_615 = vector.broadcast %parallel_loop3A_613 : f32 to vector<16xf32>
        %parallel_loop3A_616 = vector.broadcast %parallel_loop3A_614 : f32 to vector<16xf32>
        %parallel_loop3A_617 = arith.select %parallel_loop3A_612, %parallel_loop3A_615, %parallel_loop3A_616 : vector<16xi1>, vector<16xf32>
        %parallel_loop3A_618 = arith.addf %parallel_loop3A_609, %parallel_loop3A_617 : vector<16xf32>
        %parallel_loop3A_619 = arith.constant 7 : i32
        %parallel_loop3A_620 = arith.index_cast %parallel_loop3A_619 : i32 to index
        %parallel_loop3A_621 = arith.index_cast %parallel_loop3A_464 : i32 to index
        %parallel_loop3A_622 = tpu.vector_load %arg6[%parallel_loop3A_620, %parallel_loop3A_621] {strides = array<i32>} : memref<8x2048xf32, #tpu.memory_space<vmem>>, vector<1x16xf32>,
        %parallel_loop3A_623 = vector.shape_cast %parallel_loop3A_622 : vector<1x16xf32> to vector<16xf32>
        %parallel_loop3A_624 = vector.shape_cast %parallel_loop3A_618 : vector<16xf32> to vector<1x16xf32>
        tpu.vector_store %arg6[%parallel_loop3A_620, %parallel_loop3A_621], %parallel_loop3A_624 {strides = array<i32>} : memref<8x2048xf32, #tpu.memory_space<vmem>>, vector<1x16xf32>,
      } {sc.loop_unroll_factor = 8 : i64, sc.parallel_access}
      %jit3A_306 = arith.constant 2 : i32
      %div3A_307 = arith.divsi %add3A_243, %jit3A_306 : i32
      %sign3A_308 = arith.constant 0 : i32
      %sign3A_309 = arith.cmpi sgt, %add3A_243, %sign3A_308 : i32
      %sign3A_310 = arith.extui %sign3A_309 : i1 to i32
      %sign3A_311 = arith.constant 0 : i32
      %sign3A_312 = arith.cmpi slt, %add3A_243, %sign3A_311 : i32
      %sign3A_313 = arith.extui %sign3A_312 : i1 to i32
      %sign3A_314 = arith.subi %sign3A_310, %sign3A_313 : i32
      %sign3A_315 = arith.constant 0 : i32
      %sign3A_316 = arith.cmpi sgt, %jit3A_306, %sign3A_315 : i32
      %sign3A_317 = arith.extui %sign3A_316 : i1 to i32
      %sign3A_318 = arith.constant 0 : i32
      %sign3A_319 = arith.cmpi slt, %jit3A_306, %sign3A_318 : i32
      %sign3A_320 = arith.extui %sign3A_319 : i1 to i32
      %sign3A_321 = arith.subi %sign3A_317, %sign3A_320 : i32
      %ne3A_322 = arith.cmpi ne, %sign3A_314, %sign3A_321 : i32
      %rem3A_323 = arith.remsi %add3A_243, %jit3A_306 : i32
      %ne3A_324 = arith.constant 0 : i32
      %ne3A_325 = arith.cmpi ne, %rem3A_323, %ne3A_324 : i32
      %and3A_326 = arith.andi %ne3A_322, %ne3A_325 : i1
      %sub3A_327 = arith.constant 1 : i32
      %sub3A_328 = arith.subi %div3A_307, %sub3A_327 : i32
      %select_n3A_329 = arith.select %and3A_326, %sub3A_328, %div3A_307 : i32
      %mul3A_330 = arith.constant 8 : i32
      %mul3A_331 = arith.muli %select_n3A_329, %mul3A_330 : i32
      %add3A_332 = arith.addi %mul3A_2, %mul3A_331 : i32
      %jit3A_333 = arith.constant 2 : i32
      %eq3A_334 = arith.constant 0 : i32
      %eq3A_335 = arith.cmpi eq, %jit3A_333, %eq3A_334 : i32
      %jit3A_336 = arith.constant 1 : i32
      %select_n3A_337 = arith.select %eq3A_335, %jit3A_336, %jit3A_333 : i32
      %rem3A_338 = arith.remsi %add3A_243, %select_n3A_337 : i32
      %ne3A_339 = arith.constant 0 : i32
      %ne3A_340 = arith.cmpi ne, %rem3A_338, %ne3A_339 : i32
      %lt3A_341 = arith.constant 0 : i32
      %lt3A_342 = arith.cmpi slt, %rem3A_338, %lt3A_341 : i32
      %lt3A_343 = arith.constant 0 : i32
      %lt3A_344 = arith.cmpi slt, %select_n3A_337, %lt3A_343 : i32
      %ne3A_345 = arith.xori %lt3A_342, %lt3A_344 : i1
      %and3A_346 = arith.andi %ne3A_345, %ne3A_340 : i1
      %add3A_347 = arith.addi %rem3A_338, %select_n3A_337 : i32
      %select_n3A_348 = arith.select %and3A_346, %add3A_347, %rem3A_338 : i32
      %mul3A_349 = arith.constant 2048 : i32
      %mul3A_350 = arith.muli %select_n3A_348, %mul3A_349 : i32
      %dma_start3A_351 = tpu.memref_slice %arg3[%add3A_332, %mul3A_350] : memref<16384x4096xf32, #tpu.memory_space<hbm>> -> memref<8x2048xf32, #tpu.memory_space<hbm>>
      %dma_start3A_352 = tpu.memref_slice %arg3[%add3A_332, %mul3A_350] : memref<16384x4096xf32, #tpu.memory_space<hbm>> -> memref<8x2048xf32, #tpu.memory_space<hbm>>
      tpu.enqueue_dma source(%arg6 : memref<8x2048xf32, #tpu.memory_space<vmem>>) target(%dma_start3A_352 : memref<8x2048xf32, #tpu.memory_space<hbm>>) target_semaphore(%arg14 : memref<!tpu.dma_semaphore, #tpu.memory_space<semaphore_mem>>)
      %add3A_353 = arith.constant 3 : i32
      %add3A_354 = arith.addi %add3A_33, %add3A_353 : i32
      %ge3A_355 = arith.constant 2 : i32
      %ge3A_356 = arith.cmpi sge, %add3A_354, %ge3A_355 : i32
      %convert_element_type3A_357 = arith.extui %ge3A_356 : i1 to i32
      %cond3A_358 = arith.constant 0 : i32
      %cond3A_359 = arith.cmpi ne, %convert_element_type3A_357, %cond3A_358 : i32
      scf.if %cond3A_359 {
        %jit3A_464 = arith.constant 2 : i32
        %div3A_465 = arith.divsi %add3A_354, %jit3A_464 : i32
        %sign3A_466 = arith.constant 0 : i32
        %sign3A_467 = arith.cmpi sgt, %add3A_354, %sign3A_466 : i32
        %sign3A_468 = arith.extui %sign3A_467 : i1 to i32
        %sign3A_469 = arith.constant 0 : i32
        %sign3A_470 = arith.cmpi slt, %add3A_354, %sign3A_469 : i32
        %sign3A_471 = arith.extui %sign3A_470 : i1 to i32
        %sign3A_472 = arith.subi %sign3A_468, %sign3A_471 : i32
        %sign3A_473 = arith.constant 0 : i32
        %sign3A_474 = arith.cmpi sgt, %jit3A_464, %sign3A_473 : i32
        %sign3A_475 = arith.extui %sign3A_474 : i1 to i32
        %sign3A_476 = arith.constant 0 : i32
        %sign3A_477 = arith.cmpi slt, %jit3A_464, %sign3A_476 : i32
        %sign3A_478 = arith.extui %sign3A_477 : i1 to i32
        %sign3A_479 = arith.subi %sign3A_475, %sign3A_478 : i32
        %ne3A_480 = arith.cmpi ne, %sign3A_472, %sign3A_479 : i32
        %rem3A_481 = arith.remsi %add3A_354, %jit3A_464 : i32
        %ne3A_482 = arith.constant 0 : i32
        %ne3A_483 = arith.cmpi ne, %rem3A_481, %ne3A_482 : i32
        %and3A_484 = arith.andi %ne3A_480, %ne3A_483 : i1
        %sub3A_485 = arith.constant 1 : i32
        %sub3A_486 = arith.subi %div3A_465, %sub3A_485 : i32
        %select_n3A_487 = arith.select %and3A_484, %sub3A_486, %div3A_465 : i32
        %mul3A_488 = arith.constant 8 : i32
        %mul3A_489 = arith.muli %select_n3A_487, %mul3A_488 : i32
        %add3A_490 = arith.addi %mul3A_2, %mul3A_489 : i32
        %jit3A_491 = arith.constant 2 : i32
        %eq3A_492 = arith.constant 0 : i32
        %eq3A_493 = arith.cmpi eq, %jit3A_491, %eq3A_492 : i32
        %jit3A_494 = arith.constant 1 : i32
        %select_n3A_495 = arith.select %eq3A_493, %jit3A_494, %jit3A_491 : i32
        %rem3A_496 = arith.remsi %add3A_354, %select_n3A_495 : i32
        %ne3A_497 = arith.constant 0 : i32
        %ne3A_498 = arith.cmpi ne, %rem3A_496, %ne3A_497 : i32
        %lt3A_499 = arith.constant 0 : i32
        %lt3A_500 = arith.cmpi slt, %rem3A_496, %lt3A_499 : i32
        %lt3A_501 = arith.constant 0 : i32
        %lt3A_502 = arith.cmpi slt, %select_n3A_495, %lt3A_501 : i32
        %ne3A_503 = arith.xori %lt3A_500, %lt3A_502 : i1
        %and3A_504 = arith.andi %ne3A_503, %ne3A_498 : i1
        %add3A_505 = arith.addi %rem3A_496, %select_n3A_495 : i32
        %select_n3A_506 = arith.select %and3A_504, %add3A_505, %rem3A_496 : i32
        %mul3A_507 = arith.constant 2048 : i32
        %mul3A_508 = arith.muli %select_n3A_506, %mul3A_507 : i32
        %dma_wait3A_509 = tpu.memref_slice %arg3[%add3A_490, %mul3A_508] : memref<16384x4096xf32, #tpu.memory_space<hbm>> -> memref<8x2048xf32, #tpu.memory_space<hbm>>
        %dma_wait3A_510 = tpu.memref_slice %arg3[%add3A_490, %mul3A_508] : memref<16384x4096xf32, #tpu.memory_space<hbm>> -> memref<8x2048xf32, #tpu.memory_space<hbm>>
        tpu.wait_dma2 semaphore(%arg13 : memref<!tpu.dma_semaphore, #tpu.memory_space<semaphore_mem>>) src(%arg5 : memref<8x2048xf32, #tpu.memory_space<vmem>>) dst(%dma_wait3A_510 : memref<8x2048xf32, #tpu.memory_space<hbm>>)
      } else {
      }
      %add3A_360 = arith.constant 2 : i32
      %add3A_361 = arith.addi %add3A_354, %add3A_360 : i32
      %lt3A_362 = arith.constant 128 : i32
      %lt3A_363 = arith.cmpi slt, %add3A_361, %lt3A_362 : i32
      %convert_element_type3A_364 = arith.extui %lt3A_363 : i1 to i32
      %cond3A_365 = arith.constant 0 : i32
      %cond3A_366 = arith.cmpi ne, %convert_element_type3A_364, %cond3A_365 : i32
      scf.if %cond3A_366 {
        %add3A_464 = arith.constant 2 : i32
        %add3A_465 = arith.addi %add3A_354, %add3A_464 : i32
        %jit3A_466 = arith.constant 2 : i32
        %div3A_467 = arith.divsi %add3A_465, %jit3A_466 : i32
        %sign3A_468 = arith.constant 0 : i32
        %sign3A_469 = arith.cmpi sgt, %add3A_465, %sign3A_468 : i32
        %sign3A_470 = arith.extui %sign3A_469 : i1 to i32
        %sign3A_471 = arith.constant 0 : i32
        %sign3A_472 = arith.cmpi slt, %add3A_465, %sign3A_471 : i32
        %sign3A_473 = arith.extui %sign3A_472 : i1 to i32
        %sign3A_474 = arith.subi %sign3A_470, %sign3A_473 : i32
        %sign3A_475 = arith.constant 0 : i32
        %sign3A_476 = arith.cmpi sgt, %jit3A_466, %sign3A_475 : i32
        %sign3A_477 = arith.extui %sign3A_476 : i1 to i32
        %sign3A_478 = arith.constant 0 : i32
        %sign3A_479 = arith.cmpi slt, %jit3A_466, %sign3A_478 : i32
        %sign3A_480 = arith.extui %sign3A_479 : i1 to i32
        %sign3A_481 = arith.subi %sign3A_477, %sign3A_480 : i32
        %ne3A_482 = arith.cmpi ne, %sign3A_474, %sign3A_481 : i32
        %rem3A_483 = arith.remsi %add3A_465, %jit3A_466 : i32
        %ne3A_484 = arith.constant 0 : i32
        %ne3A_485 = arith.cmpi ne, %rem3A_483, %ne3A_484 : i32
        %and3A_486 = arith.andi %ne3A_482, %ne3A_485 : i1
        %sub3A_487 = arith.constant 1 : i32
        %sub3A_488 = arith.subi %div3A_467, %sub3A_487 : i32
        %select_n3A_489 = arith.select %and3A_486, %sub3A_488, %div3A_467 : i32
        %mul3A_490 = arith.constant 8 : i32
        %mul3A_491 = arith.muli %select_n3A_489, %mul3A_490 : i32
        %add3A_492 = arith.addi %mul3A_2, %mul3A_491 : i32
        %jit3A_493 = arith.constant 2 : i32
        %eq3A_494 = arith.constant 0 : i32
        %eq3A_495 = arith.cmpi eq, %jit3A_493, %eq3A_494 : i32
        %jit3A_496 = arith.constant 1 : i32
        %select_n3A_497 = arith.select %eq3A_495, %jit3A_496, %jit3A_493 : i32
        %rem3A_498 = arith.remsi %add3A_465, %select_n3A_497 : i32
        %ne3A_499 = arith.constant 0 : i32
        %ne3A_500 = arith.cmpi ne, %rem3A_498, %ne3A_499 : i32
        %lt3A_501 = arith.constant 0 : i32
        %lt3A_502 = arith.cmpi slt, %rem3A_498, %lt3A_501 : i32
        %lt3A_503 = arith.constant 0 : i32
        %lt3A_504 = arith.cmpi slt, %select_n3A_497, %lt3A_503 : i32
        %ne3A_505 = arith.xori %lt3A_502, %lt3A_504 : i1
        %and3A_506 = arith.andi %ne3A_505, %ne3A_500 : i1
        %add3A_507 = arith.addi %rem3A_498, %select_n3A_497 : i32
        %select_n3A_508 = arith.select %and3A_506, %add3A_507, %rem3A_498 : i32
        %mul3A_509 = arith.constant 2048 : i32
        %mul3A_510 = arith.muli %select_n3A_508, %mul3A_509 : i32
        %dma_start3A_511 = tpu.memref_slice %arg2[%add3A_492, %mul3A_510] : memref<16384x4096xf32, #tpu.memory_space<hbm>> -> memref<8x2048xf32, #tpu.memory_space<hbm>>
        %dma_start3A_512 = tpu.memref_slice %arg2[%add3A_492, %mul3A_510] : memref<16384x4096xf32, #tpu.memory_space<hbm>> -> memref<8x2048xf32, #tpu.memory_space<hbm>>
        tpu.enqueue_dma source(%dma_start3A_512 : memref<8x2048xf32, #tpu.memory_space<hbm>>) target(%arg5 : memref<8x2048xf32, #tpu.memory_space<vmem>>) target_semaphore(%arg9 : memref<!tpu.dma_semaphore, #tpu.memory_space<semaphore_mem>>)
      } else {
      }
      %jit3A_367 = arith.constant 2 : i32
      %div3A_368 = arith.divsi %add3A_354, %jit3A_367 : i32
      %sign3A_369 = arith.constant 0 : i32
      %sign3A_370 = arith.cmpi sgt, %add3A_354, %sign3A_369 : i32
      %sign3A_371 = arith.extui %sign3A_370 : i1 to i32
      %sign3A_372 = arith.constant 0 : i32
      %sign3A_373 = arith.cmpi slt, %add3A_354, %sign3A_372 : i32
      %sign3A_374 = arith.extui %sign3A_373 : i1 to i32
      %sign3A_375 = arith.subi %sign3A_371, %sign3A_374 : i32
      %sign3A_376 = arith.constant 0 : i32
      %sign3A_377 = arith.cmpi sgt, %jit3A_367, %sign3A_376 : i32
      %sign3A_378 = arith.extui %sign3A_377 : i1 to i32
      %sign3A_379 = arith.constant 0 : i32
      %sign3A_380 = arith.cmpi slt, %jit3A_367, %sign3A_379 : i32
      %sign3A_381 = arith.extui %sign3A_380 : i1 to i32
      %sign3A_382 = arith.subi %sign3A_378, %sign3A_381 : i32
      %ne3A_383 = arith.cmpi ne, %sign3A_375, %sign3A_382 : i32
      %rem3A_384 = arith.remsi %add3A_354, %jit3A_367 : i32
      %ne3A_385 = arith.constant 0 : i32
      %ne3A_386 = arith.cmpi ne, %rem3A_384, %ne3A_385 : i32
      %and3A_387 = arith.andi %ne3A_383, %ne3A_386 : i1
      %sub3A_388 = arith.constant 1 : i32
      %sub3A_389 = arith.subi %div3A_368, %sub3A_388 : i32
      %select_n3A_390 = arith.select %and3A_387, %sub3A_389, %div3A_368 : i32
      %mul3A_391 = arith.constant 8 : i32
      %mul3A_392 = arith.muli %select_n3A_390, %mul3A_391 : i32
      %add3A_393 = arith.addi %mul3A_2, %mul3A_392 : i32
      %jit3A_394 = arith.constant 2 : i32
      %eq3A_395 = arith.constant 0 : i32
      %eq3A_396 = arith.cmpi eq, %jit3A_394, %eq3A_395 : i32
      %jit3A_397 = arith.constant 1 : i32
      %select_n3A_398 = arith.select %eq3A_396, %jit3A_397, %jit3A_394 : i32
      %rem3A_399 = arith.remsi %add3A_354, %select_n3A_398 : i32
      %ne3A_400 = arith.constant 0 : i32
      %ne3A_401 = arith.cmpi ne, %rem3A_399, %ne3A_400 : i32
      %lt3A_402 = arith.constant 0 : i32
      %lt3A_403 = arith.cmpi slt, %rem3A_399, %lt3A_402 : i32
      %lt3A_404 = arith.constant 0 : i32
      %lt3A_405 = arith.cmpi slt, %select_n3A_398, %lt3A_404 : i32
      %ne3A_406 = arith.xori %lt3A_403, %lt3A_405 : i1
      %and3A_407 = arith.andi %ne3A_406, %ne3A_401 : i1
      %add3A_408 = arith.addi %rem3A_399, %select_n3A_398 : i32
      %select_n3A_409 = arith.select %and3A_407, %add3A_408, %rem3A_399 : i32
      %mul3A_410 = arith.constant 2048 : i32
      %mul3A_411 = arith.muli %select_n3A_409, %mul3A_410 : i32
      %dma_wait3A_412 = tpu.memref_slice %arg2[%add3A_393, %mul3A_411] : memref<16384x4096xf32, #tpu.memory_space<hbm>> -> memref<8x2048xf32, #tpu.memory_space<hbm>>
      %dma_wait3A_413 = tpu.memref_slice %arg2[%add3A_393, %mul3A_411] : memref<16384x4096xf32, #tpu.memory_space<hbm>> -> memref<8x2048xf32, #tpu.memory_space<hbm>>
      tpu.wait_dma2 semaphore(%arg11 : memref<!tpu.dma_semaphore, #tpu.memory_space<semaphore_mem>>) src(%dma_wait3A_413 : memref<8x2048xf32, #tpu.memory_space<hbm>>) dst(%arg7 : memref<8x2048xf32, #tpu.memory_space<vmem>>)
      %parallel_loop3A_414 = arith.constant 0 : i32
      %parallel_loop3A_415 = arith.constant 2048 : i32
      %parallel_loop3A_416 = arith.constant 16 : i32
      scf.for %parallel_loop3A_464 = %parallel_loop3A_414 to %parallel_loop3A_415 step %parallel_loop3A_416  : i32 {
        %parallel_loop3A_465 = arith.constant 0 : i32
        %parallel_loop3A_466 = arith.index_cast %parallel_loop3A_465 : i32 to index
        %parallel_loop3A_467 = arith.index_cast %parallel_loop3A_464 : i32 to index
        %parallel_loop3A_468 = tpu.vector_load %arg7[%parallel_loop3A_466, %parallel_loop3A_467] {strides = array<i32>} : memref<8x2048xf32, #tpu.memory_space<vmem>>, vector<1x16xf32>,
        %parallel_loop3A_469 = vector.shape_cast %parallel_loop3A_468 : vector<1x16xf32> to vector<16xf32>
        %parallel_loop3A_470 = arith.constant -1.000000e-01 : f32
        %parallel_loop3A_471 = vector.broadcast %parallel_loop3A_470 : f32 to vector<16xf32>
        %parallel_loop3A_472 = arith.cmpf ogt, %parallel_loop3A_469, %parallel_loop3A_471 : vector<16xf32>
        %parallel_loop3A_473 = arith.constant -1.000000e-01 : f32
        %parallel_loop3A_474 = arith.constant 1.000000e-01 : f32
        %parallel_loop3A_475 = vector.broadcast %parallel_loop3A_473 : f32 to vector<16xf32>
        %parallel_loop3A_476 = vector.broadcast %parallel_loop3A_474 : f32 to vector<16xf32>
        %parallel_loop3A_477 = arith.select %parallel_loop3A_472, %parallel_loop3A_475, %parallel_loop3A_476 : vector<16xi1>, vector<16xf32>
        %parallel_loop3A_478 = arith.addf %parallel_loop3A_469, %parallel_loop3A_477 : vector<16xf32>
        %parallel_loop3A_479 = arith.constant 0 : i32
        %parallel_loop3A_480 = arith.index_cast %parallel_loop3A_479 : i32 to index
        %parallel_loop3A_481 = arith.index_cast %parallel_loop3A_464 : i32 to index
        %parallel_loop3A_482 = tpu.vector_load %arg7[%parallel_loop3A_480, %parallel_loop3A_481] {strides = array<i32>} : memref<8x2048xf32, #tpu.memory_space<vmem>>, vector<1x16xf32>,
        %parallel_loop3A_483 = vector.shape_cast %parallel_loop3A_482 : vector<1x16xf32> to vector<16xf32>
        %parallel_loop3A_484 = vector.shape_cast %parallel_loop3A_478 : vector<16xf32> to vector<1x16xf32>
        tpu.vector_store %arg7[%parallel_loop3A_480, %parallel_loop3A_481], %parallel_loop3A_484 {strides = array<i32>} : memref<8x2048xf32, #tpu.memory_space<vmem>>, vector<1x16xf32>,
        %parallel_loop3A_485 = arith.constant 1 : i32
        %parallel_loop3A_486 = arith.index_cast %parallel_loop3A_485 : i32 to index
        %parallel_loop3A_487 = arith.index_cast %parallel_loop3A_464 : i32 to index
        %parallel_loop3A_488 = tpu.vector_load %arg7[%parallel_loop3A_486, %parallel_loop3A_487] {strides = array<i32>} : memref<8x2048xf32, #tpu.memory_space<vmem>>, vector<1x16xf32>,
        %parallel_loop3A_489 = vector.shape_cast %parallel_loop3A_488 : vector<1x16xf32> to vector<16xf32>
        %parallel_loop3A_490 = arith.constant -1.000000e-01 : f32
        %parallel_loop3A_491 = vector.broadcast %parallel_loop3A_490 : f32 to vector<16xf32>
        %parallel_loop3A_492 = arith.cmpf ogt, %parallel_loop3A_489, %parallel_loop3A_491 : vector<16xf32>
        %parallel_loop3A_493 = arith.constant -1.000000e-01 : f32
        %parallel_loop3A_494 = arith.constant 1.000000e-01 : f32
        %parallel_loop3A_495 = vector.broadcast %parallel_loop3A_493 : f32 to vector<16xf32>
        %parallel_loop3A_496 = vector.broadcast %parallel_loop3A_494 : f32 to vector<16xf32>
        %parallel_loop3A_497 = arith.select %parallel_loop3A_492, %parallel_loop3A_495, %parallel_loop3A_496 : vector<16xi1>, vector<16xf32>
        %parallel_loop3A_498 = arith.addf %parallel_loop3A_489, %parallel_loop3A_497 : vector<16xf32>
        %parallel_loop3A_499 = arith.constant 1 : i32
        %parallel_loop3A_500 = arith.index_cast %parallel_loop3A_499 : i32 to index
        %parallel_loop3A_501 = arith.index_cast %parallel_loop3A_464 : i32 to index
        %parallel_loop3A_502 = tpu.vector_load %arg7[%parallel_loop3A_500, %parallel_loop3A_501] {strides = array<i32>} : memref<8x2048xf32, #tpu.memory_space<vmem>>, vector<1x16xf32>,
        %parallel_loop3A_503 = vector.shape_cast %parallel_loop3A_502 : vector<1x16xf32> to vector<16xf32>
        %parallel_loop3A_504 = vector.shape_cast %parallel_loop3A_498 : vector<16xf32> to vector<1x16xf32>
        tpu.vector_store %arg7[%parallel_loop3A_500, %parallel_loop3A_501], %parallel_loop3A_504 {strides = array<i32>} : memref<8x2048xf32, #tpu.memory_space<vmem>>, vector<1x16xf32>,
        %parallel_loop3A_505 = arith.constant 2 : i32
        %parallel_loop3A_506 = arith.index_cast %parallel_loop3A_505 : i32 to index
        %parallel_loop3A_507 = arith.index_cast %parallel_loop3A_464 : i32 to index
        %parallel_loop3A_508 = tpu.vector_load %arg7[%parallel_loop3A_506, %parallel_loop3A_507] {strides = array<i32>} : memref<8x2048xf32, #tpu.memory_space<vmem>>, vector<1x16xf32>,
        %parallel_loop3A_509 = vector.shape_cast %parallel_loop3A_508 : vector<1x16xf32> to vector<16xf32>
        %parallel_loop3A_510 = arith.constant -1.000000e-01 : f32
        %parallel_loop3A_511 = vector.broadcast %parallel_loop3A_510 : f32 to vector<16xf32>
        %parallel_loop3A_512 = arith.cmpf ogt, %parallel_loop3A_509, %parallel_loop3A_511 : vector<16xf32>
        %parallel_loop3A_513 = arith.constant -1.000000e-01 : f32
        %parallel_loop3A_514 = arith.constant 1.000000e-01 : f32
        %parallel_loop3A_515 = vector.broadcast %parallel_loop3A_513 : f32 to vector<16xf32>
        %parallel_loop3A_516 = vector.broadcast %parallel_loop3A_514 : f32 to vector<16xf32>
        %parallel_loop3A_517 = arith.select %parallel_loop3A_512, %parallel_loop3A_515, %parallel_loop3A_516 : vector<16xi1>, vector<16xf32>
        %parallel_loop3A_518 = arith.addf %parallel_loop3A_509, %parallel_loop3A_517 : vector<16xf32>
        %parallel_loop3A_519 = arith.constant 2 : i32
        %parallel_loop3A_520 = arith.index_cast %parallel_loop3A_519 : i32 to index
        %parallel_loop3A_521 = arith.index_cast %parallel_loop3A_464 : i32 to index
        %parallel_loop3A_522 = tpu.vector_load %arg7[%parallel_loop3A_520, %parallel_loop3A_521] {strides = array<i32>} : memref<8x2048xf32, #tpu.memory_space<vmem>>, vector<1x16xf32>,
        %parallel_loop3A_523 = vector.shape_cast %parallel_loop3A_522 : vector<1x16xf32> to vector<16xf32>
        %parallel_loop3A_524 = vector.shape_cast %parallel_loop3A_518 : vector<16xf32> to vector<1x16xf32>
        tpu.vector_store %arg7[%parallel_loop3A_520, %parallel_loop3A_521], %parallel_loop3A_524 {strides = array<i32>} : memref<8x2048xf32, #tpu.memory_space<vmem>>, vector<1x16xf32>,
        %parallel_loop3A_525 = arith.constant 3 : i32
        %parallel_loop3A_526 = arith.index_cast %parallel_loop3A_525 : i32 to index
        %parallel_loop3A_527 = arith.index_cast %parallel_loop3A_464 : i32 to index
        %parallel_loop3A_528 = tpu.vector_load %arg7[%parallel_loop3A_526, %parallel_loop3A_527] {strides = array<i32>} : memref<8x2048xf32, #tpu.memory_space<vmem>>, vector<1x16xf32>,
        %parallel_loop3A_529 = vector.shape_cast %parallel_loop3A_528 : vector<1x16xf32> to vector<16xf32>
        %parallel_loop3A_530 = arith.constant -1.000000e-01 : f32
        %parallel_loop3A_531 = vector.broadcast %parallel_loop3A_530 : f32 to vector<16xf32>
        %parallel_loop3A_532 = arith.cmpf ogt, %parallel_loop3A_529, %parallel_loop3A_531 : vector<16xf32>
        %parallel_loop3A_533 = arith.constant -1.000000e-01 : f32
        %parallel_loop3A_534 = arith.constant 1.000000e-01 : f32
        %parallel_loop3A_535 = vector.broadcast %parallel_loop3A_533 : f32 to vector<16xf32>
        %parallel_loop3A_536 = vector.broadcast %parallel_loop3A_534 : f32 to vector<16xf32>
        %parallel_loop3A_537 = arith.select %parallel_loop3A_532, %parallel_loop3A_535, %parallel_loop3A_536 : vector<16xi1>, vector<16xf32>
        %parallel_loop3A_538 = arith.addf %parallel_loop3A_529, %parallel_loop3A_537 : vector<16xf32>
        %parallel_loop3A_539 = arith.constant 3 : i32
        %parallel_loop3A_540 = arith.index_cast %parallel_loop3A_539 : i32 to index
        %parallel_loop3A_541 = arith.index_cast %parallel_loop3A_464 : i32 to index
        %parallel_loop3A_542 = tpu.vector_load %arg7[%parallel_loop3A_540, %parallel_loop3A_541] {strides = array<i32>} : memref<8x2048xf32, #tpu.memory_space<vmem>>, vector<1x16xf32>,
        %parallel_loop3A_543 = vector.shape_cast %parallel_loop3A_542 : vector<1x16xf32> to vector<16xf32>
        %parallel_loop3A_544 = vector.shape_cast %parallel_loop3A_538 : vector<16xf32> to vector<1x16xf32>
        tpu.vector_store %arg7[%parallel_loop3A_540, %parallel_loop3A_541], %parallel_loop3A_544 {strides = array<i32>} : memref<8x2048xf32, #tpu.memory_space<vmem>>, vector<1x16xf32>,
        %parallel_loop3A_545 = arith.constant 4 : i32
        %parallel_loop3A_546 = arith.index_cast %parallel_loop3A_545 : i32 to index
        %parallel_loop3A_547 = arith.index_cast %parallel_loop3A_464 : i32 to index
        %parallel_loop3A_548 = tpu.vector_load %arg7[%parallel_loop3A_546, %parallel_loop3A_547] {strides = array<i32>} : memref<8x2048xf32, #tpu.memory_space<vmem>>, vector<1x16xf32>,
        %parallel_loop3A_549 = vector.shape_cast %parallel_loop3A_548 : vector<1x16xf32> to vector<16xf32>
        %parallel_loop3A_550 = arith.constant -1.000000e-01 : f32
        %parallel_loop3A_551 = vector.broadcast %parallel_loop3A_550 : f32 to vector<16xf32>
        %parallel_loop3A_552 = arith.cmpf ogt, %parallel_loop3A_549, %parallel_loop3A_551 : vector<16xf32>
        %parallel_loop3A_553 = arith.constant -1.000000e-01 : f32
        %parallel_loop3A_554 = arith.constant 1.000000e-01 : f32
        %parallel_loop3A_555 = vector.broadcast %parallel_loop3A_553 : f32 to vector<16xf32>
        %parallel_loop3A_556 = vector.broadcast %parallel_loop3A_554 : f32 to vector<16xf32>
        %parallel_loop3A_557 = arith.select %parallel_loop3A_552, %parallel_loop3A_555, %parallel_loop3A_556 : vector<16xi1>, vector<16xf32>
        %parallel_loop3A_558 = arith.addf %parallel_loop3A_549, %parallel_loop3A_557 : vector<16xf32>
        %parallel_loop3A_559 = arith.constant 4 : i32
        %parallel_loop3A_560 = arith.index_cast %parallel_loop3A_559 : i32 to index
        %parallel_loop3A_561 = arith.index_cast %parallel_loop3A_464 : i32 to index
        %parallel_loop3A_562 = tpu.vector_load %arg7[%parallel_loop3A_560, %parallel_loop3A_561] {strides = array<i32>} : memref<8x2048xf32, #tpu.memory_space<vmem>>, vector<1x16xf32>,
        %parallel_loop3A_563 = vector.shape_cast %parallel_loop3A_562 : vector<1x16xf32> to vector<16xf32>
        %parallel_loop3A_564 = vector.shape_cast %parallel_loop3A_558 : vector<16xf32> to vector<1x16xf32>
        tpu.vector_store %arg7[%parallel_loop3A_560, %parallel_loop3A_561], %parallel_loop3A_564 {strides = array<i32>} : memref<8x2048xf32, #tpu.memory_space<vmem>>, vector<1x16xf32>,
        %parallel_loop3A_565 = arith.constant 5 : i32
        %parallel_loop3A_566 = arith.index_cast %parallel_loop3A_565 : i32 to index
        %parallel_loop3A_567 = arith.index_cast %parallel_loop3A_464 : i32 to index
        %parallel_loop3A_568 = tpu.vector_load %arg7[%parallel_loop3A_566, %parallel_loop3A_567] {strides = array<i32>} : memref<8x2048xf32, #tpu.memory_space<vmem>>, vector<1x16xf32>,
        %parallel_loop3A_569 = vector.shape_cast %parallel_loop3A_568 : vector<1x16xf32> to vector<16xf32>
        %parallel_loop3A_570 = arith.constant -1.000000e-01 : f32
        %parallel_loop3A_571 = vector.broadcast %parallel_loop3A_570 : f32 to vector<16xf32>
        %parallel_loop3A_572 = arith.cmpf ogt, %parallel_loop3A_569, %parallel_loop3A_571 : vector<16xf32>
        %parallel_loop3A_573 = arith.constant -1.000000e-01 : f32
        %parallel_loop3A_574 = arith.constant 1.000000e-01 : f32
        %parallel_loop3A_575 = vector.broadcast %parallel_loop3A_573 : f32 to vector<16xf32>
        %parallel_loop3A_576 = vector.broadcast %parallel_loop3A_574 : f32 to vector<16xf32>
        %parallel_loop3A_577 = arith.select %parallel_loop3A_572, %parallel_loop3A_575, %parallel_loop3A_576 : vector<16xi1>, vector<16xf32>
        %parallel_loop3A_578 = arith.addf %parallel_loop3A_569, %parallel_loop3A_577 : vector<16xf32>
        %parallel_loop3A_579 = arith.constant 5 : i32
        %parallel_loop3A_580 = arith.index_cast %parallel_loop3A_579 : i32 to index
        %parallel_loop3A_581 = arith.index_cast %parallel_loop3A_464 : i32 to index
        %parallel_loop3A_582 = tpu.vector_load %arg7[%parallel_loop3A_580, %parallel_loop3A_581] {strides = array<i32>} : memref<8x2048xf32, #tpu.memory_space<vmem>>, vector<1x16xf32>,
        %parallel_loop3A_583 = vector.shape_cast %parallel_loop3A_582 : vector<1x16xf32> to vector<16xf32>
        %parallel_loop3A_584 = vector.shape_cast %parallel_loop3A_578 : vector<16xf32> to vector<1x16xf32>
        tpu.vector_store %arg7[%parallel_loop3A_580, %parallel_loop3A_581], %parallel_loop3A_584 {strides = array<i32>} : memref<8x2048xf32, #tpu.memory_space<vmem>>, vector<1x16xf32>,
        %parallel_loop3A_585 = arith.constant 6 : i32
        %parallel_loop3A_586 = arith.index_cast %parallel_loop3A_585 : i32 to index
        %parallel_loop3A_587 = arith.index_cast %parallel_loop3A_464 : i32 to index
        %parallel_loop3A_588 = tpu.vector_load %arg7[%parallel_loop3A_586, %parallel_loop3A_587] {strides = array<i32>} : memref<8x2048xf32, #tpu.memory_space<vmem>>, vector<1x16xf32>,
        %parallel_loop3A_589 = vector.shape_cast %parallel_loop3A_588 : vector<1x16xf32> to vector<16xf32>
        %parallel_loop3A_590 = arith.constant -1.000000e-01 : f32
        %parallel_loop3A_591 = vector.broadcast %parallel_loop3A_590 : f32 to vector<16xf32>
        %parallel_loop3A_592 = arith.cmpf ogt, %parallel_loop3A_589, %parallel_loop3A_591 : vector<16xf32>
        %parallel_loop3A_593 = arith.constant -1.000000e-01 : f32
        %parallel_loop3A_594 = arith.constant 1.000000e-01 : f32
        %parallel_loop3A_595 = vector.broadcast %parallel_loop3A_593 : f32 to vector<16xf32>
        %parallel_loop3A_596 = vector.broadcast %parallel_loop3A_594 : f32 to vector<16xf32>
        %parallel_loop3A_597 = arith.select %parallel_loop3A_592, %parallel_loop3A_595, %parallel_loop3A_596 : vector<16xi1>, vector<16xf32>
        %parallel_loop3A_598 = arith.addf %parallel_loop3A_589, %parallel_loop3A_597 : vector<16xf32>
        %parallel_loop3A_599 = arith.constant 6 : i32
        %parallel_loop3A_600 = arith.index_cast %parallel_loop3A_599 : i32 to index
        %parallel_loop3A_601 = arith.index_cast %parallel_loop3A_464 : i32 to index
        %parallel_loop3A_602 = tpu.vector_load %arg7[%parallel_loop3A_600, %parallel_loop3A_601] {strides = array<i32>} : memref<8x2048xf32, #tpu.memory_space<vmem>>, vector<1x16xf32>,
        %parallel_loop3A_603 = vector.shape_cast %parallel_loop3A_602 : vector<1x16xf32> to vector<16xf32>
        %parallel_loop3A_604 = vector.shape_cast %parallel_loop3A_598 : vector<16xf32> to vector<1x16xf32>
        tpu.vector_store %arg7[%parallel_loop3A_600, %parallel_loop3A_601], %parallel_loop3A_604 {strides = array<i32>} : memref<8x2048xf32, #tpu.memory_space<vmem>>, vector<1x16xf32>,
        %parallel_loop3A_605 = arith.constant 7 : i32
        %parallel_loop3A_606 = arith.index_cast %parallel_loop3A_605 : i32 to index
        %parallel_loop3A_607 = arith.index_cast %parallel_loop3A_464 : i32 to index
        %parallel_loop3A_608 = tpu.vector_load %arg7[%parallel_loop3A_606, %parallel_loop3A_607] {strides = array<i32>} : memref<8x2048xf32, #tpu.memory_space<vmem>>, vector<1x16xf32>,
        %parallel_loop3A_609 = vector.shape_cast %parallel_loop3A_608 : vector<1x16xf32> to vector<16xf32>
        %parallel_loop3A_610 = arith.constant -1.000000e-01 : f32
        %parallel_loop3A_611 = vector.broadcast %parallel_loop3A_610 : f32 to vector<16xf32>
        %parallel_loop3A_612 = arith.cmpf ogt, %parallel_loop3A_609, %parallel_loop3A_611 : vector<16xf32>
        %parallel_loop3A_613 = arith.constant -1.000000e-01 : f32
        %parallel_loop3A_614 = arith.constant 1.000000e-01 : f32
        %parallel_loop3A_615 = vector.broadcast %parallel_loop3A_613 : f32 to vector<16xf32>
        %parallel_loop3A_616 = vector.broadcast %parallel_loop3A_614 : f32 to vector<16xf32>
        %parallel_loop3A_617 = arith.select %parallel_loop3A_612, %parallel_loop3A_615, %parallel_loop3A_616 : vector<16xi1>, vector<16xf32>
        %parallel_loop3A_618 = arith.addf %parallel_loop3A_609, %parallel_loop3A_617 : vector<16xf32>
        %parallel_loop3A_619 = arith.constant 7 : i32
        %parallel_loop3A_620 = arith.index_cast %parallel_loop3A_619 : i32 to index
        %parallel_loop3A_621 = arith.index_cast %parallel_loop3A_464 : i32 to index
        %parallel_loop3A_622 = tpu.vector_load %arg7[%parallel_loop3A_620, %parallel_loop3A_621] {strides = array<i32>} : memref<8x2048xf32, #tpu.memory_space<vmem>>, vector<1x16xf32>,
        %parallel_loop3A_623 = vector.shape_cast %parallel_loop3A_622 : vector<1x16xf32> to vector<16xf32>
        %parallel_loop3A_624 = vector.shape_cast %parallel_loop3A_618 : vector<16xf32> to vector<1x16xf32>
        tpu.vector_store %arg7[%parallel_loop3A_620, %parallel_loop3A_621], %parallel_loop3A_624 {strides = array<i32>} : memref<8x2048xf32, #tpu.memory_space<vmem>>, vector<1x16xf32>,
      } {sc.loop_unroll_factor = 8 : i64, sc.parallel_access}
      %jit3A_417 = arith.constant 2 : i32
      %div3A_418 = arith.divsi %add3A_354, %jit3A_417 : i32
      %sign3A_419 = arith.constant 0 : i32
      %sign3A_420 = arith.cmpi sgt, %add3A_354, %sign3A_419 : i32
      %sign3A_421 = arith.extui %sign3A_420 : i1 to i32
      %sign3A_422 = arith.constant 0 : i32
      %sign3A_423 = arith.cmpi slt, %add3A_354, %sign3A_422 : i32
      %sign3A_424 = arith.extui %sign3A_423 : i1 to i32
      %sign3A_425 = arith.subi %sign3A_421, %sign3A_424 : i32
      %sign3A_426 = arith.constant 0 : i32
      %sign3A_427 = arith.cmpi sgt, %jit3A_417, %sign3A_426 : i32
      %sign3A_428 = arith.extui %sign3A_427 : i1 to i32
      %sign3A_429 = arith.constant 0 : i32
      %sign3A_430 = arith.cmpi slt, %jit3A_417, %sign3A_429 : i32
      %sign3A_431 = arith.extui %sign3A_430 : i1 to i32
      %sign3A_432 = arith.subi %sign3A_428, %sign3A_431 : i32
      %ne3A_433 = arith.cmpi ne, %sign3A_425, %sign3A_432 : i32
      %rem3A_434 = arith.remsi %add3A_354, %jit3A_417 : i32
      %ne3A_435 = arith.constant 0 : i32
      %ne3A_436 = arith.cmpi ne, %rem3A_434, %ne3A_435 : i32
      %and3A_437 = arith.andi %ne3A_433, %ne3A_436 : i1
      %sub3A_438 = arith.constant 1 : i32
      %sub3A_439 = arith.subi %div3A_418, %sub3A_438 : i32
      %select_n3A_440 = arith.select %and3A_437, %sub3A_439, %div3A_418 : i32
      %mul3A_441 = arith.constant 8 : i32
      %mul3A_442 = arith.muli %select_n3A_440, %mul3A_441 : i32
      %add3A_443 = arith.addi %mul3A_2, %mul3A_442 : i32
      %jit3A_444 = arith.constant 2 : i32
      %eq3A_445 = arith.constant 0 : i32
      %eq3A_446 = arith.cmpi eq, %jit3A_444, %eq3A_445 : i32
      %jit3A_447 = arith.constant 1 : i32
      %select_n3A_448 = arith.select %eq3A_446, %jit3A_447, %jit3A_444 : i32
      %rem3A_449 = arith.remsi %add3A_354, %select_n3A_448 : i32
      %ne3A_450 = arith.constant 0 : i32
      %ne3A_451 = arith.cmpi ne, %rem3A_449, %ne3A_450 : i32
      %lt3A_452 = arith.constant 0 : i32
      %lt3A_453 = arith.cmpi slt, %rem3A_449, %lt3A_452 : i32
      %lt3A_454 = arith.constant 0 : i32
      %lt3A_455 = arith.cmpi slt, %select_n3A_448, %lt3A_454 : i32
      %ne3A_456 = arith.xori %lt3A_453, %lt3A_455 : i1
      %and3A_457 = arith.andi %ne3A_456, %ne3A_451 : i1
      %add3A_458 = arith.addi %rem3A_449, %select_n3A_448 : i32
      %select_n3A_459 = arith.select %and3A_457, %add3A_458, %rem3A_449 : i32
      %mul3A_460 = arith.constant 2048 : i32
      %mul3A_461 = arith.muli %select_n3A_459, %mul3A_460 : i32
      %dma_start3A_462 = tpu.memref_slice %arg3[%add3A_443, %mul3A_461] : memref<16384x4096xf32, #tpu.memory_space<hbm>> -> memref<8x2048xf32, #tpu.memory_space<hbm>>
      %dma_start3A_463 = tpu.memref_slice %arg3[%add3A_443, %mul3A_461] : memref<16384x4096xf32, #tpu.memory_space<hbm>> -> memref<8x2048xf32, #tpu.memory_space<hbm>>
      tpu.enqueue_dma source(%arg7 : memref<8x2048xf32, #tpu.memory_space<vmem>>) target(%dma_start3A_463 : memref<8x2048xf32, #tpu.memory_space<hbm>>) target_semaphore(%arg15 : memref<!tpu.dma_semaphore, #tpu.memory_space<semaphore_mem>>)
    }
    %scan3A_17 = arith.constant 32 : i32
    %add3A_18 = arith.constant 504 : i32
    %add3A_19 = arith.addi %mul3A_2, %add3A_18 : i32
    %dma_wait3A = arith.constant 0 : i32
    %dma_wait3A_20 = tpu.memref_slice %arg3[%add3A_19, %dma_wait3A] : memref<16384x4096xf32, #tpu.memory_space<hbm>> -> memref<8x2048xf32, #tpu.memory_space<hbm>>
    %dma_wait3A_21 = arith.constant 0 : i32
    %dma_wait3A_22 = tpu.memref_slice %arg3[%add3A_19, %dma_wait3A_21] : memref<16384x4096xf32, #tpu.memory_space<hbm>> -> memref<8x2048xf32, #tpu.memory_space<hbm>>
    tpu.wait_dma2 semaphore(%arg14 : memref<!tpu.dma_semaphore, #tpu.memory_space<semaphore_mem>>) src(%arg6 : memref<8x2048xf32, #tpu.memory_space<vmem>>) dst(%dma_wait3A_22 : memref<8x2048xf32, #tpu.memory_space<hbm>>)
    %add3A_23 = arith.constant 504 : i32
    %add3A_24 = arith.addi %mul3A_2, %add3A_23 : i32
    %dma_wait3A_25 = arith.constant 2048 : i32
    %dma_wait3A_26 = tpu.memref_slice %arg3[%add3A_24, %dma_wait3A_25] : memref<16384x4096xf32, #tpu.memory_space<hbm>> -> memref<8x2048xf32, #tpu.memory_space<hbm>>
    %dma_wait3A_27 = arith.constant 2048 : i32
    %dma_wait3A_28 = tpu.memref_slice %arg3[%add3A_24, %dma_wait3A_27] : memref<16384x4096xf32, #tpu.memory_space<hbm>> -> memref<8x2048xf32, #tpu.memory_space<hbm>>
    tpu.wait_dma2 semaphore(%arg15 : memref<!tpu.dma_semaphore, #tpu.memory_space<semaphore_mem>>) src(%arg7 : memref<8x2048xf32, #tpu.memory_space<vmem>>) dst(%dma_wait3A_28 : memref<8x2048xf32, #tpu.memory_space<hbm>>)
    return
  }
}

</mosaic_0001>

<sc_bundles>
// kernel: kernel.3.cloned.1.call-start
scs
__scs_entry_jumppad:
0x0: {  	(pc) =	sbr.rel $0x88, $3  }
0x1: {  	(tag) =	ssettag $0x0;
	lr =	simm.s32 $0x1  }
0x2: {  	[smem:$0x3FA0] =	sst lr;
	_ =	strace $0xD0000000  }
0x3: {  	_ = 	snop  }
0x4: {  	_ = 	snop  }
0x5: {  	_ = 	snop  }
0x6: {  	_ = 	snop  }
0x7: {  	_ = 	snop  }
__scs_overlays_trampoline_lowered:
0x8: {  	[smem:$0x3FAF] =	sst s0  }
0x9: {  	[smem:$0x3FB0] =	sst s1  }
0xa: {  	[smem:$0x3FB1] =	sst s2  }
0xb: {  	[smem:$0x3FB2] =	sst s3  }
0xc: {  	[smem:$0x3FB3] =	sst s4  }
0xd: {  	[smem:$0x3FB4] =	sst s5  }
0xe: {  	[smem:$0x3FB5] =	sst s6  }
0xf: {  	[smem:$0x3FB6] =	sst s7  }
0x10: {  	[smem:$0x3FB7] =	sst s8  }
0x11: {  	[smem:$0x3FB8] =	sst s9;
	s0 =	simm.s32 @!p0 $0x0  }
0x12: {  	s1 =	sld [smem:$0x3F9E];
	s0 =	simm.s32 @p0 $0x1  }
0x13: {  	[smem:$0x3FB9] =	sst s0;
	s0 =	simm.s32 @!p1 $0x0  }
0x14: {  	s2 =	sld [smem:$0x3F9D];
	s0 =	simm.s32 @p1 $0x1  }
0x15: {  	[smem:$0x3FBA] =	sst s0;
	s0 =	simm.s32 @!p2 $0x0  }
0x16: {  	s3 =	sld [smem:$0x3FDB];
	s0 =	simm.s32 @p2 $0x1  }
0x17: {  	s4 =	simm.s32 $0x1BF5;
	[smem:$0x3FBC] =	sst s0  }
0x18: {  	s0 =	sld [smem:$0x3F9F];
	_ =	swait.ge [sflag:s4], $0x0  }
0x19: {  	s7 =	sld [smem:$0x3FA0]  }
0x1a: {  	s8 =	sadd.s32 $0xFFFFE003, lr  }
0x1b: {  	s9 =	sadd.s32 $0xFFFFFEF7, lr;
	s5 =	simm.s32 $0xFFFFFFFF;
	p2 =	slt.u32 s8, $0xFFFFF086  }
0x1c: {  	p1 =	slt.u32 s9, $0xF7A;
	s5 =	simm.s32 @!p2 $0x0  }
0x1d: {  	s5 =	simm.s32 @p1 $0x1;
	p0 =	seq.s32 s7, s2  }
0x1e: {  	s7 =	smul.u32 @!p0 $0xF7A, s2;
	p2 =	seq.s32 @!p0 s5, $0x0  }
0x1f: {  	s9 =	smul.u32 $0xF7A, s1;
	s8 =	simm.s32 @!p0 $0x1BF5;
	p2 =	por !p2, p0  }
0x20: {  	[sflag:s8] =	ssyncset.s32 @!p0 $0xFFFFF086;
	s6 =	sadd.s32 @!p0 s3, s7;
	s7 =	simm.s32 @!p0 $0x108  }
0x21: {  	s3 =	sadd.s32 s3, s9;
	s6 =	sadd.s32 @!p0 $0x88, s6;
	s7 =	simm.s32 @p2 $0x1082  }
0x22: {  	[simem:s7], [sflag:s8] =	dma.local @!p0 [hbm:s6], $0xF7A  }
0x23: {  	s9 =	sor.u32 $0xD0000000, s2;
	s6 =	simm.s32 $0x108;
	_ =	swait.ge @!p0 [sflag:s8], $0x0  }
0x24: {  	s3 =	sadd.s32 $0x88, s3;
	s6 =	simm.s32 @!p1 $0x1082;
	[sflag:s4] =	ssyncset.s32 $0xFFFFF086  }
0x25: {  	[simem:s6], [sflag:s4] =	dma.local [hbm:s3], $0xF7A  }
0x26: {  	[smem:$0x3FA0] =	sst s1;
	(tag) =	ssettag s2;
	_ =	strace s9  }
0x27: {  	s1 =	sld [smem:$0x3FB0]  }
0x28: {  	s2 =	sld [smem:$0x3FB1]  }
0x29: {  	s4 =	sld [smem:$0x3FB3]  }
0x2a: {  	p0 =	seq.s32 s5, $0x0;
	s5 =	sld [smem:$0x3FB4]  }
0x2b: {  	s6 =	sld [smem:$0x3FB5]  }
0x2c: {  	s7 =	sld [smem:$0x3FB6]  }
0x2d: {  	s3 =	simm.s32 $0x108;
	s8 =	sld [smem:$0x3FB7]  }
0x2e: {  	s3 =	simm.s32 @!p0 $0x1082;
	s9 =	sld [smem:$0x3FB8]  }
0x2f: {  	lr =	sadd.s32 s0, s3;
	s0 =	sld [smem:$0x3FAF]  }
0x30: {  	s3 =	sld [smem:$0x3FB2]  }
0x31: {  	[smem:$0x3FBB] =	sst s10  }
0x32: {  	s10 =	sld [smem:$0x3FB9];
	_ =	sdelay $0x3  }
0x33: {  	p0 =	seq.s32 s10, $0x1;
	s10 =	sld [smem:$0x3FBB];
	_ =	sdelay $0x3  }
0x34: {  	[smem:$0x3FBB] =	sst s10  }
0x35: {  	s10 =	sld [smem:$0x3FBA];
	_ =	sdelay $0x3  }
0x36: {  	p1 =	seq.s32 s10, $0x1;
	s10 =	sld [smem:$0x3FBB];
	_ =	sdelay $0x3  }
0x37: {  	[smem:$0x3FBB] =	sst s10  }
0x38: {  	s10 =	sld [smem:$0x3FBC]  }
0x39: {  	_ = 	snop;
	(pc) =	sbr.ind lr, $3  }
0x3a: {  	_ = 	snop  }
0x3b: {  	_ = 	snop  }
0x3c: {  	p2 =	seq.s32 s10, $0x1;
	s10 =	sld [smem:$0x3FBB]  }
0x3d: {  	_ =	shalt  }
0x3e: {  	_ =	shalt  }
0x3f: {  	_ =	shalt  }
0x40: {  	_ =	shalt  }
0x41: {  	_ =	shalt  }
0x42: {  	_ =	shalt  }
0x43: {  	_ =	shalt  }
0x44: {  	_ =	shalt  }
0x45: {  	_ =	shalt  }
0x46: {  	_ =	shalt  }
0x47: {  	_ =	shalt  }
0x48: {  	_ =	shalt  }
0x49: {  	_ =	shalt  }
0x4a: {  	_ =	shalt  }
0x4b: {  	_ =	shalt  }
0x4c: {  	_ =	shalt  }
0x4d: {  	_ =	shalt  }
0x4e: {  	_ =	shalt  }
0x4f: {  	_ =	shalt  }
0x50: {  	_ =	shalt  }
0x51: {  	_ =	shalt  }
0x52: {  	_ =	shalt  }
0x53: {  	_ =	shalt  }
0x54: {  	_ =	shalt  }
0x55: {  	_ =	shalt  }
0x56: {  	_ =	shalt  }
0x57: {  	_ =	shalt  }
0x58: {  	_ =	shalt  }
0x59: {  	_ =	shalt  }
0x5a: {  	_ =	shalt  }
0x5b: {  	_ =	shalt  }
0x5c: {  	_ =	shalt  }
0x5d: {  	_ =	shalt  }
0x5e: {  	_ =	shalt  }
0x5f: {  	_ =	shalt  }
0x60: {  	_ =	shalt  }
0x61: {  	_ =	shalt  }
0x62: {  	_ =	shalt  }
0x63: {  	_ =	shalt  }
0x64: {  	_ =	shalt  }
0x65: {  	_ =	shalt  }
0x66: {  	_ =	shalt  }
0x67: {  	_ =	shalt  }
0x68: {  	_ =	shalt  }
0x69: {  	_ =	shalt  }
0x6a: {  	_ =	shalt  }
0x6b: {  	_ =	shalt  }
0x6c: {  	_ =	shalt  }
0x6d: {  	_ =	shalt  }
0x6e: {  	_ =	shalt  }
0x6f: {  	_ =	shalt  }
0x70: {  	_ =	shalt  }
0x71: {  	_ =	shalt  }
0x72: {  	_ =	shalt  }
0x73: {  	_ =	shalt  }
0x74: {  	_ =	shalt  }
0x75: {  	_ =	shalt  }
0x76: {  	_ =	shalt  }
0x77: {  	_ =	shalt  }
0x78: {  	_ =	shalt  }
0x79: {  	_ =	shalt  }
0x7a: {  	_ =	shalt  }
0x7b: {  	_ =	shalt  }
0x7c: {  	_ =	shalt  }
0x7d: {  	_ =	shalt  }
0x7e: {  	_ =	shalt  }
0x7f: {  	_ =	shalt  }
0x80: {  	_ =	shalt  }
0x81: {  	_ =	shalt  }
0x82: {  	_ =	shalt  }
0x83: {  	_ =	shalt  }
0x84: {  	_ =	shalt  }
0x85: {  	_ =	shalt  }
0x86: {  	_ =	shalt  }
0x87: {  	_ =	shalt  }
.Lfunc_end0:
.L_simem_size_0:
called_computation_lowered:
.L_overlay_start_0:
0x88: {  	s2 =	sld [smem:$0x3FD9]  }
0x89: {  	s3 =	sld [smem:$0x3FFE];
	_ =	sdelay $0x1  }
0x8a: {  	s1 =	srdreg.scid  }
0x8b: {  	s0 =	sand.u32 $0x1, s1  }
0x8c: {  	s18 =	sshll.u32 s0, $0xA;
	s2 =	sadd.s32 s3, s2  }
0x8d: {  	s2 =	sadd.s32 s2, s18  }
0x8e: {  	[smem:$0x3FC7] =	sst s2  }
0x8f: {  	_ = 	snop  }
0x90: {  	s2 =	sld [smem:$0x3FC9]  }
0x91: {  	s19 =	sld [smem:$0x3FD0];
	(tm) =	ssettm $0x1  }
0x92: {  	s4 =	sld [smem:$0x3FFB];
	_ =	sdelay $0x3  }
0x93: {  	_ =	strace s4  }
0x94: {  	s4 =	sld [smem:$0x3FFC];
	_ =	sdelay $0x3  }
0x95: {  	_ =	strace s4  }
0x96: {  	s4 =	sld [smem:$0x3FFD];
	_ =	sdelay $0x3  }
0x97: {  	_ =	strace s4  }
0x98: {  	_ =	strace $0x8FFFFFFF  }
0x99: {  	s20 =	sld [smem:$0x3FDB];
	_ =	sdelay $0x1  }
0x9a: {  	s5 =	simm.s32 $_scs_section_size  }
0x9b: {  	s6 =	simm.s32 $_size__tile_overlayer_lowered;
	s7 =	simm.s32 $_tile_overlayer_lowered  }
0x9c: {  	s23 =	simm.s32 $0x1BFF;
	s22 =	sshll.u32 s7, $0x1;
	s4 =	sadd.s32 s5, s20  }
0x9d: {  	s8 =	simm.s32 $0x0;
	s21 =	sshll.u32 s6, $0x1;
	s6 =	sadd.s32 s22, s4  }
0x9e: {  	[timem:s8], [sflag:s23] =	dma.local [hbm:s6], s21  }
0x9f: {  	_ =	swait.ge [sflag:s23], s21  }
0xa0: {  	s5 =	ssub.s32 $0x0, s21;
	[sflag:s23] =	ssyncset.done $0x0  }
0xa1: {  	[sflag:s23] =	ssyncadd.s32 s5;
	_ =	sdelay $0x1  }
0xa2: {  	s24 =	simm.s32 $0x1B8B  }
0xa3: {  	_ =	swait.ge [sflag:s24], $0x1  }
0xa4: {  	[sflag:s24] =	ssyncset.done $0x0  }
0xa5: {  	s25 =	simm.s32 $0x1B8E;
	[sflag:s24] =	ssyncadd.s32 $0xFFFFFFFF  }
0xa6: {  	s26 =	simm.s32 $execute0_lowered;
	[smem:$0x3FD2] =	sst s25  }
0xa7: {  	s5 =	sshll.u32 s26, $0x1;
	_ =	strace $0x80000046;
	[dreg:$0x1] =	wrdreg $0xFFFFFFFF  }
0xa8: {  	s28 =	simm.s32 $_size_execute0_lowered;
	s4 =	sadd.s32 s4, s5;
	[dreg:$0x0] =	wrdreg $0x0  }
0xa9: {  	s5 =	sshll.u32 s28, $0x1;
	[dreg:$0x2] =	wrdreg s4  }
0xaa: {  	[dreg:$0x3] =	wrdreg s5  }
0xab: {  	[dreg:$0x4] =	wrdreg $0xC0  }
0xac: {  	_ =	task [dreg:s8], $0x5FFFF  }
0xad: {  	[dreg:$0x1] =	wrdreg $0xFFFFFFFF  }
0xae: {  	[dreg:$0x0] =	wrdreg $0x60  }
0xaf: {  	[dreg:$0x2] =	wrdreg s2  }
0xb0: {  	[dreg:$0x3] =	wrdreg s19  }
0xb1: {  	[dreg:$0x4] =	wrdreg $0x9  }
0xb2: {  	_ =	task.clear_ibuf [dreg:s8], $0x5FFFF;
	_ =	strace $0x90000046  }
0xb3: {  	s29 =	simm.s32 $0x9;
	_ =	strace $0x80000048  }
0xb4: {  	_ =	swait.ge [sflag:s29], $0x1  }
0xb5: {  	[sflag:s29] =	ssyncadd.s32 $0xFFFFFFFF  }
0xb6: {  	_ =	strace $0x90000048  }
0xb7: {  	_ =	sfence  }
0xb8: {  	s30 =	sld [smem:$0x0];
	_ =	sdelay $0x2  }
0xb9: {  	s31 =	sshll.u32 s1, $0xD;
	s1 =	sshrl.u32 s1, $0x2  }
0xba: {  	s3 =	sand.u32 $0x4000, s31;
	s1 =	sadd.s32 s1, s30  }
0xbb: {  	s0 =	sor.u32 s3, s0;
	s1 =	sshll.u32 s1, $0x11  }
0xbc: {  	s0 =	sor.u32 s1, s0  }
0xbd: {  	s0 =	sadd.s32 $0x8F2B, s0  }
0xbe: {  	[sflag:s0] =	ssyncadd.remote.s32 $0x1  }
0xbf: {  	_ =	sfence.sel $0xFFFF  }
0xc0: {  	[dreg:$0x0] =	wrdreg $0xFFFFFFFF;
	(pc) =	sbr.abs _section_cstart, $3  }
0xc1: {  	[dreg:$0x1] =	wrdreg $0xFFFFFFFF  }
0xc2: {  	_ =	task.clear_ibuf [dreg:s8], $0x2FFFF;
	_ =	strace $0x9FFFFFFF  }
0xc3: {  	(tm) =	ssettm $0x7FFFFFFF  }
tec
execute0_lowered:
.L_overlay_start_1:
0x0: {  	(tag) =	ssettag $0x1  }
0x1: {  	s1 =	rddreg [dreg:$0x0]  }
0x2: {  	s3 =	rddreg [dreg:$0x1];
	s0 =	srdreg.scid  }
0x3: {  	s4 =	simm.s32 $0x0;
	s5 =	stileid.u32;
	s13 =	simm.s32 $0x4000  }
0x4: {  	s14 =	simm.s32 $0x8000;
	s15 =	simm.s32 $0x1;
	s16 =	simm.s32 $0xC000  }
0x5: {  	s17 =	simm.s32 $0x2;
	s18 =	simm.s32 $0x5;
	s19 =	simm.s32 $0x3  }
0x6: {  	s20 =	simm.s32 $0x6;
	s21 =	simm.s32 $0x4;
	s22 =	simm.s32 $0x7  }
0x7: {  	s23 =	simm.s32 $0x8;
	s24 =	simm.s32 $0x0;
	s0 =	sand.u32 $0x1, s0  }
0x8: {  	s5 =	sshll.u32 s5, $0x13;
	s2 =	ssub.s32 $0x2, s0;
	s0 =	sshll.u32 s0, $0x12  }
0x9: {  	[smem:$0x7FF] =	sst s4;
	s6 =	sshrl.u32 s2, $0x1;
	s5 =	sor.u32 s0, s5  }
0xa: {  	s9 =	sadd.s32 $0x800, s3;
	s31 =	ssub.s32 s2, s6;
	s6 =	sadd.s32 s1, s5  }
0xb: {  	_ =	strace $0x80000047;
	s8 =	sor.u32 $0x1000, s5;
	s7 =	sadd.s32 $0x800, s6  }
0xc: {  	v0 =	vimm.f32 $1.000000010e-01;
	s10 =	sadd.s32 $0x2000, s6;
	s11 =	smax.u32 s31, $0x1;
	s12 =	sadd.s32 $0x2800, s6  }
.LBB2_1:
0xd: {  	[tilespmem:s4], [sflag:$0x1] =	stream.linear.gather [hbm4b:s6+s4], $0x4000, $0x38;
	[tilespmem:$0x10000] =	vst v63  }
0xe: {  	s25 =	simm.s32 $0x0  }
0xf: {  	[tilespmem:s13], [sflag:$0x2] =	stream.linear.gather [hbm4b:s7+s4], $0x4000, $0x38;
	[tilespmem:$0x10000] =	vst v63  }
.LBB2_2:
0x10: {  	p0 =	seq.s32 s25, $0x0  }
0x11: {  	s0 =	simm.s32 @!p0 $0x7  }
0x12: {  	s26 =	sshll.u32 s25, $0xD;
	_ =	swait.ge @!p0 [sflag:s0], $0x4000  }
0x13: {  	s28 =	sadd.s32 s8, s26;
	[sflag:s0] =	ssyncset.done @!p0 $0x0  }
0x14: {  	s31 =	sadd.s32 s1, s28;
	[sflag:s0] =	ssyncadd.s32 @!p0 $0xFFFFC000  }
0x15: {  	[tilespmem:s14], [sflag:$0x3] =	stream.linear.gather [hbm4b:s31+s4], $0x4000, $0x38;
	[tilespmem:$0x10000] =	vst v63  }
0x16: {  	_ =	swait.ge [sflag:s15], $0x4000  }
0x17: {  	[sflag:s15] =	ssyncset.done $0x0  }
0x18: {  	s29 =	simm.s32 $0x200;
	[sflag:s15] =	ssyncadd.s32 $0xFFFFC000  }
0x19: {  	v1 =	vld [tilespmem:s29+$0x1F0]  }
0x1a: {  	v2 =	vld [tilespmem:s29+$0xFFFFFE80]  }
0x1b: {  	v3 =	vld [tilespmem:s29+$0xFFFFFF00]  }
0x1c: {  	v4 =	vld [tilespmem:s29+$0xFFFFFF80]  }
0x1d: {  	v5 =	vld [tilespmem:s29+$0x0]  }
0x1e: {  	v6 =	vld [tilespmem:s29+$0x80];
	vm0 =	vgt.f32 v1, $-1.000000010e-01  }
0x1f: {  	v7 =	vld [tilespmem:s29+$0x100];
	vm1 =	vgt.f32 v2, $-1.000000010e-01;
	v8 =	vsel vm0, $0xBDCCCCCD, v0  }
0x20: {  	v10 =	vld [tilespmem:s29+$0x180];
	v9 =	vsel vm1, $0xBDCCCCCD, v0;
	vm0 =	vgt.f32 v3, $-1.000000010e-01;
	v1 =	vadd.f32 v8, v1  }
0x21: {  	v2 =	vadd.f32 v9, v2;
	v8 =	vsel vm0, $0xBDCCCCCD, v0;
	vm0 =	vgt.f32 v4, $-1.000000010e-01;
	v9 =	vld [tilespmem:s29+$0xFFFFFE10]  }
0x22: {  	v11 =	vld [tilespmem:s29+$0xFFFFFE90];
	v3 =	vadd.f32 v8, v3;
	v8 =	vsel vm0, $0xBDCCCCCD, v0;
	vm0 =	vgt.f32 v5, $-1.000000010e-01;
	[tilespmem:s29+$0x1F0] =	vst v1  }
0x23: {  	[tilespmem:s29+$0xFFFFFE80] =	vst v2;
	v1 =	vadd.f32 v8, v4;
	v2 =	vsel vm0, $0xBDCCCCCD, v0;
	vm0 =	vgt.f32 v6, $-1.000000010e-01;
	v4 =	vld [tilespmem:s29+$0xFFFFFF10]  }
0x24: {  	[tilespmem:s29+$0xFFFFFF00] =	vst v3;
	v2 =	vadd.f32 v2, v5;
	v3 =	vsel vm0, $0xBDCCCCCD, v0;
	vm0 =	vgt.f32 v7, $-1.000000010e-01;
	v5 =	vld [tilespmem:s29+$0xFFFFFF90]  }
0x25: {  	[tilespmem:s29+$0xFFFFFF80] =	vst v1;
	v1 =	vadd.f32 v3, v6;
	v3 =	vsel vm0, $0xBDCCCCCD, v0;
	vm0 =	vgt.f32 v10, $-1.000000010e-01;
	v6 =	vld [tilespmem:s29+$0x10]  }
0x26: {  	[tilespmem:s29+$0x0] =	vst v2;
	v2 =	vadd.f32 v3, v7;
	v3 =	vsel vm0, $0xBDCCCCCD, v0;
	vm0 =	vgt.f32 v9, $-1.000000010e-01;
	v7 =	vld [tilespmem:s29+$0x90]  }
0x27: {  	v8 =	vld [tilespmem:s29+$0x110];
	[tilespmem:s29+$0x80] =	vst v1;
	v1 =	vadd.f32 v3, v10;
	v3 =	vsel vm0, $0xBDCCCCCD, v0;
	vm0 =	vgt.f32 v11, $-1.000000010e-01  }
0x28: {  	[tilespmem:s29+$0x100] =	vst v2;
	v2 =	vadd.f32 v3, v9;
	v3 =	vsel vm0, $0xBDCCCCCD, v0;
	vm0 =	vgt.f32 v4, $-1.000000010e-01;
	v9 =	vld [tilespmem:s29+$0x190]  }
0x29: {  	v10 =	vld [tilespmem:s29+$0xFFFFFE20];
	[tilespmem:s29+$0x180] =	vst v1;
	v1 =	vadd.f32 v3, v11;
	v3 =	vsel vm0, $0xBDCCCCCD, v0;
	vm0 =	vgt.f32 v5, $-1.000000010e-01  }
0x2a: {  	[tilespmem:s29+$0xFFFFFE10] =	vst v2;
	v2 =	vadd.f32 v3, v4;
	v3 =	vsel vm0, $0xBDCCCCCD, v0;
	vm0 =	vgt.f32 v6, $-1.000000010e-01;
	v4 =	vld [tilespmem:s29+$0xFFFFFEA0]  }
0x2b: {  	[tilespmem:s29+$0xFFFFFE90] =	vst v1;
	v1 =	vadd.f32 v3, v5;
	v3 =	vsel vm0, $0xBDCCCCCD, v0;
	vm0 =	vgt.f32 v7, $-1.000000010e-01;
	v5 =	vld [tilespmem:s29+$0xFFFFFF20]  }
0x2c: {  	[tilespmem:s29+$0xFFFFFF10] =	vst v2;
	v2 =	vadd.f32 v3, v6;
	v3 =	vsel vm0, $0xBDCCCCCD, v0;
	vm0 =	vgt.f32 v8, $-1.000000010e-01;
	v6 =	vld [tilespmem:s29+$0xFFFFFFA0]  }
0x2d: {  	[tilespmem:s29+$0xFFFFFF90] =	vst v1;
	v1 =	vadd.f32 v3, v7;
	v3 =	vsel vm0, $0xBDCCCCCD, v0;
	vm0 =	vgt.f32 v9, $-1.000000010e-01;
	v7 =	vld [tilespmem:s29+$0x20]  }
0x2e: {  	[tilespmem:s29+$0x10] =	vst v2;
	v2 =	vadd.f32 v3, v8;
	v3 =	vsel vm0, $0xBDCCCCCD, v0;
	vm0 =	vgt.f32 v10, $-1.000000010e-01;
	v8 =	vld [tilespmem:s29+$0xA0]  }
0x2f: {  	[tilespmem:s29+$0x90] =	vst v1;
	v1 =	vadd.f32 v3, v9;
	v3 =	vsel vm0, $0xBDCCCCCD, v0;
	vm0 =	vgt.f32 v4, $-1.000000010e-01;
	v9 =	vld [tilespmem:s29+$0x120]  }
0x30: {  	[tilespmem:s29+$0x110] =	vst v2;
	v2 =	vadd.f32 v3, v10;
	v3 =	vsel vm0, $0xBDCCCCCD, v0;
	vm0 =	vgt.f32 v5, $-1.000000010e-01;
	v10 =	vld [tilespmem:s29+$0x1A0]  }
0x31: {  	[tilespmem:s29+$0x190] =	vst v1;
	v1 =	vadd.f32 v3, v4;
	v3 =	vsel vm0, $0xBDCCCCCD, v0;
	vm0 =	vgt.f32 v6, $-1.000000010e-01;
	v4 =	vld [tilespmem:s29+$0xFFFFFE30]  }
0x32: {  	[tilespmem:s29+$0xFFFFFE20] =	vst v2;
	v2 =	vadd.f32 v3, v5;
	v3 =	vsel vm0, $0xBDCCCCCD, v0;
	vm0 =	vgt.f32 v7, $-1.000000010e-01;
	v5 =	vld [tilespmem:s29+$0xFFFFFEB0]  }
0x33: {  	[tilespmem:s29+$0xFFFFFEA0] =	vst v1;
	v1 =	vadd.f32 v3, v6;
	v3 =	vsel vm0, $0xBDCCCCCD, v0;
	vm0 =	vgt.f32 v8, $-1.000000010e-01;
	v6 =	vld [tilespmem:s29+$0xFFFFFF30]  }
0x34: {  	[tilespmem:s29+$0xFFFFFF20] =	vst v2;
	v2 =	vadd.f32 v3, v7;
	v3 =	vsel vm0, $0xBDCCCCCD, v0;
	vm0 =	vgt.f32 v9, $-1.000000010e-01;
	v7 =	vld [tilespmem:s29+$0xFFFFFFB0]  }
0x35: {  	[tilespmem:s29+$0xFFFFFFA0] =	vst v1;
	v1 =	vadd.f32 v3, v8;
	v3 =	vsel vm0, $0xBDCCCCCD, v0;
	vm0 =	vgt.f32 v10, $-1.000000010e-01;
	v8 =	vld [tilespmem:s29+$0x30]  }
0x36: {  	[tilespmem:s29+$0x20] =	vst v2;
	v2 =	vadd.f32 v3, v9;
	v3 =	vsel vm0, $0xBDCCCCCD, v0;
	vm0 =	vgt.f32 v4, $-1.000000010e-01;
	v9 =	vld [tilespmem:s29+$0xB0]  }
0x37: {  	[tilespmem:s29+$0xA0] =	vst v1;
	v1 =	vadd.f32 v3, v10;
	v3 =	vsel vm0, $0xBDCCCCCD, v0;
	vm0 =	vgt.f32 v5, $-1.000000010e-01;
	v10 =	vld [tilespmem:s29+$0x130]  }
0x38: {  	[tilespmem:s29+$0x120] =	vst v2;
	v2 =	vadd.f32 v3, v4;
	v3 =	vsel vm0, $0xBDCCCCCD, v0;
	vm0 =	vgt.f32 v6, $-1.000000010e-01;
	v4 =	vld [tilespmem:s29+$0x1B0]  }
0x39: {  	[tilespmem:s29+$0x1A0] =	vst v1;
	v1 =	vadd.f32 v3, v5;
	v3 =	vsel vm0, $0xBDCCCCCD, v0;
	vm0 =	vgt.f32 v7, $-1.000000010e-01;
	v5 =	vld [tilespmem:s29+$0xFFFFFE40]  }
0x3a: {  	[tilespmem:s29+$0xFFFFFE30] =	vst v2;
	v2 =	vadd.f32 v3, v6;
	v3 =	vsel vm0, $0xBDCCCCCD, v0;
	vm0 =	vgt.f32 v8, $-1.000000010e-01;
	v6 =	vld [tilespmem:s29+$0xFFFFFEC0]  }
0x3b: {  	[tilespmem:s29+$0xFFFFFEB0] =	vst v1;
	v1 =	vadd.f32 v3, v7;
	v3 =	vsel vm0, $0xBDCCCCCD, v0;
	vm0 =	vgt.f32 v9, $-1.000000010e-01;
	v7 =	vld [tilespmem:s29+$0xFFFFFF40]  }
0x3c: {  	[tilespmem:s29+$0xFFFFFF30] =	vst v2;
	v2 =	vadd.f32 v3, v8;
	v3 =	vsel vm0, $0xBDCCCCCD, v0;
	vm0 =	vgt.f32 v10, $-1.000000010e-01;
	v8 =	vld [tilespmem:s29+$0xFFFFFFC0]  }
0x3d: {  	[tilespmem:s29+$0xFFFFFFB0] =	vst v1;
	v1 =	vadd.f32 v3, v9;
	v3 =	vsel vm0, $0xBDCCCCCD, v0;
	vm0 =	vgt.f32 v4, $-1.000000010e-01;
	v9 =	vld [tilespmem:s29+$0x40]  }
0x3e: {  	[tilespmem:s29+$0x30] =	vst v2;
	v2 =	vadd.f32 v3, v10;
	v3 =	vsel vm0, $0xBDCCCCCD, v0;
	vm0 =	vgt.f32 v5, $-1.000000010e-01;
	v10 =	vld [tilespmem:s29+$0xC0]  }
0x3f: {  	[tilespmem:s29+$0xB0] =	vst v1;
	v1 =	vadd.f32 v3, v4;
	v3 =	vsel vm0, $0xBDCCCCCD, v0;
	vm0 =	vgt.f32 v6, $-1.000000010e-01;
	v4 =	vld [tilespmem:s29+$0x140]  }
0x40: {  	[tilespmem:s29+$0x130] =	vst v2;
	v2 =	vadd.f32 v3, v5;
	v3 =	vsel vm0, $0xBDCCCCCD, v0;
	vm0 =	vgt.f32 v7, $-1.000000010e-01;
	v5 =	vld [tilespmem:s29+$0x1C0]  }
0x41: {  	[tilespmem:s29+$0x1B0] =	vst v1;
	v1 =	vadd.f32 v3, v6;
	v3 =	vsel vm0, $0xBDCCCCCD, v0;
	vm0 =	vgt.f32 v8, $-1.000000010e-01;
	v6 =	vld [tilespmem:s29+$0xFFFFFE50]  }
0x42: {  	[tilespmem:s29+$0xFFFFFE40] =	vst v2;
	v2 =	vadd.f32 v3, v7;
	v3 =	vsel vm0, $0xBDCCCCCD, v0;
	vm0 =	vgt.f32 v9, $-1.000000010e-01;
	v7 =	vld [tilespmem:s29+$0xFFFFFED0]  }
0x43: {  	[tilespmem:s29+$0xFFFFFEC0] =	vst v1;
	v1 =	vadd.f32 v3, v8;
	v3 =	vsel vm0, $0xBDCCCCCD, v0;
	vm0 =	vgt.f32 v10, $-1.000000010e-01;
	v8 =	vld [tilespmem:s29+$0xFFFFFF50]  }
0x44: {  	[tilespmem:s29+$0xFFFFFF40] =	vst v2;
	v2 =	vadd.f32 v3, v9;
	v3 =	vsel vm0, $0xBDCCCCCD, v0;
	vm0 =	vgt.f32 v4, $-1.000000010e-01;
	v9 =	vld [tilespmem:s29+$0xFFFFFFD0]  }
0x45: {  	[tilespmem:s29+$0xFFFFFFC0] =	vst v1;
	v1 =	vadd.f32 v3, v10;
	v3 =	vsel vm0, $0xBDCCCCCD, v0;
	vm0 =	vgt.f32 v5, $-1.000000010e-01;
	v10 =	vld [tilespmem:s29+$0x50]  }
0x46: {  	[tilespmem:s29+$0x40] =	vst v2;
	v2 =	vadd.f32 v3, v4;
	v3 =	vsel vm0, $0xBDCCCCCD, v0;
	vm0 =	vgt.f32 v6, $-1.000000010e-01;
	v4 =	vld [tilespmem:s29+$0xD0]  }
0x47: {  	[tilespmem:s29+$0xC0] =	vst v1;
	v1 =	vadd.f32 v3, v5;
	v3 =	vsel vm0, $0xBDCCCCCD, v0;
	vm0 =	vgt.f32 v7, $-1.000000010e-01;
	v5 =	vld [tilespmem:s29+$0x150]  }
0x48: {  	[tilespmem:s29+$0x140] =	vst v2;
	v2 =	vadd.f32 v3, v6;
	v3 =	vsel vm0, $0xBDCCCCCD, v0;
	vm0 =	vgt.f32 v8, $-1.000000010e-01;
	v6 =	vld [tilespmem:s29+$0x1D0]  }
0x49: {  	[tilespmem:s29+$0x1C0] =	vst v1;
	v1 =	vadd.f32 v3, v7;
	v3 =	vsel vm0, $0xBDCCCCCD, v0;
	vm0 =	vgt.f32 v9, $-1.000000010e-01;
	v7 =	vld [tilespmem:s29+$0xFFFFFE60]  }
0x4a: {  	[tilespmem:s29+$0xFFFFFE50] =	vst v2;
	v2 =	vadd.f32 v3, v8;
	v3 =	vsel vm0, $0xBDCCCCCD, v0;
	vm0 =	vgt.f32 v10, $-1.000000010e-01;
	v8 =	vld [tilespmem:s29+$0xFFFFFEE0]  }
0x4b: {  	[tilespmem:s29+$0xFFFFFED0] =	vst v1;
	v1 =	vadd.f32 v3, v9;
	v3 =	vsel vm0, $0xBDCCCCCD, v0;
	vm0 =	vgt.f32 v4, $-1.000000010e-01;
	v9 =	vld [tilespmem:s29+$0xFFFFFF60]  }
0x4c: {  	[tilespmem:s29+$0xFFFFFF50] =	vst v2;
	v2 =	vadd.f32 v3, v10;
	v3 =	vsel vm0, $0xBDCCCCCD, v0;
	vm0 =	vgt.f32 v5, $-1.000000010e-01;
	v10 =	vld [tilespmem:s29+$0xFFFFFFE0]  }
0x4d: {  	[tilespmem:s29+$0xFFFFFFD0] =	vst v1;
	v1 =	vadd.f32 v3, v4;
	v3 =	vsel vm0, $0xBDCCCCCD, v0;
	vm0 =	vgt.f32 v6, $-1.000000010e-01;
	v4 =	vld [tilespmem:s29+$0x60]  }
0x4e: {  	[tilespmem:s29+$0x50] =	vst v2;
	v2 =	vadd.f32 v3, v5;
	v3 =	vsel vm0, $0xBDCCCCCD, v0;
	vm0 =	vgt.f32 v7, $-1.000000010e-01;
	v5 =	vld [tilespmem:s29+$0xE0]  }
0x4f: {  	[tilespmem:s29+$0xD0] =	vst v1;
	v1 =	vadd.f32 v3, v6;
	v3 =	vsel vm0, $0xBDCCCCCD, v0;
	vm0 =	vgt.f32 v8, $-1.000000010e-01;
	v6 =	vld [tilespmem:s29+$0x160]  }
0x50: {  	v11 =	vld [tilespmem:s29+$0x1E0];
	[tilespmem:s29+$0x150] =	vst v2;
	v2 =	vadd.f32 v3, v7;
	v3 =	vsel vm0, $0xBDCCCCCD, v0;
	vm0 =	vgt.f32 v9, $-1.000000010e-01  }
0x51: {  	v12 =	vld [tilespmem:s29+$0xFFFFFE70];
	[tilespmem:s29+$0x1D0] =	vst v1;
	v1 =	vadd.f32 v3, v8;
	v3 =	vsel vm0, $0xBDCCCCCD, v0;
	vm0 =	vgt.f32 v10, $-1.000000010e-01  }
0x52: {  	[tilespmem:s29+$0xFFFFFE60] =	vst v2;
	v7 =	vadd.f32 v3, v9;
	v3 =	vsel vm0, $0xBDCCCCCD, v0;
	vm0 =	vgt.f32 v4, $-1.000000010e-01;
	v2 =	vld [tilespmem:s29+$0xFFFFFEF0]  }
0x53: {  	[tilespmem:s29+$0xFFFFFEE0] =	vst v1;
	v1 =	vadd.f32 v3, v10;
	v8 =	vsel vm0, $0xBDCCCCCD, v0;
	vm0 =	vgt.f32 v5, $-1.000000010e-01;
	v3 =	vld [tilespmem:s29+$0xFFFFFF70]  }
0x54: {  	[tilespmem:s29+$0xFFFFFF60] =	vst v7;
	v8 =	vadd.f32 v8, v4;
	v7 =	vsel vm0, $0xBDCCCCCD, v0;
	vm0 =	vgt.f32 v6, $-1.000000010e-01;
	v4 =	vld [tilespmem:s29+$0xFFFFFFF0]  }
0x55: {  	[tilespmem:s29+$0xFFFFFFE0] =	vst v1;
	v1 =	vadd.f32 v7, v5;
	v5 =	vsel vm0, $0xBDCCCCCD, v0;
	vm0 =	vgt.f32 v11, $-1.000000010e-01;
	v7 =	vld [tilespmem:s29+$0x70]  }
0x56: {  	[tilespmem:s29+$0x60] =	vst v8;
	v9 =	vadd.f32 v5, v6;
	v6 =	vsel vm0, $0xBDCCCCCD, v0;
	vm0 =	vgt.f32 v12, $-1.000000010e-01;
	v5 =	vld [tilespmem:s29+$0xF0]  }
0x57: {  	[tilespmem:s29+$0xE0] =	vst v1;
	v8 =	vadd.f32 v6, v11;
	v10 =	vsel vm0, $0xBDCCCCCD, v0;
	vm0 =	vgt.f32 v2, $-1.000000010e-01;
	v6 =	vld [tilespmem:s29+$0x170]  }
0x58: {  	s30 =	simm.s32 $0x0;
	s0 =	simm.s32 $0x600;
	v1 =	vld [tilespmem:s29+$0xFFFFFE00];
	[tilespmem:s29+$0x160] =	vst v9;
	v9 =	vadd.f32 v10, v12;
	v10 =	vsel vm0, $0xBDCCCCCD, v0;
	vm0 =	vgt.f32 v3, $-1.000000010e-01  }
.LBB2_3:
0x59: {  	v11 =	vld [tilespmem:s0+$0x1F0];
	s30 =	sadd.s32 $0x80, s30;
	[tilespmem:s29+$0x1E0] =	vst v8;
	v2 =	vadd.f32 v10, v2;
	v8 =	vsel vm0, $0xBDCCCCCD, v0;
	vm0 =	vgt.f32 v4, $-1.000000010e-01  }
0x5a: {  	v10 =	vld [tilespmem:s0+$0xFFFFFE80];
	p1 =	slt.u32 s30, $0x780;
	[tilespmem:s29+$0xFFFFFE70] =	vst v9;
	v3 =	vadd.f32 v8, v3;
	v8 =	vsel vm0, $0xBDCCCCCD, v0;
	vm0 =	vgt.f32 v7, $-1.000000010e-01  }
0x5b: {  	v9 =	vld [tilespmem:s0+$0xFFFFFF00];
	[tilespmem:s29+$0xFFFFFEF0] =	vst v2;
	v2 =	vadd.f32 v8, v4;
	v4 =	vsel vm0, $0xBDCCCCCD, v0;
	vm0 =	vgt.f32 v5, $-1.000000010e-01  }
0x5c: {  	v8 =	vld [tilespmem:s0+$0xFFFFFF80];
	[tilespmem:s29+$0xFFFFFF70] =	vst v3;
	v3 =	vadd.f32 v4, v7;
	v4 =	vsel vm0, $0xBDCCCCCD, v0;
	vm0 =	vgt.f32 v6, $-1.000000010e-01  }
0x5d: {  	v7 =	vld [tilespmem:s0+$0x0];
	vm1 =	vgt.f32 v1, $-1.000000010e-01;
	[tilespmem:s29+$0xFFFFFFF0] =	vst v2;
	v2 =	vadd.f32 v4, v5;
	v4 =	vsel vm0, $0xBDCCCCCD, v0  }
0x5e: {  	v5 =	vld [tilespmem:s0+$0x80];
	vm0 =	vgt.f32 v11, $-1.000000010e-01;
	v12 =	vsel vm1, $0xBDCCCCCD, v0;
	[tilespmem:s29+$0x70] =	vst v3;
	v3 =	vadd.f32 v4, v6  }
0x5f: {  	vm1 =	vgt.f32 v10, $-1.000000010e-01;
	v4 =	vld [tilespmem:s0+$0x100];
	v6 =	vsel vm0, $0xBDCCCCCD, v0;
	v1 =	vadd.f32 v12, v1;
	[tilespmem:s29+$0xF0] =	vst v2  }
0x60: {  	v2 =	vsel vm1, $0xBDCCCCCD, v0;
	vm0 =	vgt.f32 v9, $-1.000000010e-01;
	v12 =	vld [tilespmem:s0+$0x180];
	v6 =	vadd.f32 v6, v11;
	[tilespmem:s29+$0x170] =	vst v3  }
0x61: {  	v2 =	vadd.f32 v2, v10;
	v3 =	vsel vm0, $0xBDCCCCCD, v0;
	vm0 =	vgt.f32 v8, $-1.000000010e-01;
	v10 =	vld [tilespmem:s0+$0xFFFFFE10];
	[tilespmem:s29+$0xFFFFFE00] =	vst v1;
	s29 =	smov.u32 s0  }
0x62: {  	v1 =	vadd.f32 v3, v9;
	v3 =	vsel vm0, $0xBDCCCCCD, v0;
	vm0 =	vgt.f32 v7, $-1.000000010e-01;
	v9 =	vld [tilespmem:s0+$0xFFFFFE90];
	[tilespmem:s0+$0x1F0] =	vst v6  }
0x63: {  	[tilespmem:s0+$0xFFFFFE80] =	vst v2;
	v2 =	vadd.f32 v3, v8;
	v3 =	vsel vm0, $0xBDCCCCCD, v0;
	vm0 =	vgt.f32 v5, $-1.000000010e-01;
	v6 =	vld [tilespmem:s0+$0xFFFFFF10]  }
0x64: {  	[tilespmem:s0+$0xFFFFFF00] =	vst v1;
	v1 =	vadd.f32 v3, v7;
	v3 =	vsel vm0, $0xBDCCCCCD, v0;
	vm0 =	vgt.f32 v4, $-1.000000010e-01;
	v7 =	vld [tilespmem:s0+$0xFFFFFF90]  }
0x65: {  	[tilespmem:s0+$0xFFFFFF80] =	vst v2;
	v2 =	vadd.f32 v3, v5;
	v3 =	vsel vm0, $0xBDCCCCCD, v0;
	vm0 =	vgt.f32 v12, $-1.000000010e-01;
	v5 =	vld [tilespmem:s0+$0x10]  }
0x66: {  	[tilespmem:s0+$0x0] =	vst v1;
	v1 =	vadd.f32 v3, v4;
	v3 =	vsel vm0, $0xBDCCCCCD, v0;
	vm0 =	vgt.f32 v10, $-1.000000010e-01;
	v4 =	vld [tilespmem:s0+$0x90]  }
0x67: {  	[tilespmem:s0+$0x80] =	vst v2;
	v2 =	vadd.f32 v3, v12;
	v3 =	vsel vm0, $0xBDCCCCCD, v0;
	vm0 =	vgt.f32 v9, $-1.000000010e-01;
	v8 =	vld [tilespmem:s0+$0x110]  }
0x68: {  	[tilespmem:s0+$0x100] =	vst v1;
	v1 =	vadd.f32 v3, v10;
	v3 =	vsel vm0, $0xBDCCCCCD, v0;
	vm0 =	vgt.f32 v6, $-1.000000010e-01;
	v10 =	vld [tilespmem:s0+$0x190]  }
0x69: {  	[tilespmem:s0+$0x180] =	vst v2;
	v2 =	vadd.f32 v3, v9;
	v3 =	vsel vm0, $0xBDCCCCCD, v0;
	vm0 =	vgt.f32 v7, $-1.000000010e-01;
	v9 =	vld [tilespmem:s0+$0xFFFFFE20]  }
0x6a: {  	[tilespmem:s0+$0xFFFFFE10] =	vst v1;
	v1 =	vadd.f32 v3, v6;
	v3 =	vsel vm0, $0xBDCCCCCD, v0;
	vm0 =	vgt.f32 v5, $-1.000000010e-01;
	v6 =	vld [tilespmem:s0+$0xFFFFFEA0]  }
0x6b: {  	[tilespmem:s0+$0xFFFFFE90] =	vst v2;
	v2 =	vadd.f32 v3, v7;
	v3 =	vsel vm0, $0xBDCCCCCD, v0;
	vm0 =	vgt.f32 v4, $-1.000000010e-01;
	v7 =	vld [tilespmem:s0+$0xFFFFFF20]  }
0x6c: {  	[tilespmem:s0+$0xFFFFFF10] =	vst v1;
	v1 =	vadd.f32 v3, v5;
	v3 =	vsel vm0, $0xBDCCCCCD, v0;
	vm0 =	vgt.f32 v8, $-1.000000010e-01;
	v5 =	vld [tilespmem:s0+$0xFFFFFFA0]  }
0x6d: {  	[tilespmem:s0+$0xFFFFFF90] =	vst v2;
	v2 =	vadd.f32 v3, v4;
	v3 =	vsel vm0, $0xBDCCCCCD, v0;
	vm0 =	vgt.f32 v10, $-1.000000010e-01;
	v4 =	vld [tilespmem:s0+$0x20]  }
0x6e: {  	[tilespmem:s0+$0x10] =	vst v1;
	v1 =	vadd.f32 v3, v8;
	v3 =	vsel vm0, $0xBDCCCCCD, v0;
	vm0 =	vgt.f32 v9, $-1.000000010e-01;
	v8 =	vld [tilespmem:s0+$0xA0]  }
0x6f: {  	[tilespmem:s0+$0x90] =	vst v2;
	v2 =	vadd.f32 v3, v10;
	v3 =	vsel vm0, $0xBDCCCCCD, v0;
	vm0 =	vgt.f32 v6, $-1.000000010e-01;
	v10 =	vld [tilespmem:s0+$0x120]  }
0x70: {  	[tilespmem:s0+$0x110] =	vst v1;
	v1 =	vadd.f32 v3, v9;
	v3 =	vsel vm0, $0xBDCCCCCD, v0;
	vm0 =	vgt.f32 v7, $-1.000000010e-01;
	v9 =	vld [tilespmem:s0+$0x1A0]  }
0x71: {  	[tilespmem:s0+$0x190] =	vst v2;
	v2 =	vadd.f32 v3, v6;
	v3 =	vsel vm0, $0xBDCCCCCD, v0;
	vm0 =	vgt.f32 v5, $-1.000000010e-01;
	v6 =	vld [tilespmem:s0+$0xFFFFFE30]  }
0x72: {  	[tilespmem:s0+$0xFFFFFE20] =	vst v1;
	v1 =	vadd.f32 v3, v7;
	v3 =	vsel vm0, $0xBDCCCCCD, v0;
	vm0 =	vgt.f32 v4, $-1.000000010e-01;
	v7 =	vld [tilespmem:s0+$0xFFFFFEB0]  }
0x73: {  	[tilespmem:s0+$0xFFFFFEA0] =	vst v2;
	v2 =	vadd.f32 v3, v5;
	v3 =	vsel vm0, $0xBDCCCCCD, v0;
	vm0 =	vgt.f32 v8, $-1.000000010e-01;
	v5 =	vld [tilespmem:s0+$0xFFFFFF30]  }
0x74: {  	[tilespmem:s0+$0xFFFFFF20] =	vst v1;
	v1 =	vadd.f32 v3, v4;
	v3 =	vsel vm0, $0xBDCCCCCD, v0;
	vm0 =	vgt.f32 v10, $-1.000000010e-01;
	v4 =	vld [tilespmem:s0+$0xFFFFFFB0]  }
0x75: {  	[tilespmem:s0+$0xFFFFFFA0] =	vst v2;
	v2 =	vadd.f32 v3, v8;
	v3 =	vsel vm0, $0xBDCCCCCD, v0;
	vm0 =	vgt.f32 v9, $-1.000000010e-01;
	v8 =	vld [tilespmem:s0+$0x30]  }
0x76: {  	[tilespmem:s0+$0x20] =	vst v1;
	v1 =	vadd.f32 v3, v10;
	v3 =	vsel vm0, $0xBDCCCCCD, v0;
	vm0 =	vgt.f32 v6, $-1.000000010e-01;
	v10 =	vld [tilespmem:s0+$0xB0]  }
0x77: {  	[tilespmem:s0+$0xA0] =	vst v2;
	v2 =	vadd.f32 v3, v9;
	v3 =	vsel vm0, $0xBDCCCCCD, v0;
	vm0 =	vgt.f32 v7, $-1.000000010e-01;
	v9 =	vld [tilespmem:s0+$0x130]  }
0x78: {  	[tilespmem:s0+$0x120] =	vst v1;
	v1 =	vadd.f32 v3, v6;
	v3 =	vsel vm0, $0xBDCCCCCD, v0;
	vm0 =	vgt.f32 v5, $-1.000000010e-01;
	v6 =	vld [tilespmem:s0+$0x1B0]  }
0x79: {  	[tilespmem:s0+$0x1A0] =	vst v2;
	v2 =	vadd.f32 v3, v7;
	v3 =	vsel vm0, $0xBDCCCCCD, v0;
	vm0 =	vgt.f32 v4, $-1.000000010e-01;
	v7 =	vld [tilespmem:s0+$0xFFFFFE40]  }
0x7a: {  	[tilespmem:s0+$0xFFFFFE30] =	vst v1;
	v1 =	vadd.f32 v3, v5;
	v3 =	vsel vm0, $0xBDCCCCCD, v0;
	vm0 =	vgt.f32 v8, $-1.000000010e-01;
	v5 =	vld [tilespmem:s0+$0xFFFFFEC0]  }
0x7b: {  	[tilespmem:s0+$0xFFFFFEB0] =	vst v2;
	v2 =	vadd.f32 v3, v4;
	v3 =	vsel vm0, $0xBDCCCCCD, v0;
	vm0 =	vgt.f32 v10, $-1.000000010e-01;
	v4 =	vld [tilespmem:s0+$0xFFFFFF40]  }
0x7c: {  	[tilespmem:s0+$0xFFFFFF30] =	vst v1;
	v1 =	vadd.f32 v3, v8;
	v3 =	vsel vm0, $0xBDCCCCCD, v0;
	vm0 =	vgt.f32 v9, $-1.000000010e-01;
	v8 =	vld [tilespmem:s0+$0xFFFFFFC0]  }
0x7d: {  	[tilespmem:s0+$0xFFFFFFB0] =	vst v2;
	v2 =	vadd.f32 v3, v10;
	v3 =	vsel vm0, $0xBDCCCCCD, v0;
	vm0 =	vgt.f32 v6, $-1.000000010e-01;
	v10 =	vld [tilespmem:s0+$0x40]  }
0x7e: {  	[tilespmem:s0+$0x30] =	vst v1;
	v1 =	vadd.f32 v3, v9;
	v3 =	vsel vm0, $0xBDCCCCCD, v0;
	vm0 =	vgt.f32 v7, $-1.000000010e-01;
	v9 =	vld [tilespmem:s0+$0xC0]  }
0x7f: {  	[tilespmem:s0+$0xB0] =	vst v2;
	v2 =	vadd.f32 v3, v6;
	v3 =	vsel vm0, $0xBDCCCCCD, v0;
	vm0 =	vgt.f32 v5, $-1.000000010e-01;
	v6 =	vld [tilespmem:s0+$0x140]  }
0x80: {  	[tilespmem:s0+$0x130] =	vst v1;
	v1 =	vadd.f32 v3, v7;
	v3 =	vsel vm0, $0xBDCCCCCD, v0;
	vm0 =	vgt.f32 v4, $-1.000000010e-01;
	v7 =	vld [tilespmem:s0+$0x1C0]  }
0x81: {  	[tilespmem:s0+$0x1B0] =	vst v2;
	v2 =	vadd.f32 v3, v5;
	v3 =	vsel vm0, $0xBDCCCCCD, v0;
	vm0 =	vgt.f32 v8, $-1.000000010e-01;
	v5 =	vld [tilespmem:s0+$0xFFFFFE50]  }
0x82: {  	[tilespmem:s0+$0xFFFFFE40] =	vst v1;
	v1 =	vadd.f32 v3, v4;
	v3 =	vsel vm0, $0xBDCCCCCD, v0;
	vm0 =	vgt.f32 v10, $-1.000000010e-01;
	v4 =	vld [tilespmem:s0+$0xFFFFFED0]  }
0x83: {  	[tilespmem:s0+$0xFFFFFEC0] =	vst v2;
	v2 =	vadd.f32 v3, v8;
	v3 =	vsel vm0, $0xBDCCCCCD, v0;
	vm0 =	vgt.f32 v9, $-1.000000010e-01;
	v8 =	vld [tilespmem:s0+$0xFFFFFF50]  }
0x84: {  	[tilespmem:s0+$0xFFFFFF40] =	vst v1;
	v1 =	vadd.f32 v3, v10;
	v3 =	vsel vm0, $0xBDCCCCCD, v0;
	vm0 =	vgt.f32 v6, $-1.000000010e-01;
	v10 =	vld [tilespmem:s0+$0xFFFFFFD0]  }
0x85: {  	[tilespmem:s0+$0xFFFFFFC0] =	vst v2;
	v2 =	vadd.f32 v3, v9;
	v3 =	vsel vm0, $0xBDCCCCCD, v0;
	vm0 =	vgt.f32 v7, $-1.000000010e-01;
	v9 =	vld [tilespmem:s0+$0x50]  }
0x86: {  	[tilespmem:s0+$0x40] =	vst v1;
	v1 =	vadd.f32 v3, v6;
	v3 =	vsel vm0, $0xBDCCCCCD, v0;
	vm0 =	vgt.f32 v5, $-1.000000010e-01;
	v6 =	vld [tilespmem:s0+$0xD0]  }
0x87: {  	[tilespmem:s0+$0xC0] =	vst v2;
	v2 =	vadd.f32 v3, v7;
	v3 =	vsel vm0, $0xBDCCCCCD, v0;
	vm0 =	vgt.f32 v4, $-1.000000010e-01;
	v7 =	vld [tilespmem:s0+$0x150]  }
0x88: {  	[tilespmem:s0+$0x140] =	vst v1;
	v1 =	vadd.f32 v3, v5;
	v3 =	vsel vm0, $0xBDCCCCCD, v0;
	vm0 =	vgt.f32 v8, $-1.000000010e-01;
	v5 =	vld [tilespmem:s0+$0x1D0]  }
0x89: {  	[tilespmem:s0+$0x1C0] =	vst v2;
	v2 =	vadd.f32 v3, v4;
	v3 =	vsel vm0, $0xBDCCCCCD, v0;
	vm0 =	vgt.f32 v10, $-1.000000010e-01;
	v4 =	vld [tilespmem:s0+$0xFFFFFE60]  }
0x8a: {  	[tilespmem:s0+$0xFFFFFE50] =	vst v1;
	v1 =	vadd.f32 v3, v8;
	v3 =	vsel vm0, $0xBDCCCCCD, v0;
	vm0 =	vgt.f32 v9, $-1.000000010e-01;
	v8 =	vld [tilespmem:s0+$0xFFFFFEE0]  }
0x8b: {  	[tilespmem:s0+$0xFFFFFED0] =	vst v2;
	v2 =	vadd.f32 v3, v10;
	v3 =	vsel vm0, $0xBDCCCCCD, v0;
	vm0 =	vgt.f32 v6, $-1.000000010e-01;
	v10 =	vld [tilespmem:s0+$0xFFFFFF60]  }
0x8c: {  	[tilespmem:s0+$0xFFFFFF50] =	vst v1;
	v1 =	vadd.f32 v3, v9;
	v3 =	vsel vm0, $0xBDCCCCCD, v0;
	vm0 =	vgt.f32 v7, $-1.000000010e-01;
	v9 =	vld [tilespmem:s0+$0xFFFFFFE0]  }
0x8d: {  	[tilespmem:s0+$0xFFFFFFD0] =	vst v2;
	v2 =	vadd.f32 v3, v6;
	v3 =	vsel vm0, $0xBDCCCCCD, v0;
	vm0 =	vgt.f32 v5, $-1.000000010e-01;
	v6 =	vld [tilespmem:s0+$0x60]  }
0x8e: {  	[tilespmem:s0+$0x50] =	vst v1;
	v1 =	vadd.f32 v3, v7;
	v3 =	vsel vm0, $0xBDCCCCCD, v0;
	vm0 =	vgt.f32 v4, $-1.000000010e-01;
	v7 =	vld [tilespmem:s0+$0xE0]  }
0x8f: {  	[tilespmem:s0+$0xD0] =	vst v2;
	v2 =	vadd.f32 v3, v5;
	v3 =	vsel vm0, $0xBDCCCCCD, v0;
	vm0 =	vgt.f32 v8, $-1.000000010e-01;
	v5 =	vld [tilespmem:s0+$0x160]  }
0x90: {  	[tilespmem:s0+$0x150] =	vst v1;
	v1 =	vadd.f32 v3, v4;
	v3 =	vsel vm0, $0xBDCCCCCD, v0;
	vm0 =	vgt.f32 v10, $-1.000000010e-01;
	v11 =	vld [tilespmem:s0+$0x1E0]  }
0x91: {  	[tilespmem:s0+$0x1D0] =	vst v2;
	v3 =	vadd.f32 v3, v8;
	v2 =	vsel vm0, $0xBDCCCCCD, v0;
	vm0 =	vgt.f32 v9, $-1.000000010e-01;
	v12 =	vld [tilespmem:s0+$0xFFFFFE70]  }
0x92: {  	[tilespmem:s0+$0xFFFFFE60] =	vst v1;
	v1 =	vadd.f32 v2, v10;
	v4 =	vsel vm0, $0xBDCCCCCD, v0;
	vm0 =	vgt.f32 v6, $-1.000000010e-01;
	v2 =	vld [tilespmem:s0+$0xFFFFFEF0]  }
0x93: {  	[tilespmem:s0+$0xFFFFFEE0] =	vst v3;
	v8 =	vadd.f32 v4, v9;
	v4 =	vsel vm0, $0xBDCCCCCD, v0;
	vm0 =	vgt.f32 v7, $-1.000000010e-01;
	v3 =	vld [tilespmem:s0+$0xFFFFFF70]  }
.Ltmp0:
0x94: {  	[tilespmem:s0+$0xFFFFFF60] =	vst v1;
	v1 =	vadd.f32 v4, v6;
	v6 =	vsel vm0, $0xBDCCCCCD, v0;
	vm0 =	vgt.f32 v5, $-1.000000010e-01;
	v4 =	vld [tilespmem:s0+$0xFFFFFFF0];
	(pc) =	sbr.rel @p1 .LBB2_3-.Ltmp0, $4  }
0x95: {  	[tilespmem:s0+$0xFFFFFFE0] =	vst v8;
	v6 =	vadd.f32 v6, v7;
	v8 =	vsel vm0, $0xBDCCCCCD, v0;
	vm0 =	vgt.f32 v11, $-1.000000010e-01;
	v7 =	vld [tilespmem:s0+$0x70]  }
0x96: {  	[tilespmem:s0+$0x60] =	vst v1;
	v9 =	vadd.f32 v8, v5;
	v1 =	vsel vm0, $0xBDCCCCCD, v0;
	vm0 =	vgt.f32 v12, $-1.000000010e-01;
	v5 =	vld [tilespmem:s0+$0xF0]  }
0x97: {  	[tilespmem:s0+$0xE0] =	vst v6;
	v8 =	vadd.f32 v1, v11;
	v10 =	vsel vm0, $0xBDCCCCCD, v0;
	vm0 =	vgt.f32 v2, $-1.000000010e-01;
	v6 =	vld [tilespmem:s0+$0x170]  }
0x98: {  	s0 =	sadd.s32 $0x400, s0;
	v1 =	vld [tilespmem:s29+$0xFFFFFE00];
	[tilespmem:s29+$0x160] =	vst v9;
	v9 =	vadd.f32 v10, v12;
	v10 =	vsel vm0, $0xBDCCCCCD, v0;
	vm0 =	vgt.f32 v3, $-1.000000010e-01  }
0x99: {  	[tilespmem:s29+$0x1E0] =	vst v8;
	v2 =	vadd.f32 v10, v2;
	v8 =	vsel vm0, $0xBDCCCCCD, v0;
	vm0 =	vgt.f32 v4, $-1.000000010e-01  }
0x9a: {  	[tilespmem:s29+$0xFFFFFE70] =	vst v9;
	v3 =	vadd.f32 v8, v3;
	v8 =	vsel vm0, $0xBDCCCCCD, v0;
	vm0 =	vgt.f32 v7, $-1.000000010e-01  }
0x9b: {  	[tilespmem:s29+$0xFFFFFEF0] =	vst v2;
	v2 =	vadd.f32 v8, v4;
	v4 =	vsel vm0, $0xBDCCCCCD, v0;
	vm0 =	vgt.f32 v5, $-1.000000010e-01  }
0x9c: {  	[tilespmem:s29+$0xFFFFFF70] =	vst v3;
	v3 =	vadd.f32 v4, v7;
	v4 =	vsel vm0, $0xBDCCCCCD, v0;
	vm0 =	vgt.f32 v6, $-1.000000010e-01  }
0x9d: {  	vm1 =	vgt.f32 v1, $-1.000000010e-01;
	[tilespmem:s29+$0xFFFFFFF0] =	vst v2;
	v2 =	vadd.f32 v4, v5;
	v4 =	vsel vm0, $0xBDCCCCCD, v0  }
0x9e: {  	v5 =	vsel vm1, $0xBDCCCCCD, v0;
	[tilespmem:s29+$0x70] =	vst v3;
	v3 =	vadd.f32 v4, v6  }
0x9f: {  	v1 =	vadd.f32 v5, v1;
	[tilespmem:s29+$0xF0] =	vst v2  }
0xa0: {  	s30 =	sor.u32 s5, s26;
	[tilespmem:s29+$0x170] =	vst v3  }
0xa1: {  	s0 =	sadd.s32 s3, s30;
	[tilespmem:s29+$0xFFFFFE00] =	vst v1  }
0xa2: {  	[hbm4b:s0+s4] =	stream.linear.scatter [tilespmem:s4], [sflag:$0x5], $0x4000, $0x38;
	[tilespmem:$0x10000] =	vst v63  }
0xa3: {  	s0 =	simm.s32 @!p0 $0x8  }
0xa4: {  	_ =	swait.ge @!p0 [sflag:s0], $0x4000  }
0xa5: {  	s29 =	sor.u32 $0x800, s28;
	[sflag:s0] =	ssyncset.done @!p0 $0x0  }
0xa6: {  	s2 =	sadd.s32 s1, s29;
	[sflag:s0] =	ssyncadd.s32 @!p0 $0xFFFFC000  }
0xa7: {  	[tilespmem:s16], [sflag:$0x4] =	stream.linear.gather [hbm4b:s2+s4], $0x4000, $0x38;
	[tilespmem:$0x10000] =	vst v63  }
0xa8: {  	_ =	swait.ge [sflag:s17], $0x4000  }
0xa9: {  	[sflag:s17] =	ssyncset.done $0x0  }
0xaa: {  	s31 =	simm.s32 $0x4200;
	[sflag:s17] =	ssyncadd.s32 $0xFFFFC000  }
0xab: {  	v1 =	vld [tilespmem:s31+$0x1F0]  }
0xac: {  	v2 =	vld [tilespmem:s31+$0xFFFFFE80]  }
0xad: {  	v3 =	vld [tilespmem:s31+$0xFFFFFF00]  }
0xae: {  	v4 =	vld [tilespmem:s31+$0xFFFFFF80]  }
0xaf: {  	v5 =	vld [tilespmem:s31+$0x0]  }
0xb0: {  	v6 =	vld [tilespmem:s31+$0x80];
	vm0 =	vgt.f32 v1, $-1.000000010e-01  }
0xb1: {  	v7 =	vld [tilespmem:s31+$0x100];
	vm1 =	vgt.f32 v2, $-1.000000010e-01;
	v8 =	vsel vm0, $0xBDCCCCCD, v0  }
0xb2: {  	v10 =	vld [tilespmem:s31+$0x180];
	v9 =	vsel vm1, $0xBDCCCCCD, v0;
	vm0 =	vgt.f32 v3, $-1.000000010e-01;
	v1 =	vadd.f32 v8, v1  }
0xb3: {  	v2 =	vadd.f32 v9, v2;
	v8 =	vsel vm0, $0xBDCCCCCD, v0;
	vm0 =	vgt.f32 v4, $-1.000000010e-01;
	v9 =	vld [tilespmem:s31+$0xFFFFFE10]  }
0xb4: {  	v11 =	vld [tilespmem:s31+$0xFFFFFE90];
	v3 =	vadd.f32 v8, v3;
	v8 =	vsel vm0, $0xBDCCCCCD, v0;
	vm0 =	vgt.f32 v5, $-1.000000010e-01;
	[tilespmem:s31+$0x1F0] =	vst v1  }
0xb5: {  	[tilespmem:s31+$0xFFFFFE80] =	vst v2;
	v1 =	vadd.f32 v8, v4;
	v2 =	vsel vm0, $0xBDCCCCCD, v0;
	vm0 =	vgt.f32 v6, $-1.000000010e-01;
	v4 =	vld [tilespmem:s31+$0xFFFFFF10]  }
0xb6: {  	[tilespmem:s31+$0xFFFFFF00] =	vst v3;
	v2 =	vadd.f32 v2, v5;
	v3 =	vsel vm0, $0xBDCCCCCD, v0;
	vm0 =	vgt.f32 v7, $-1.000000010e-01;
	v5 =	vld [tilespmem:s31+$0xFFFFFF90]  }
0xb7: {  	[tilespmem:s31+$0xFFFFFF80] =	vst v1;
	v1 =	vadd.f32 v3, v6;
	v3 =	vsel vm0, $0xBDCCCCCD, v0;
	vm0 =	vgt.f32 v10, $-1.000000010e-01;
	v6 =	vld [tilespmem:s31+$0x10]  }
0xb8: {  	[tilespmem:s31+$0x0] =	vst v2;
	v2 =	vadd.f32 v3, v7;
	v3 =	vsel vm0, $0xBDCCCCCD, v0;
	vm0 =	vgt.f32 v9, $-1.000000010e-01;
	v7 =	vld [tilespmem:s31+$0x90]  }
0xb9: {  	v8 =	vld [tilespmem:s31+$0x110];
	[tilespmem:s31+$0x80] =	vst v1;
	v1 =	vadd.f32 v3, v10;
	v3 =	vsel vm0, $0xBDCCCCCD, v0;
	vm0 =	vgt.f32 v11, $-1.000000010e-01  }
0xba: {  	[tilespmem:s31+$0x100] =	vst v2;
	v2 =	vadd.f32 v3, v9;
	v3 =	vsel vm0, $0xBDCCCCCD, v0;
	vm0 =	vgt.f32 v4, $-1.000000010e-01;
	v9 =	vld [tilespmem:s31+$0x190]  }
0xbb: {  	v10 =	vld [tilespmem:s31+$0xFFFFFE20];
	[tilespmem:s31+$0x180] =	vst v1;
	v1 =	vadd.f32 v3, v11;
	v3 =	vsel vm0, $0xBDCCCCCD, v0;
	vm0 =	vgt.f32 v5, $-1.000000010e-01  }
0xbc: {  	[tilespmem:s31+$0xFFFFFE10] =	vst v2;
	v2 =	vadd.f32 v3, v4;
	v3 =	vsel vm0, $0xBDCCCCCD, v0;
	vm0 =	vgt.f32 v6, $-1.000000010e-01;
	v4 =	vld [tilespmem:s31+$0xFFFFFEA0]  }
0xbd: {  	[tilespmem:s31+$0xFFFFFE90] =	vst v1;
	v1 =	vadd.f32 v3, v5;
	v3 =	vsel vm0, $0xBDCCCCCD, v0;
	vm0 =	vgt.f32 v7, $-1.000000010e-01;
	v5 =	vld [tilespmem:s31+$0xFFFFFF20]  }
0xbe: {  	[tilespmem:s31+$0xFFFFFF10] =	vst v2;
	v2 =	vadd.f32 v3, v6;
	v3 =	vsel vm0, $0xBDCCCCCD, v0;
	vm0 =	vgt.f32 v8, $-1.000000010e-01;
	v6 =	vld [tilespmem:s31+$0xFFFFFFA0]  }
0xbf: {  	[tilespmem:s31+$0xFFFFFF90] =	vst v1;
	v1 =	vadd.f32 v3, v7;
	v3 =	vsel vm0, $0xBDCCCCCD, v0;
	vm0 =	vgt.f32 v9, $-1.000000010e-01;
	v7 =	vld [tilespmem:s31+$0x20]  }
0xc0: {  	[tilespmem:s31+$0x10] =	vst v2;
	v2 =	vadd.f32 v3, v8;
	v3 =	vsel vm0, $0xBDCCCCCD, v0;
	vm0 =	vgt.f32 v10, $-1.000000010e-01;
	v8 =	vld [tilespmem:s31+$0xA0]  }
0xc1: {  	[tilespmem:s31+$0x90] =	vst v1;
	v1 =	vadd.f32 v3, v9;
	v3 =	vsel vm0, $0xBDCCCCCD, v0;
	vm0 =	vgt.f32 v4, $-1.000000010e-01;
	v9 =	vld [tilespmem:s31+$0x120]  }
0xc2: {  	[tilespmem:s31+$0x110] =	vst v2;
	v2 =	vadd.f32 v3, v10;
	v3 =	vsel vm0, $0xBDCCCCCD, v0;
	vm0 =	vgt.f32 v5, $-1.000000010e-01;
	v10 =	vld [tilespmem:s31+$0x1A0]  }
0xc3: {  	[tilespmem:s31+$0x190] =	vst v1;
	v1 =	vadd.f32 v3, v4;
	v3 =	vsel vm0, $0xBDCCCCCD, v0;
	vm0 =	vgt.f32 v6, $-1.000000010e-01;
	v4 =	vld [tilespmem:s31+$0xFFFFFE30]  }
0xc4: {  	[tilespmem:s31+$0xFFFFFE20] =	vst v2;
	v2 =	vadd.f32 v3, v5;
	v3 =	vsel vm0, $0xBDCCCCCD, v0;
	vm0 =	vgt.f32 v7, $-1.000000010e-01;
	v5 =	vld [tilespmem:s31+$0xFFFFFEB0]  }
0xc5: {  	[tilespmem:s31+$0xFFFFFEA0] =	vst v1;
	v1 =	vadd.f32 v3, v6;
	v3 =	vsel vm0, $0xBDCCCCCD, v0;
	vm0 =	vgt.f32 v8, $-1.000000010e-01;
	v6 =	vld [tilespmem:s31+$0xFFFFFF30]  }
0xc6: {  	[tilespmem:s31+$0xFFFFFF20] =	vst v2;
	v2 =	vadd.f32 v3, v7;
	v3 =	vsel vm0, $0xBDCCCCCD, v0;
	vm0 =	vgt.f32 v9, $-1.000000010e-01;
	v7 =	vld [tilespmem:s31+$0xFFFFFFB0]  }
0xc7: {  	[tilespmem:s31+$0xFFFFFFA0] =	vst v1;
	v1 =	vadd.f32 v3, v8;
	v3 =	vsel vm0, $0xBDCCCCCD, v0;
	vm0 =	vgt.f32 v10, $-1.000000010e-01;
	v8 =	vld [tilespmem:s31+$0x30]  }
0xc8: {  	[tilespmem:s31+$0x20] =	vst v2;
	v2 =	vadd.f32 v3, v9;
	v3 =	vsel vm0, $0xBDCCCCCD, v0;
	vm0 =	vgt.f32 v4, $-1.000000010e-01;
	v9 =	vld [tilespmem:s31+$0xB0]  }
0xc9: {  	[tilespmem:s31+$0xA0] =	vst v1;
	v1 =	vadd.f32 v3, v10;
	v3 =	vsel vm0, $0xBDCCCCCD, v0;
	vm0 =	vgt.f32 v5, $-1.000000010e-01;
	v10 =	vld [tilespmem:s31+$0x130]  }
0xca: {  	[tilespmem:s31+$0x120] =	vst v2;
	v2 =	vadd.f32 v3, v4;
	v3 =	vsel vm0, $0xBDCCCCCD, v0;
	vm0 =	vgt.f32 v6, $-1.000000010e-01;
	v4 =	vld [tilespmem:s31+$0x1B0]  }
0xcb: {  	[tilespmem:s31+$0x1A0] =	vst v1;
	v1 =	vadd.f32 v3, v5;
	v3 =	vsel vm0, $0xBDCCCCCD, v0;
	vm0 =	vgt.f32 v7, $-1.000000010e-01;
	v5 =	vld [tilespmem:s31+$0xFFFFFE40]  }
0xcc: {  	[tilespmem:s31+$0xFFFFFE30] =	vst v2;
	v2 =	vadd.f32 v3, v6;
	v3 =	vsel vm0, $0xBDCCCCCD, v0;
	vm0 =	vgt.f32 v8, $-1.000000010e-01;
	v6 =	vld [tilespmem:s31+$0xFFFFFEC0]  }
0xcd: {  	[tilespmem:s31+$0xFFFFFEB0] =	vst v1;
	v1 =	vadd.f32 v3, v7;
	v3 =	vsel vm0, $0xBDCCCCCD, v0;
	vm0 =	vgt.f32 v9, $-1.000000010e-01;
	v7 =	vld [tilespmem:s31+$0xFFFFFF40]  }
0xce: {  	[tilespmem:s31+$0xFFFFFF30] =	vst v2;
	v2 =	vadd.f32 v3, v8;
	v3 =	vsel vm0, $0xBDCCCCCD, v0;
	vm0 =	vgt.f32 v10, $-1.000000010e-01;
	v8 =	vld [tilespmem:s31+$0xFFFFFFC0]  }
0xcf: {  	[tilespmem:s31+$0xFFFFFFB0] =	vst v1;
	v1 =	vadd.f32 v3, v9;
	v3 =	vsel vm0, $0xBDCCCCCD, v0;
	vm0 =	vgt.f32 v4, $-1.000000010e-01;
	v9 =	vld [tilespmem:s31+$0x40]  }
0xd0: {  	[tilespmem:s31+$0x30] =	vst v2;
	v2 =	vadd.f32 v3, v10;
	v3 =	vsel vm0, $0xBDCCCCCD, v0;
	vm0 =	vgt.f32 v5, $-1.000000010e-01;
	v10 =	vld [tilespmem:s31+$0xC0]  }
0xd1: {  	[tilespmem:s31+$0xB0] =	vst v1;
	v1 =	vadd.f32 v3, v4;
	v3 =	vsel vm0, $0xBDCCCCCD, v0;
	vm0 =	vgt.f32 v6, $-1.000000010e-01;
	v4 =	vld [tilespmem:s31+$0x140]  }
0xd2: {  	[tilespmem:s31+$0x130] =	vst v2;
	v2 =	vadd.f32 v3, v5;
	v3 =	vsel vm0, $0xBDCCCCCD, v0;
	vm0 =	vgt.f32 v7, $-1.000000010e-01;
	v5 =	vld [tilespmem:s31+$0x1C0]  }
0xd3: {  	[tilespmem:s31+$0x1B0] =	vst v1;
	v1 =	vadd.f32 v3, v6;
	v3 =	vsel vm0, $0xBDCCCCCD, v0;
	vm0 =	vgt.f32 v8, $-1.000000010e-01;
	v6 =	vld [tilespmem:s31+$0xFFFFFE50]  }
0xd4: {  	[tilespmem:s31+$0xFFFFFE40] =	vst v2;
	v2 =	vadd.f32 v3, v7;
	v3 =	vsel vm0, $0xBDCCCCCD, v0;
	vm0 =	vgt.f32 v9, $-1.000000010e-01;
	v7 =	vld [tilespmem:s31+$0xFFFFFED0]  }
0xd5: {  	[tilespmem:s31+$0xFFFFFEC0] =	vst v1;
	v1 =	vadd.f32 v3, v8;
	v3 =	vsel vm0, $0xBDCCCCCD, v0;
	vm0 =	vgt.f32 v10, $-1.000000010e-01;
	v8 =	vld [tilespmem:s31+$0xFFFFFF50]  }
0xd6: {  	[tilespmem:s31+$0xFFFFFF40] =	vst v2;
	v2 =	vadd.f32 v3, v9;
	v3 =	vsel vm0, $0xBDCCCCCD, v0;
	vm0 =	vgt.f32 v4, $-1.000000010e-01;
	v9 =	vld [tilespmem:s31+$0xFFFFFFD0]  }
0xd7: {  	[tilespmem:s31+$0xFFFFFFC0] =	vst v1;
	v1 =	vadd.f32 v3, v10;
	v3 =	vsel vm0, $0xBDCCCCCD, v0;
	vm0 =	vgt.f32 v5, $-1.000000010e-01;
	v10 =	vld [tilespmem:s31+$0x50]  }
0xd8: {  	[tilespmem:s31+$0x40] =	vst v2;
	v2 =	vadd.f32 v3, v4;
	v3 =	vsel vm0, $0xBDCCCCCD, v0;
	vm0 =	vgt.f32 v6, $-1.000000010e-01;
	v4 =	vld [tilespmem:s31+$0xD0]  }
0xd9: {  	[tilespmem:s31+$0xC0] =	vst v1;
	v1 =	vadd.f32 v3, v5;
	v3 =	vsel vm0, $0xBDCCCCCD, v0;
	vm0 =	vgt.f32 v7, $-1.000000010e-01;
	v5 =	vld [tilespmem:s31+$0x150]  }
0xda: {  	[tilespmem:s31+$0x140] =	vst v2;
	v2 =	vadd.f32 v3, v6;
	v3 =	vsel vm0, $0xBDCCCCCD, v0;
	vm0 =	vgt.f32 v8, $-1.000000010e-01;
	v6 =	vld [tilespmem:s31+$0x1D0]  }
0xdb: {  	[tilespmem:s31+$0x1C0] =	vst v1;
	v1 =	vadd.f32 v3, v7;
	v3 =	vsel vm0, $0xBDCCCCCD, v0;
	vm0 =	vgt.f32 v9, $-1.000000010e-01;
	v7 =	vld [tilespmem:s31+$0xFFFFFE60]  }
0xdc: {  	[tilespmem:s31+$0xFFFFFE50] =	vst v2;
	v2 =	vadd.f32 v3, v8;
	v3 =	vsel vm0, $0xBDCCCCCD, v0;
	vm0 =	vgt.f32 v10, $-1.000000010e-01;
	v8 =	vld [tilespmem:s31+$0xFFFFFEE0]  }
0xdd: {  	[tilespmem:s31+$0xFFFFFED0] =	vst v1;
	v1 =	vadd.f32 v3, v9;
	v3 =	vsel vm0, $0xBDCCCCCD, v0;
	vm0 =	vgt.f32 v4, $-1.000000010e-01;
	v9 =	vld [tilespmem:s31+$0xFFFFFF60]  }
0xde: {  	[tilespmem:s31+$0xFFFFFF50] =	vst v2;
	v2 =	vadd.f32 v3, v10;
	v3 =	vsel vm0, $0xBDCCCCCD, v0;
	vm0 =	vgt.f32 v5, $-1.000000010e-01;
	v10 =	vld [tilespmem:s31+$0xFFFFFFE0]  }
0xdf: {  	[tilespmem:s31+$0xFFFFFFD0] =	vst v1;
	v1 =	vadd.f32 v3, v4;
	v3 =	vsel vm0, $0xBDCCCCCD, v0;
	vm0 =	vgt.f32 v6, $-1.000000010e-01;
	v4 =	vld [tilespmem:s31+$0x60]  }
0xe0: {  	[tilespmem:s31+$0x50] =	vst v2;
	v2 =	vadd.f32 v3, v5;
	v3 =	vsel vm0, $0xBDCCCCCD, v0;
	vm0 =	vgt.f32 v7, $-1.000000010e-01;
	v5 =	vld [tilespmem:s31+$0xE0]  }
0xe1: {  	[tilespmem:s31+$0xD0] =	vst v1;
	v1 =	vadd.f32 v3, v6;
	v3 =	vsel vm0, $0xBDCCCCCD, v0;
	vm0 =	vgt.f32 v8, $-1.000000010e-01;
	v6 =	vld [tilespmem:s31+$0x160]  }
0xe2: {  	v11 =	vld [tilespmem:s31+$0x1E0];
	[tilespmem:s31+$0x150] =	vst v2;
	v2 =	vadd.f32 v3, v7;
	v3 =	vsel vm0, $0xBDCCCCCD, v0;
	vm0 =	vgt.f32 v9, $-1.000000010e-01  }
0xe3: {  	v12 =	vld [tilespmem:s31+$0xFFFFFE70];
	[tilespmem:s31+$0x1D0] =	vst v1;
	v1 =	vadd.f32 v3, v8;
	v3 =	vsel vm0, $0xBDCCCCCD, v0;
	vm0 =	vgt.f32 v10, $-1.000000010e-01  }
0xe4: {  	[tilespmem:s31+$0xFFFFFE60] =	vst v2;
	v7 =	vadd.f32 v3, v9;
	v3 =	vsel vm0, $0xBDCCCCCD, v0;
	vm0 =	vgt.f32 v4, $-1.000000010e-01;
	v2 =	vld [tilespmem:s31+$0xFFFFFEF0]  }
0xe5: {  	[tilespmem:s31+$0xFFFFFEE0] =	vst v1;
	v1 =	vadd.f32 v3, v10;
	v8 =	vsel vm0, $0xBDCCCCCD, v0;
	vm0 =	vgt.f32 v5, $-1.000000010e-01;
	v3 =	vld [tilespmem:s31+$0xFFFFFF70]  }
0xe6: {  	[tilespmem:s31+$0xFFFFFF60] =	vst v7;
	v8 =	vadd.f32 v8, v4;
	v7 =	vsel vm0, $0xBDCCCCCD, v0;
	vm0 =	vgt.f32 v6, $-1.000000010e-01;
	v4 =	vld [tilespmem:s31+$0xFFFFFFF0]  }
0xe7: {  	[tilespmem:s31+$0xFFFFFFE0] =	vst v1;
	v1 =	vadd.f32 v7, v5;
	v5 =	vsel vm0, $0xBDCCCCCD, v0;
	vm0 =	vgt.f32 v11, $-1.000000010e-01;
	v7 =	vld [tilespmem:s31+$0x70]  }
0xe8: {  	[tilespmem:s31+$0x60] =	vst v8;
	v9 =	vadd.f32 v5, v6;
	v6 =	vsel vm0, $0xBDCCCCCD, v0;
	vm0 =	vgt.f32 v12, $-1.000000010e-01;
	v5 =	vld [tilespmem:s31+$0xF0]  }
0xe9: {  	[tilespmem:s31+$0xE0] =	vst v1;
	v8 =	vadd.f32 v6, v11;
	v10 =	vsel vm0, $0xBDCCCCCD, v0;
	vm0 =	vgt.f32 v2, $-1.000000010e-01;
	v6 =	vld [tilespmem:s31+$0x170]  }
0xea: {  	s0 =	simm.s32 $0x0;
	s2 =	simm.s32 $0x4600;
	v1 =	vld [tilespmem:s31+$0xFFFFFE00];
	[tilespmem:s31+$0x160] =	vst v9;
	v9 =	vadd.f32 v10, v12;
	v10 =	vsel vm0, $0xBDCCCCCD, v0;
	vm0 =	vgt.f32 v3, $-1.000000010e-01  }
.LBB2_5:
0xeb: {  	v11 =	vld [tilespmem:s2+$0x1F0];
	s0 =	sadd.s32 $0x80, s0;
	[tilespmem:s31+$0x1E0] =	vst v8;
	v2 =	vadd.f32 v10, v2;
	v8 =	vsel vm0, $0xBDCCCCCD, v0;
	vm0 =	vgt.f32 v4, $-1.000000010e-01  }
0xec: {  	v10 =	vld [tilespmem:s2+$0xFFFFFE80];
	p0 =	slt.u32 s0, $0x780;
	[tilespmem:s31+$0xFFFFFE70] =	vst v9;
	v3 =	vadd.f32 v8, v3;
	v8 =	vsel vm0, $0xBDCCCCCD, v0;
	vm0 =	vgt.f32 v7, $-1.000000010e-01  }
0xed: {  	v9 =	vld [tilespmem:s2+$0xFFFFFF00];
	[tilespmem:s31+$0xFFFFFEF0] =	vst v2;
	v2 =	vadd.f32 v8, v4;
	v4 =	vsel vm0, $0xBDCCCCCD, v0;
	vm0 =	vgt.f32 v5, $-1.000000010e-01  }
0xee: {  	v8 =	vld [tilespmem:s2+$0xFFFFFF80];
	[tilespmem:s31+$0xFFFFFF70] =	vst v3;
	v3 =	vadd.f32 v4, v7;
	v4 =	vsel vm0, $0xBDCCCCCD, v0;
	vm0 =	vgt.f32 v6, $-1.000000010e-01  }
0xef: {  	v7 =	vld [tilespmem:s2+$0x0];
	vm1 =	vgt.f32 v1, $-1.000000010e-01;
	[tilespmem:s31+$0xFFFFFFF0] =	vst v2;
	v2 =	vadd.f32 v4, v5;
	v4 =	vsel vm0, $0xBDCCCCCD, v0  }
0xf0: {  	v5 =	vld [tilespmem:s2+$0x80];
	vm0 =	vgt.f32 v11, $-1.000000010e-01;
	v12 =	vsel vm1, $0xBDCCCCCD, v0;
	[tilespmem:s31+$0x70] =	vst v3;
	v3 =	vadd.f32 v4, v6  }
0xf1: {  	vm1 =	vgt.f32 v10, $-1.000000010e-01;
	v4 =	vld [tilespmem:s2+$0x100];
	v6 =	vsel vm0, $0xBDCCCCCD, v0;
	v1 =	vadd.f32 v12, v1;
	[tilespmem:s31+$0xF0] =	vst v2  }
0xf2: {  	v2 =	vsel vm1, $0xBDCCCCCD, v0;
	vm0 =	vgt.f32 v9, $-1.000000010e-01;
	v12 =	vld [tilespmem:s2+$0x180];
	v6 =	vadd.f32 v6, v11;
	[tilespmem:s31+$0x170] =	vst v3  }
0xf3: {  	v2 =	vadd.f32 v2, v10;
	v3 =	vsel vm0, $0xBDCCCCCD, v0;
	vm0 =	vgt.f32 v8, $-1.000000010e-01;
	v10 =	vld [tilespmem:s2+$0xFFFFFE10];
	[tilespmem:s31+$0xFFFFFE00] =	vst v1;
	s31 =	smov.u32 s2  }
0xf4: {  	v1 =	vadd.f32 v3, v9;
	v3 =	vsel vm0, $0xBDCCCCCD, v0;
	vm0 =	vgt.f32 v7, $-1.000000010e-01;
	v9 =	vld [tilespmem:s2+$0xFFFFFE90];
	[tilespmem:s2+$0x1F0] =	vst v6  }
0xf5: {  	[tilespmem:s2+$0xFFFFFE80] =	vst v2;
	v2 =	vadd.f32 v3, v8;
	v3 =	vsel vm0, $0xBDCCCCCD, v0;
	vm0 =	vgt.f32 v5, $-1.000000010e-01;
	v6 =	vld [tilespmem:s2+$0xFFFFFF10]  }
0xf6: {  	[tilespmem:s2+$0xFFFFFF00] =	vst v1;
	v1 =	vadd.f32 v3, v7;
	v3 =	vsel vm0, $0xBDCCCCCD, v0;
	vm0 =	vgt.f32 v4, $-1.000000010e-01;
	v7 =	vld [tilespmem:s2+$0xFFFFFF90]  }
0xf7: {  	[tilespmem:s2+$0xFFFFFF80] =	vst v2;
	v2 =	vadd.f32 v3, v5;
	v3 =	vsel vm0, $0xBDCCCCCD, v0;
	vm0 =	vgt.f32 v12, $-1.000000010e-01;
	v5 =	vld [tilespmem:s2+$0x10]  }
0xf8: {  	[tilespmem:s2+$0x0] =	vst v1;
	v1 =	vadd.f32 v3, v4;
	v3 =	vsel vm0, $0xBDCCCCCD, v0;
	vm0 =	vgt.f32 v10, $-1.000000010e-01;
	v4 =	vld [tilespmem:s2+$0x90]  }
0xf9: {  	[tilespmem:s2+$0x80] =	vst v2;
	v2 =	vadd.f32 v3, v12;
	v3 =	vsel vm0, $0xBDCCCCCD, v0;
	vm0 =	vgt.f32 v9, $-1.000000010e-01;
	v8 =	vld [tilespmem:s2+$0x110]  }
0xfa: {  	[tilespmem:s2+$0x100] =	vst v1;
	v1 =	vadd.f32 v3, v10;
	v3 =	vsel vm0, $0xBDCCCCCD, v0;
	vm0 =	vgt.f32 v6, $-1.000000010e-01;
	v10 =	vld [tilespmem:s2+$0x190]  }
0xfb: {  	[tilespmem:s2+$0x180] =	vst v2;
	v2 =	vadd.f32 v3, v9;
	v3 =	vsel vm0, $0xBDCCCCCD, v0;
	vm0 =	vgt.f32 v7, $-1.000000010e-01;
	v9 =	vld [tilespmem:s2+$0xFFFFFE20]  }
0xfc: {  	[tilespmem:s2+$0xFFFFFE10] =	vst v1;
	v1 =	vadd.f32 v3, v6;
	v3 =	vsel vm0, $0xBDCCCCCD, v0;
	vm0 =	vgt.f32 v5, $-1.000000010e-01;
	v6 =	vld [tilespmem:s2+$0xFFFFFEA0]  }
0xfd: {  	[tilespmem:s2+$0xFFFFFE90] =	vst v2;
	v2 =	vadd.f32 v3, v7;
	v3 =	vsel vm0, $0xBDCCCCCD, v0;
	vm0 =	vgt.f32 v4, $-1.000000010e-01;
	v7 =	vld [tilespmem:s2+$0xFFFFFF20]  }
0xfe: {  	[tilespmem:s2+$0xFFFFFF10] =	vst v1;
	v1 =	vadd.f32 v3, v5;
	v3 =	vsel vm0, $0xBDCCCCCD, v0;
	vm0 =	vgt.f32 v8, $-1.000000010e-01;
	v5 =	vld [tilespmem:s2+$0xFFFFFFA0]  }
0xff: {  	[tilespmem:s2+$0xFFFFFF90] =	vst v2;
	v2 =	vadd.f32 v3, v4;
	v3 =	vsel vm0, $0xBDCCCCCD, v0;
	vm0 =	vgt.f32 v10, $-1.000000010e-01;
	v4 =	vld [tilespmem:s2+$0x20]  }
0x100: {  	[tilespmem:s2+$0x10] =	vst v1;
	v1 =	vadd.f32 v3, v8;
	v3 =	vsel vm0, $0xBDCCCCCD, v0;
	vm0 =	vgt.f32 v9, $-1.000000010e-01;
	v8 =	vld [tilespmem:s2+$0xA0]  }
0x101: {  	[tilespmem:s2+$0x90] =	vst v2;
	v2 =	vadd.f32 v3, v10;
	v3 =	vsel vm0, $0xBDCCCCCD, v0;
	vm0 =	vgt.f32 v6, $-1.000000010e-01;
	v10 =	vld [tilespmem:s2+$0x120]  }
0x102: {  	[tilespmem:s2+$0x110] =	vst v1;
	v1 =	vadd.f32 v3, v9;
	v3 =	vsel vm0, $0xBDCCCCCD, v0;
	vm0 =	vgt.f32 v7, $-1.000000010e-01;
	v9 =	vld [tilespmem:s2+$0x1A0]  }
0x103: {  	[tilespmem:s2+$0x190] =	vst v2;
	v2 =	vadd.f32 v3, v6;
	v3 =	vsel vm0, $0xBDCCCCCD, v0;
	vm0 =	vgt.f32 v5, $-1.000000010e-01;
	v6 =	vld [tilespmem:s2+$0xFFFFFE30]  }
0x104: {  	[tilespmem:s2+$0xFFFFFE20] =	vst v1;
	v1 =	vadd.f32 v3, v7;
	v3 =	vsel vm0, $0xBDCCCCCD, v0;
	vm0 =	vgt.f32 v4, $-1.000000010e-01;
	v7 =	vld [tilespmem:s2+$0xFFFFFEB0]  }
0x105: {  	[tilespmem:s2+$0xFFFFFEA0] =	vst v2;
	v2 =	vadd.f32 v3, v5;
	v3 =	vsel vm0, $0xBDCCCCCD, v0;
	vm0 =	vgt.f32 v8, $-1.000000010e-01;
	v5 =	vld [tilespmem:s2+$0xFFFFFF30]  }
0x106: {  	[tilespmem:s2+$0xFFFFFF20] =	vst v1;
	v1 =	vadd.f32 v3, v4;
	v3 =	vsel vm0, $0xBDCCCCCD, v0;
	vm0 =	vgt.f32 v10, $-1.000000010e-01;
	v4 =	vld [tilespmem:s2+$0xFFFFFFB0]  }
0x107: {  	[tilespmem:s2+$0xFFFFFFA0] =	vst v2;
	v2 =	vadd.f32 v3, v8;
	v3 =	vsel vm0, $0xBDCCCCCD, v0;
	vm0 =	vgt.f32 v9, $-1.000000010e-01;
	v8 =	vld [tilespmem:s2+$0x30]  }
0x108: {  	[tilespmem:s2+$0x20] =	vst v1;
	v1 =	vadd.f32 v3, v10;
	v3 =	vsel vm0, $0xBDCCCCCD, v0;
	vm0 =	vgt.f32 v6, $-1.000000010e-01;
	v10 =	vld [tilespmem:s2+$0xB0]  }
0x109: {  	[tilespmem:s2+$0xA0] =	vst v2;
	v2 =	vadd.f32 v3, v9;
	v3 =	vsel vm0, $0xBDCCCCCD, v0;
	vm0 =	vgt.f32 v7, $-1.000000010e-01;
	v9 =	vld [tilespmem:s2+$0x130]  }
0x10a: {  	[tilespmem:s2+$0x120] =	vst v1;
	v1 =	vadd.f32 v3, v6;
	v3 =	vsel vm0, $0xBDCCCCCD, v0;
	vm0 =	vgt.f32 v5, $-1.000000010e-01;
	v6 =	vld [tilespmem:s2+$0x1B0]  }
0x10b: {  	[tilespmem:s2+$0x1A0] =	vst v2;
	v2 =	vadd.f32 v3, v7;
	v3 =	vsel vm0, $0xBDCCCCCD, v0;
	vm0 =	vgt.f32 v4, $-1.000000010e-01;
	v7 =	vld [tilespmem:s2+$0xFFFFFE40]  }
0x10c: {  	[tilespmem:s2+$0xFFFFFE30] =	vst v1;
	v1 =	vadd.f32 v3, v5;
	v3 =	vsel vm0, $0xBDCCCCCD, v0;
	vm0 =	vgt.f32 v8, $-1.000000010e-01;
	v5 =	vld [tilespmem:s2+$0xFFFFFEC0]  }
0x10d: {  	[tilespmem:s2+$0xFFFFFEB0] =	vst v2;
	v2 =	vadd.f32 v3, v4;
	v3 =	vsel vm0, $0xBDCCCCCD, v0;
	vm0 =	vgt.f32 v10, $-1.000000010e-01;
	v4 =	vld [tilespmem:s2+$0xFFFFFF40]  }
0x10e: {  	[tilespmem:s2+$0xFFFFFF30] =	vst v1;
	v1 =	vadd.f32 v3, v8;
	v3 =	vsel vm0, $0xBDCCCCCD, v0;
	vm0 =	vgt.f32 v9, $-1.000000010e-01;
	v8 =	vld [tilespmem:s2+$0xFFFFFFC0]  }
0x10f: {  	[tilespmem:s2+$0xFFFFFFB0] =	vst v2;
	v2 =	vadd.f32 v3, v10;
	v3 =	vsel vm0, $0xBDCCCCCD, v0;
	vm0 =	vgt.f32 v6, $-1.000000010e-01;
	v10 =	vld [tilespmem:s2+$0x40]  }
0x110: {  	[tilespmem:s2+$0x30] =	vst v1;
	v1 =	vadd.f32 v3, v9;
	v3 =	vsel vm0, $0xBDCCCCCD, v0;
	vm0 =	vgt.f32 v7, $-1.000000010e-01;
	v9 =	vld [tilespmem:s2+$0xC0]  }
0x111: {  	[tilespmem:s2+$0xB0] =	vst v2;
	v2 =	vadd.f32 v3, v6;
	v3 =	vsel vm0, $0xBDCCCCCD, v0;
	vm0 =	vgt.f32 v5, $-1.000000010e-01;
	v6 =	vld [tilespmem:s2+$0x140]  }
0x112: {  	[tilespmem:s2+$0x130] =	vst v1;
	v1 =	vadd.f32 v3, v7;
	v3 =	vsel vm0, $0xBDCCCCCD, v0;
	vm0 =	vgt.f32 v4, $-1.000000010e-01;
	v7 =	vld [tilespmem:s2+$0x1C0]  }
0x113: {  	[tilespmem:s2+$0x1B0] =	vst v2;
	v2 =	vadd.f32 v3, v5;
	v3 =	vsel vm0, $0xBDCCCCCD, v0;
	vm0 =	vgt.f32 v8, $-1.000000010e-01;
	v5 =	vld [tilespmem:s2+$0xFFFFFE50]  }
0x114: {  	[tilespmem:s2+$0xFFFFFE40] =	vst v1;
	v1 =	vadd.f32 v3, v4;
	v3 =	vsel vm0, $0xBDCCCCCD, v0;
	vm0 =	vgt.f32 v10, $-1.000000010e-01;
	v4 =	vld [tilespmem:s2+$0xFFFFFED0]  }
0x115: {  	[tilespmem:s2+$0xFFFFFEC0] =	vst v2;
	v2 =	vadd.f32 v3, v8;
	v3 =	vsel vm0, $0xBDCCCCCD, v0;
	vm0 =	vgt.f32 v9, $-1.000000010e-01;
	v8 =	vld [tilespmem:s2+$0xFFFFFF50]  }
0x116: {  	[tilespmem:s2+$0xFFFFFF40] =	vst v1;
	v1 =	vadd.f32 v3, v10;
	v3 =	vsel vm0, $0xBDCCCCCD, v0;
	vm0 =	vgt.f32 v6, $-1.000000010e-01;
	v10 =	vld [tilespmem:s2+$0xFFFFFFD0]  }
0x117: {  	[tilespmem:s2+$0xFFFFFFC0] =	vst v2;
	v2 =	vadd.f32 v3, v9;
	v3 =	vsel vm0, $0xBDCCCCCD, v0;
	vm0 =	vgt.f32 v7, $-1.000000010e-01;
	v9 =	vld [tilespmem:s2+$0x50]  }
0x118: {  	[tilespmem:s2+$0x40] =	vst v1;
	v1 =	vadd.f32 v3, v6;
	v3 =	vsel vm0, $0xBDCCCCCD, v0;
	vm0 =	vgt.f32 v5, $-1.000000010e-01;
	v6 =	vld [tilespmem:s2+$0xD0]  }
0x119: {  	[tilespmem:s2+$0xC0] =	vst v2;
	v2 =	vadd.f32 v3, v7;
	v3 =	vsel vm0, $0xBDCCCCCD, v0;
	vm0 =	vgt.f32 v4, $-1.000000010e-01;
	v7 =	vld [tilespmem:s2+$0x150]  }
0x11a: {  	[tilespmem:s2+$0x140] =	vst v1;
	v1 =	vadd.f32 v3, v5;
	v3 =	vsel vm0, $0xBDCCCCCD, v0;
	vm0 =	vgt.f32 v8, $-1.000000010e-01;
	v5 =	vld [tilespmem:s2+$0x1D0]  }
0x11b: {  	[tilespmem:s2+$0x1C0] =	vst v2;
	v2 =	vadd.f32 v3, v4;
	v3 =	vsel vm0, $0xBDCCCCCD, v0;
	vm0 =	vgt.f32 v10, $-1.000000010e-01;
	v4 =	vld [tilespmem:s2+$0xFFFFFE60]  }
0x11c: {  	[tilespmem:s2+$0xFFFFFE50] =	vst v1;
	v1 =	vadd.f32 v3, v8;
	v3 =	vsel vm0, $0xBDCCCCCD, v0;
	vm0 =	vgt.f32 v9, $-1.000000010e-01;
	v8 =	vld [tilespmem:s2+$0xFFFFFEE0]  }
0x11d: {  	[tilespmem:s2+$0xFFFFFED0] =	vst v2;
	v2 =	vadd.f32 v3, v10;
	v3 =	vsel vm0, $0xBDCCCCCD, v0;
	vm0 =	vgt.f32 v6, $-1.000000010e-01;
	v10 =	vld [tilespmem:s2+$0xFFFFFF60]  }
0x11e: {  	[tilespmem:s2+$0xFFFFFF50] =	vst v1;
	v1 =	vadd.f32 v3, v9;
	v3 =	vsel vm0, $0xBDCCCCCD, v0;
	vm0 =	vgt.f32 v7, $-1.000000010e-01;
	v9 =	vld [tilespmem:s2+$0xFFFFFFE0]  }
0x11f: {  	[tilespmem:s2+$0xFFFFFFD0] =	vst v2;
	v2 =	vadd.f32 v3, v6;
	v3 =	vsel vm0, $0xBDCCCCCD, v0;
	vm0 =	vgt.f32 v5, $-1.000000010e-01;
	v6 =	vld [tilespmem:s2+$0x60]  }
0x120: {  	[tilespmem:s2+$0x50] =	vst v1;
	v1 =	vadd.f32 v3, v7;
	v3 =	vsel vm0, $0xBDCCCCCD, v0;
	vm0 =	vgt.f32 v4, $-1.000000010e-01;
	v7 =	vld [tilespmem:s2+$0xE0]  }
0x121: {  	[tilespmem:s2+$0xD0] =	vst v2;
	v2 =	vadd.f32 v3, v5;
	v3 =	vsel vm0, $0xBDCCCCCD, v0;
	vm0 =	vgt.f32 v8, $-1.000000010e-01;
	v5 =	vld [tilespmem:s2+$0x160]  }
0x122: {  	[tilespmem:s2+$0x150] =	vst v1;
	v1 =	vadd.f32 v3, v4;
	v3 =	vsel vm0, $0xBDCCCCCD, v0;
	vm0 =	vgt.f32 v10, $-1.000000010e-01;
	v11 =	vld [tilespmem:s2+$0x1E0]  }
0x123: {  	[tilespmem:s2+$0x1D0] =	vst v2;
	v3 =	vadd.f32 v3, v8;
	v2 =	vsel vm0, $0xBDCCCCCD, v0;
	vm0 =	vgt.f32 v9, $-1.000000010e-01;
	v12 =	vld [tilespmem:s2+$0xFFFFFE70]  }
0x124: {  	[tilespmem:s2+$0xFFFFFE60] =	vst v1;
	v1 =	vadd.f32 v2, v10;
	v4 =	vsel vm0, $0xBDCCCCCD, v0;
	vm0 =	vgt.f32 v6, $-1.000000010e-01;
	v2 =	vld [tilespmem:s2+$0xFFFFFEF0]  }
0x125: {  	[tilespmem:s2+$0xFFFFFEE0] =	vst v3;
	v8 =	vadd.f32 v4, v9;
	v4 =	vsel vm0, $0xBDCCCCCD, v0;
	vm0 =	vgt.f32 v7, $-1.000000010e-01;
	v3 =	vld [tilespmem:s2+$0xFFFFFF70]  }
.Ltmp1:
0x126: {  	[tilespmem:s2+$0xFFFFFF60] =	vst v1;
	v1 =	vadd.f32 v4, v6;
	v6 =	vsel vm0, $0xBDCCCCCD, v0;
	vm0 =	vgt.f32 v5, $-1.000000010e-01;
	v4 =	vld [tilespmem:s2+$0xFFFFFFF0];
	(pc) =	sbr.rel @p0 .LBB2_5-.Ltmp1, $4  }
0x127: {  	[tilespmem:s2+$0xFFFFFFE0] =	vst v8;
	v6 =	vadd.f32 v6, v7;
	v8 =	vsel vm0, $0xBDCCCCCD, v0;
	vm0 =	vgt.f32 v11, $-1.000000010e-01;
	v7 =	vld [tilespmem:s2+$0x70]  }
0x128: {  	[tilespmem:s2+$0x60] =	vst v1;
	v9 =	vadd.f32 v8, v5;
	v1 =	vsel vm0, $0xBDCCCCCD, v0;
	vm0 =	vgt.f32 v12, $-1.000000010e-01;
	v5 =	vld [tilespmem:s2+$0xF0]  }
0x129: {  	[tilespmem:s2+$0xE0] =	vst v6;
	v8 =	vadd.f32 v1, v11;
	v10 =	vsel vm0, $0xBDCCCCCD, v0;
	vm0 =	vgt.f32 v2, $-1.000000010e-01;
	v6 =	vld [tilespmem:s2+$0x170]  }
0x12a: {  	s2 =	sadd.s32 $0x400, s2;
	v1 =	vld [tilespmem:s31+$0xFFFFFE00];
	[tilespmem:s31+$0x160] =	vst v9;
	v9 =	vadd.f32 v10, v12;
	v10 =	vsel vm0, $0xBDCCCCCD, v0;
	vm0 =	vgt.f32 v3, $-1.000000010e-01  }
0x12b: {  	[tilespmem:s31+$0x1E0] =	vst v8;
	v2 =	vadd.f32 v10, v2;
	v8 =	vsel vm0, $0xBDCCCCCD, v0;
	vm0 =	vgt.f32 v4, $-1.000000010e-01  }
0x12c: {  	[tilespmem:s31+$0xFFFFFE70] =	vst v9;
	v3 =	vadd.f32 v8, v3;
	v8 =	vsel vm0, $0xBDCCCCCD, v0;
	vm0 =	vgt.f32 v7, $-1.000000010e-01  }
0x12d: {  	[tilespmem:s31+$0xFFFFFEF0] =	vst v2;
	v2 =	vadd.f32 v8, v4;
	v4 =	vsel vm0, $0xBDCCCCCD, v0;
	vm0 =	vgt.f32 v5, $-1.000000010e-01  }
0x12e: {  	[tilespmem:s31+$0xFFFFFF70] =	vst v3;
	v3 =	vadd.f32 v4, v7;
	v4 =	vsel vm0, $0xBDCCCCCD, v0;
	vm0 =	vgt.f32 v6, $-1.000000010e-01  }
0x12f: {  	vm1 =	vgt.f32 v1, $-1.000000010e-01;
	[tilespmem:s31+$0xFFFFFFF0] =	vst v2;
	v2 =	vadd.f32 v4, v5;
	v4 =	vsel vm0, $0xBDCCCCCD, v0  }
0x130: {  	v5 =	vsel vm1, $0xBDCCCCCD, v0;
	[tilespmem:s31+$0x70] =	vst v3;
	v3 =	vadd.f32 v4, v6  }
0x131: {  	v1 =	vadd.f32 v5, v1;
	[tilespmem:s31+$0xF0] =	vst v2  }
0x132: {  	[tilespmem:s31+$0x170] =	vst v3  }
0x133: {  	s0 =	sadd.s32 s30, s9;
	[tilespmem:s31+$0xFFFFFE00] =	vst v1  }
0x134: {  	[hbm4b:s0+s4] =	stream.linear.scatter [tilespmem:s13], [sflag:$0x6], $0x4000, $0x38;
	[tilespmem:$0x10000] =	vst v63  }
0x135: {  	_ =	swait.ge [sflag:s18], $0x4000  }
0x136: {  	p0 =	seq.s32 s25, $0x1F;
	[sflag:s18] =	ssyncset.done $0x0  }
0x137: {  	s2 =	simm.s32 @!p0 $0x0;
	s0 =	sadd.s32 @!p0 s26, s10;
	[sflag:s18] =	ssyncadd.s32 $0xFFFFC000  }
0x138: {  	[tilespmem:s2], [sflag:$0x1] =	stream.linear.gather @!p0 [hbm4b:s0+s2], $0x4000, $0x38;
	[tilespmem:$0x10000] =	vst v63  }
0x139: {  	_ =	swait.ge [sflag:s19], $0x4000  }
0x13a: {  	[sflag:s19] =	ssyncset.done $0x0  }
0x13b: {  	s30 =	simm.s32 $0x8200;
	[sflag:s19] =	ssyncadd.s32 $0xFFFFC000  }
0x13c: {  	v1 =	vld [tilespmem:s30+$0x1F0]  }
0x13d: {  	v2 =	vld [tilespmem:s30+$0xFFFFFE80]  }
0x13e: {  	v3 =	vld [tilespmem:s30+$0xFFFFFF00]  }
0x13f: {  	v4 =	vld [tilespmem:s30+$0xFFFFFF80]  }
0x140: {  	v5 =	vld [tilespmem:s30+$0x0]  }
0x141: {  	v6 =	vld [tilespmem:s30+$0x80];
	vm0 =	vgt.f32 v1, $-1.000000010e-01  }
0x142: {  	v7 =	vld [tilespmem:s30+$0x100];
	vm1 =	vgt.f32 v2, $-1.000000010e-01;
	v8 =	vsel vm0, $0xBDCCCCCD, v0  }
0x143: {  	v10 =	vld [tilespmem:s30+$0x180];
	v9 =	vsel vm1, $0xBDCCCCCD, v0;
	vm0 =	vgt.f32 v3, $-1.000000010e-01;
	v1 =	vadd.f32 v8, v1  }
0x144: {  	v2 =	vadd.f32 v9, v2;
	v8 =	vsel vm0, $0xBDCCCCCD, v0;
	vm0 =	vgt.f32 v4, $-1.000000010e-01;
	v9 =	vld [tilespmem:s30+$0xFFFFFE10]  }
0x145: {  	v11 =	vld [tilespmem:s30+$0xFFFFFE90];
	v3 =	vadd.f32 v8, v3;
	v8 =	vsel vm0, $0xBDCCCCCD, v0;
	vm0 =	vgt.f32 v5, $-1.000000010e-01;
	[tilespmem:s30+$0x1F0] =	vst v1  }
0x146: {  	[tilespmem:s30+$0xFFFFFE80] =	vst v2;
	v1 =	vadd.f32 v8, v4;
	v2 =	vsel vm0, $0xBDCCCCCD, v0;
	vm0 =	vgt.f32 v6, $-1.000000010e-01;
	v4 =	vld [tilespmem:s30+$0xFFFFFF10]  }
0x147: {  	[tilespmem:s30+$0xFFFFFF00] =	vst v3;
	v2 =	vadd.f32 v2, v5;
	v3 =	vsel vm0, $0xBDCCCCCD, v0;
	vm0 =	vgt.f32 v7, $-1.000000010e-01;
	v5 =	vld [tilespmem:s30+$0xFFFFFF90]  }
0x148: {  	[tilespmem:s30+$0xFFFFFF80] =	vst v1;
	v1 =	vadd.f32 v3, v6;
	v3 =	vsel vm0, $0xBDCCCCCD, v0;
	vm0 =	vgt.f32 v10, $-1.000000010e-01;
	v6 =	vld [tilespmem:s30+$0x10]  }
0x149: {  	[tilespmem:s30+$0x0] =	vst v2;
	v2 =	vadd.f32 v3, v7;
	v3 =	vsel vm0, $0xBDCCCCCD, v0;
	vm0 =	vgt.f32 v9, $-1.000000010e-01;
	v7 =	vld [tilespmem:s30+$0x90]  }
0x14a: {  	v8 =	vld [tilespmem:s30+$0x110];
	[tilespmem:s30+$0x80] =	vst v1;
	v1 =	vadd.f32 v3, v10;
	v3 =	vsel vm0, $0xBDCCCCCD, v0;
	vm0 =	vgt.f32 v11, $-1.000000010e-01  }
0x14b: {  	[tilespmem:s30+$0x100] =	vst v2;
	v2 =	vadd.f32 v3, v9;
	v3 =	vsel vm0, $0xBDCCCCCD, v0;
	vm0 =	vgt.f32 v4, $-1.000000010e-01;
	v9 =	vld [tilespmem:s30+$0x190]  }
0x14c: {  	v10 =	vld [tilespmem:s30+$0xFFFFFE20];
	[tilespmem:s30+$0x180] =	vst v1;
	v1 =	vadd.f32 v3, v11;
	v3 =	vsel vm0, $0xBDCCCCCD, v0;
	vm0 =	vgt.f32 v5, $-1.000000010e-01  }
0x14d: {  	[tilespmem:s30+$0xFFFFFE10] =	vst v2;
	v2 =	vadd.f32 v3, v4;
	v3 =	vsel vm0, $0xBDCCCCCD, v0;
	vm0 =	vgt.f32 v6, $-1.000000010e-01;
	v4 =	vld [tilespmem:s30+$0xFFFFFEA0]  }
0x14e: {  	[tilespmem:s30+$0xFFFFFE90] =	vst v1;
	v1 =	vadd.f32 v3, v5;
	v3 =	vsel vm0, $0xBDCCCCCD, v0;
	vm0 =	vgt.f32 v7, $-1.000000010e-01;
	v5 =	vld [tilespmem:s30+$0xFFFFFF20]  }
0x14f: {  	[tilespmem:s30+$0xFFFFFF10] =	vst v2;
	v2 =	vadd.f32 v3, v6;
	v3 =	vsel vm0, $0xBDCCCCCD, v0;
	vm0 =	vgt.f32 v8, $-1.000000010e-01;
	v6 =	vld [tilespmem:s30+$0xFFFFFFA0]  }
0x150: {  	[tilespmem:s30+$0xFFFFFF90] =	vst v1;
	v1 =	vadd.f32 v3, v7;
	v3 =	vsel vm0, $0xBDCCCCCD, v0;
	vm0 =	vgt.f32 v9, $-1.000000010e-01;
	v7 =	vld [tilespmem:s30+$0x20]  }
0x151: {  	[tilespmem:s30+$0x10] =	vst v2;
	v2 =	vadd.f32 v3, v8;
	v3 =	vsel vm0, $0xBDCCCCCD, v0;
	vm0 =	vgt.f32 v10, $-1.000000010e-01;
	v8 =	vld [tilespmem:s30+$0xA0]  }
0x152: {  	[tilespmem:s30+$0x90] =	vst v1;
	v1 =	vadd.f32 v3, v9;
	v3 =	vsel vm0, $0xBDCCCCCD, v0;
	vm0 =	vgt.f32 v4, $-1.000000010e-01;
	v9 =	vld [tilespmem:s30+$0x120]  }
0x153: {  	[tilespmem:s30+$0x110] =	vst v2;
	v2 =	vadd.f32 v3, v10;
	v3 =	vsel vm0, $0xBDCCCCCD, v0;
	vm0 =	vgt.f32 v5, $-1.000000010e-01;
	v10 =	vld [tilespmem:s30+$0x1A0]  }
0x154: {  	[tilespmem:s30+$0x190] =	vst v1;
	v1 =	vadd.f32 v3, v4;
	v3 =	vsel vm0, $0xBDCCCCCD, v0;
	vm0 =	vgt.f32 v6, $-1.000000010e-01;
	v4 =	vld [tilespmem:s30+$0xFFFFFE30]  }
0x155: {  	[tilespmem:s30+$0xFFFFFE20] =	vst v2;
	v2 =	vadd.f32 v3, v5;
	v3 =	vsel vm0, $0xBDCCCCCD, v0;
	vm0 =	vgt.f32 v7, $-1.000000010e-01;
	v5 =	vld [tilespmem:s30+$0xFFFFFEB0]  }
0x156: {  	[tilespmem:s30+$0xFFFFFEA0] =	vst v1;
	v1 =	vadd.f32 v3, v6;
	v3 =	vsel vm0, $0xBDCCCCCD, v0;
	vm0 =	vgt.f32 v8, $-1.000000010e-01;
	v6 =	vld [tilespmem:s30+$0xFFFFFF30]  }
0x157: {  	[tilespmem:s30+$0xFFFFFF20] =	vst v2;
	v2 =	vadd.f32 v3, v7;
	v3 =	vsel vm0, $0xBDCCCCCD, v0;
	vm0 =	vgt.f32 v9, $-1.000000010e-01;
	v7 =	vld [tilespmem:s30+$0xFFFFFFB0]  }
0x158: {  	[tilespmem:s30+$0xFFFFFFA0] =	vst v1;
	v1 =	vadd.f32 v3, v8;
	v3 =	vsel vm0, $0xBDCCCCCD, v0;
	vm0 =	vgt.f32 v10, $-1.000000010e-01;
	v8 =	vld [tilespmem:s30+$0x30]  }
0x159: {  	[tilespmem:s30+$0x20] =	vst v2;
	v2 =	vadd.f32 v3, v9;
	v3 =	vsel vm0, $0xBDCCCCCD, v0;
	vm0 =	vgt.f32 v4, $-1.000000010e-01;
	v9 =	vld [tilespmem:s30+$0xB0]  }
0x15a: {  	[tilespmem:s30+$0xA0] =	vst v1;
	v1 =	vadd.f32 v3, v10;
	v3 =	vsel vm0, $0xBDCCCCCD, v0;
	vm0 =	vgt.f32 v5, $-1.000000010e-01;
	v10 =	vld [tilespmem:s30+$0x130]  }
0x15b: {  	[tilespmem:s30+$0x120] =	vst v2;
	v2 =	vadd.f32 v3, v4;
	v3 =	vsel vm0, $0xBDCCCCCD, v0;
	vm0 =	vgt.f32 v6, $-1.000000010e-01;
	v4 =	vld [tilespmem:s30+$0x1B0]  }
0x15c: {  	[tilespmem:s30+$0x1A0] =	vst v1;
	v1 =	vadd.f32 v3, v5;
	v3 =	vsel vm0, $0xBDCCCCCD, v0;
	vm0 =	vgt.f32 v7, $-1.000000010e-01;
	v5 =	vld [tilespmem:s30+$0xFFFFFE40]  }
0x15d: {  	[tilespmem:s30+$0xFFFFFE30] =	vst v2;
	v2 =	vadd.f32 v3, v6;
	v3 =	vsel vm0, $0xBDCCCCCD, v0;
	vm0 =	vgt.f32 v8, $-1.000000010e-01;
	v6 =	vld [tilespmem:s30+$0xFFFFFEC0]  }
0x15e: {  	[tilespmem:s30+$0xFFFFFEB0] =	vst v1;
	v1 =	vadd.f32 v3, v7;
	v3 =	vsel vm0, $0xBDCCCCCD, v0;
	vm0 =	vgt.f32 v9, $-1.000000010e-01;
	v7 =	vld [tilespmem:s30+$0xFFFFFF40]  }
0x15f: {  	[tilespmem:s30+$0xFFFFFF30] =	vst v2;
	v2 =	vadd.f32 v3, v8;
	v3 =	vsel vm0, $0xBDCCCCCD, v0;
	vm0 =	vgt.f32 v10, $-1.000000010e-01;
	v8 =	vld [tilespmem:s30+$0xFFFFFFC0]  }
0x160: {  	[tilespmem:s30+$0xFFFFFFB0] =	vst v1;
	v1 =	vadd.f32 v3, v9;
	v3 =	vsel vm0, $0xBDCCCCCD, v0;
	vm0 =	vgt.f32 v4, $-1.000000010e-01;
	v9 =	vld [tilespmem:s30+$0x40]  }
0x161: {  	[tilespmem:s30+$0x30] =	vst v2;
	v2 =	vadd.f32 v3, v10;
	v3 =	vsel vm0, $0xBDCCCCCD, v0;
	vm0 =	vgt.f32 v5, $-1.000000010e-01;
	v10 =	vld [tilespmem:s30+$0xC0]  }
0x162: {  	[tilespmem:s30+$0xB0] =	vst v1;
	v1 =	vadd.f32 v3, v4;
	v3 =	vsel vm0, $0xBDCCCCCD, v0;
	vm0 =	vgt.f32 v6, $-1.000000010e-01;
	v4 =	vld [tilespmem:s30+$0x140]  }
0x163: {  	[tilespmem:s30+$0x130] =	vst v2;
	v2 =	vadd.f32 v3, v5;
	v3 =	vsel vm0, $0xBDCCCCCD, v0;
	vm0 =	vgt.f32 v7, $-1.000000010e-01;
	v5 =	vld [tilespmem:s30+$0x1C0]  }
0x164: {  	[tilespmem:s30+$0x1B0] =	vst v1;
	v1 =	vadd.f32 v3, v6;
	v3 =	vsel vm0, $0xBDCCCCCD, v0;
	vm0 =	vgt.f32 v8, $-1.000000010e-01;
	v6 =	vld [tilespmem:s30+$0xFFFFFE50]  }
0x165: {  	[tilespmem:s30+$0xFFFFFE40] =	vst v2;
	v2 =	vadd.f32 v3, v7;
	v3 =	vsel vm0, $0xBDCCCCCD, v0;
	vm0 =	vgt.f32 v9, $-1.000000010e-01;
	v7 =	vld [tilespmem:s30+$0xFFFFFED0]  }
0x166: {  	[tilespmem:s30+$0xFFFFFEC0] =	vst v1;
	v1 =	vadd.f32 v3, v8;
	v3 =	vsel vm0, $0xBDCCCCCD, v0;
	vm0 =	vgt.f32 v10, $-1.000000010e-01;
	v8 =	vld [tilespmem:s30+$0xFFFFFF50]  }
0x167: {  	[tilespmem:s30+$0xFFFFFF40] =	vst v2;
	v2 =	vadd.f32 v3, v9;
	v3 =	vsel vm0, $0xBDCCCCCD, v0;
	vm0 =	vgt.f32 v4, $-1.000000010e-01;
	v9 =	vld [tilespmem:s30+$0xFFFFFFD0]  }
0x168: {  	[tilespmem:s30+$0xFFFFFFC0] =	vst v1;
	v1 =	vadd.f32 v3, v10;
	v3 =	vsel vm0, $0xBDCCCCCD, v0;
	vm0 =	vgt.f32 v5, $-1.000000010e-01;
	v10 =	vld [tilespmem:s30+$0x50]  }
0x169: {  	[tilespmem:s30+$0x40] =	vst v2;
	v2 =	vadd.f32 v3, v4;
	v3 =	vsel vm0, $0xBDCCCCCD, v0;
	vm0 =	vgt.f32 v6, $-1.000000010e-01;
	v4 =	vld [tilespmem:s30+$0xD0]  }
0x16a: {  	[tilespmem:s30+$0xC0] =	vst v1;
	v1 =	vadd.f32 v3, v5;
	v3 =	vsel vm0, $0xBDCCCCCD, v0;
	vm0 =	vgt.f32 v7, $-1.000000010e-01;
	v5 =	vld [tilespmem:s30+$0x150]  }
0x16b: {  	[tilespmem:s30+$0x140] =	vst v2;
	v2 =	vadd.f32 v3, v6;
	v3 =	vsel vm0, $0xBDCCCCCD, v0;
	vm0 =	vgt.f32 v8, $-1.000000010e-01;
	v6 =	vld [tilespmem:s30+$0x1D0]  }
0x16c: {  	[tilespmem:s30+$0x1C0] =	vst v1;
	v1 =	vadd.f32 v3, v7;
	v3 =	vsel vm0, $0xBDCCCCCD, v0;
	vm0 =	vgt.f32 v9, $-1.000000010e-01;
	v7 =	vld [tilespmem:s30+$0xFFFFFE60]  }
0x16d: {  	[tilespmem:s30+$0xFFFFFE50] =	vst v2;
	v2 =	vadd.f32 v3, v8;
	v3 =	vsel vm0, $0xBDCCCCCD, v0;
	vm0 =	vgt.f32 v10, $-1.000000010e-01;
	v8 =	vld [tilespmem:s30+$0xFFFFFEE0]  }
0x16e: {  	[tilespmem:s30+$0xFFFFFED0] =	vst v1;
	v1 =	vadd.f32 v3, v9;
	v3 =	vsel vm0, $0xBDCCCCCD, v0;
	vm0 =	vgt.f32 v4, $-1.000000010e-01;
	v9 =	vld [tilespmem:s30+$0xFFFFFF60]  }
0x16f: {  	[tilespmem:s30+$0xFFFFFF50] =	vst v2;
	v2 =	vadd.f32 v3, v10;
	v3 =	vsel vm0, $0xBDCCCCCD, v0;
	vm0 =	vgt.f32 v5, $-1.000000010e-01;
	v10 =	vld [tilespmem:s30+$0xFFFFFFE0]  }
0x170: {  	[tilespmem:s30+$0xFFFFFFD0] =	vst v1;
	v1 =	vadd.f32 v3, v4;
	v3 =	vsel vm0, $0xBDCCCCCD, v0;
	vm0 =	vgt.f32 v6, $-1.000000010e-01;
	v4 =	vld [tilespmem:s30+$0x60]  }
0x171: {  	[tilespmem:s30+$0x50] =	vst v2;
	v2 =	vadd.f32 v3, v5;
	v3 =	vsel vm0, $0xBDCCCCCD, v0;
	vm0 =	vgt.f32 v7, $-1.000000010e-01;
	v5 =	vld [tilespmem:s30+$0xE0]  }
0x172: {  	[tilespmem:s30+$0xD0] =	vst v1;
	v1 =	vadd.f32 v3, v6;
	v3 =	vsel vm0, $0xBDCCCCCD, v0;
	vm0 =	vgt.f32 v8, $-1.000000010e-01;
	v6 =	vld [tilespmem:s30+$0x160]  }
0x173: {  	v11 =	vld [tilespmem:s30+$0x1E0];
	[tilespmem:s30+$0x150] =	vst v2;
	v2 =	vadd.f32 v3, v7;
	v3 =	vsel vm0, $0xBDCCCCCD, v0;
	vm0 =	vgt.f32 v9, $-1.000000010e-01  }
0x174: {  	v12 =	vld [tilespmem:s30+$0xFFFFFE70];
	[tilespmem:s30+$0x1D0] =	vst v1;
	v1 =	vadd.f32 v3, v8;
	v3 =	vsel vm0, $0xBDCCCCCD, v0;
	vm0 =	vgt.f32 v10, $-1.000000010e-01  }
0x175: {  	[tilespmem:s30+$0xFFFFFE60] =	vst v2;
	v7 =	vadd.f32 v3, v9;
	v3 =	vsel vm0, $0xBDCCCCCD, v0;
	vm0 =	vgt.f32 v4, $-1.000000010e-01;
	v2 =	vld [tilespmem:s30+$0xFFFFFEF0]  }
0x176: {  	[tilespmem:s30+$0xFFFFFEE0] =	vst v1;
	v1 =	vadd.f32 v3, v10;
	v8 =	vsel vm0, $0xBDCCCCCD, v0;
	vm0 =	vgt.f32 v5, $-1.000000010e-01;
	v3 =	vld [tilespmem:s30+$0xFFFFFF70]  }
0x177: {  	[tilespmem:s30+$0xFFFFFF60] =	vst v7;
	v8 =	vadd.f32 v8, v4;
	v7 =	vsel vm0, $0xBDCCCCCD, v0;
	vm0 =	vgt.f32 v6, $-1.000000010e-01;
	v4 =	vld [tilespmem:s30+$0xFFFFFFF0]  }
0x178: {  	[tilespmem:s30+$0xFFFFFFE0] =	vst v1;
	v1 =	vadd.f32 v7, v5;
	v5 =	vsel vm0, $0xBDCCCCCD, v0;
	vm0 =	vgt.f32 v11, $-1.000000010e-01;
	v7 =	vld [tilespmem:s30+$0x70]  }
0x179: {  	[tilespmem:s30+$0x60] =	vst v8;
	v9 =	vadd.f32 v5, v6;
	v6 =	vsel vm0, $0xBDCCCCCD, v0;
	vm0 =	vgt.f32 v12, $-1.000000010e-01;
	v5 =	vld [tilespmem:s30+$0xF0]  }
0x17a: {  	[tilespmem:s30+$0xE0] =	vst v1;
	v8 =	vadd.f32 v6, v11;
	v10 =	vsel vm0, $0xBDCCCCCD, v0;
	vm0 =	vgt.f32 v2, $-1.000000010e-01;
	v6 =	vld [tilespmem:s30+$0x170]  }
0x17b: {  	s0 =	simm.s32 $0x0;
	s2 =	simm.s32 $0x8600;
	v1 =	vld [tilespmem:s30+$0xFFFFFE00];
	[tilespmem:s30+$0x160] =	vst v9;
	v9 =	vadd.f32 v10, v12;
	v10 =	vsel vm0, $0xBDCCCCCD, v0;
	vm0 =	vgt.f32 v3, $-1.000000010e-01  }
.LBB2_7:
0x17c: {  	v11 =	vld [tilespmem:s2+$0x1F0];
	s0 =	sadd.s32 $0x80, s0;
	[tilespmem:s30+$0x1E0] =	vst v8;
	v2 =	vadd.f32 v10, v2;
	v8 =	vsel vm0, $0xBDCCCCCD, v0;
	vm0 =	vgt.f32 v4, $-1.000000010e-01  }
0x17d: {  	v10 =	vld [tilespmem:s2+$0xFFFFFE80];
	p1 =	slt.u32 s0, $0x780;
	[tilespmem:s30+$0xFFFFFE70] =	vst v9;
	v3 =	vadd.f32 v8, v3;
	v8 =	vsel vm0, $0xBDCCCCCD, v0;
	vm0 =	vgt.f32 v7, $-1.000000010e-01  }
0x17e: {  	v9 =	vld [tilespmem:s2+$0xFFFFFF00];
	[tilespmem:s30+$0xFFFFFEF0] =	vst v2;
	v2 =	vadd.f32 v8, v4;
	v4 =	vsel vm0, $0xBDCCCCCD, v0;
	vm0 =	vgt.f32 v5, $-1.000000010e-01  }
0x17f: {  	v8 =	vld [tilespmem:s2+$0xFFFFFF80];
	[tilespmem:s30+$0xFFFFFF70] =	vst v3;
	v3 =	vadd.f32 v4, v7;
	v4 =	vsel vm0, $0xBDCCCCCD, v0;
	vm0 =	vgt.f32 v6, $-1.000000010e-01  }
0x180: {  	v7 =	vld [tilespmem:s2+$0x0];
	vm1 =	vgt.f32 v1, $-1.000000010e-01;
	[tilespmem:s30+$0xFFFFFFF0] =	vst v2;
	v2 =	vadd.f32 v4, v5;
	v4 =	vsel vm0, $0xBDCCCCCD, v0  }
0x181: {  	v5 =	vld [tilespmem:s2+$0x80];
	vm0 =	vgt.f32 v11, $-1.000000010e-01;
	v12 =	vsel vm1, $0xBDCCCCCD, v0;
	[tilespmem:s30+$0x70] =	vst v3;
	v3 =	vadd.f32 v4, v6  }
0x182: {  	vm1 =	vgt.f32 v10, $-1.000000010e-01;
	v4 =	vld [tilespmem:s2+$0x100];
	v6 =	vsel vm0, $0xBDCCCCCD, v0;
	v1 =	vadd.f32 v12, v1;
	[tilespmem:s30+$0xF0] =	vst v2  }
0x183: {  	v2 =	vsel vm1, $0xBDCCCCCD, v0;
	vm0 =	vgt.f32 v9, $-1.000000010e-01;
	v12 =	vld [tilespmem:s2+$0x180];
	v6 =	vadd.f32 v6, v11;
	[tilespmem:s30+$0x170] =	vst v3  }
0x184: {  	v2 =	vadd.f32 v2, v10;
	v3 =	vsel vm0, $0xBDCCCCCD, v0;
	vm0 =	vgt.f32 v8, $-1.000000010e-01;
	v10 =	vld [tilespmem:s2+$0xFFFFFE10];
	[tilespmem:s30+$0xFFFFFE00] =	vst v1;
	s30 =	smov.u32 s2  }
0x185: {  	v1 =	vadd.f32 v3, v9;
	v3 =	vsel vm0, $0xBDCCCCCD, v0;
	vm0 =	vgt.f32 v7, $-1.000000010e-01;
	v9 =	vld [tilespmem:s2+$0xFFFFFE90];
	[tilespmem:s2+$0x1F0] =	vst v6  }
0x186: {  	[tilespmem:s2+$0xFFFFFE80] =	vst v2;
	v2 =	vadd.f32 v3, v8;
	v3 =	vsel vm0, $0xBDCCCCCD, v0;
	vm0 =	vgt.f32 v5, $-1.000000010e-01;
	v6 =	vld [tilespmem:s2+$0xFFFFFF10]  }
0x187: {  	[tilespmem:s2+$0xFFFFFF00] =	vst v1;
	v1 =	vadd.f32 v3, v7;
	v3 =	vsel vm0, $0xBDCCCCCD, v0;
	vm0 =	vgt.f32 v4, $-1.000000010e-01;
	v7 =	vld [tilespmem:s2+$0xFFFFFF90]  }
0x188: {  	[tilespmem:s2+$0xFFFFFF80] =	vst v2;
	v2 =	vadd.f32 v3, v5;
	v3 =	vsel vm0, $0xBDCCCCCD, v0;
	vm0 =	vgt.f32 v12, $-1.000000010e-01;
	v5 =	vld [tilespmem:s2+$0x10]  }
0x189: {  	[tilespmem:s2+$0x0] =	vst v1;
	v1 =	vadd.f32 v3, v4;
	v3 =	vsel vm0, $0xBDCCCCCD, v0;
	vm0 =	vgt.f32 v10, $-1.000000010e-01;
	v4 =	vld [tilespmem:s2+$0x90]  }
0x18a: {  	[tilespmem:s2+$0x80] =	vst v2;
	v2 =	vadd.f32 v3, v12;
	v3 =	vsel vm0, $0xBDCCCCCD, v0;
	vm0 =	vgt.f32 v9, $-1.000000010e-01;
	v8 =	vld [tilespmem:s2+$0x110]  }
0x18b: {  	[tilespmem:s2+$0x100] =	vst v1;
	v1 =	vadd.f32 v3, v10;
	v3 =	vsel vm0, $0xBDCCCCCD, v0;
	vm0 =	vgt.f32 v6, $-1.000000010e-01;
	v10 =	vld [tilespmem:s2+$0x190]  }
0x18c: {  	[tilespmem:s2+$0x180] =	vst v2;
	v2 =	vadd.f32 v3, v9;
	v3 =	vsel vm0, $0xBDCCCCCD, v0;
	vm0 =	vgt.f32 v7, $-1.000000010e-01;
	v9 =	vld [tilespmem:s2+$0xFFFFFE20]  }
0x18d: {  	[tilespmem:s2+$0xFFFFFE10] =	vst v1;
	v1 =	vadd.f32 v3, v6;
	v3 =	vsel vm0, $0xBDCCCCCD, v0;
	vm0 =	vgt.f32 v5, $-1.000000010e-01;
	v6 =	vld [tilespmem:s2+$0xFFFFFEA0]  }
0x18e: {  	[tilespmem:s2+$0xFFFFFE90] =	vst v2;
	v2 =	vadd.f32 v3, v7;
	v3 =	vsel vm0, $0xBDCCCCCD, v0;
	vm0 =	vgt.f32 v4, $-1.000000010e-01;
	v7 =	vld [tilespmem:s2+$0xFFFFFF20]  }
0x18f: {  	[tilespmem:s2+$0xFFFFFF10] =	vst v1;
	v1 =	vadd.f32 v3, v5;
	v3 =	vsel vm0, $0xBDCCCCCD, v0;
	vm0 =	vgt.f32 v8, $-1.000000010e-01;
	v5 =	vld [tilespmem:s2+$0xFFFFFFA0]  }
0x190: {  	[tilespmem:s2+$0xFFFFFF90] =	vst v2;
	v2 =	vadd.f32 v3, v4;
	v3 =	vsel vm0, $0xBDCCCCCD, v0;
	vm0 =	vgt.f32 v10, $-1.000000010e-01;
	v4 =	vld [tilespmem:s2+$0x20]  }
0x191: {  	[tilespmem:s2+$0x10] =	vst v1;
	v1 =	vadd.f32 v3, v8;
	v3 =	vsel vm0, $0xBDCCCCCD, v0;
	vm0 =	vgt.f32 v9, $-1.000000010e-01;
	v8 =	vld [tilespmem:s2+$0xA0]  }
0x192: {  	[tilespmem:s2+$0x90] =	vst v2;
	v2 =	vadd.f32 v3, v10;
	v3 =	vsel vm0, $0xBDCCCCCD, v0;
	vm0 =	vgt.f32 v6, $-1.000000010e-01;
	v10 =	vld [tilespmem:s2+$0x120]  }
0x193: {  	[tilespmem:s2+$0x110] =	vst v1;
	v1 =	vadd.f32 v3, v9;
	v3 =	vsel vm0, $0xBDCCCCCD, v0;
	vm0 =	vgt.f32 v7, $-1.000000010e-01;
	v9 =	vld [tilespmem:s2+$0x1A0]  }
0x194: {  	[tilespmem:s2+$0x190] =	vst v2;
	v2 =	vadd.f32 v3, v6;
	v3 =	vsel vm0, $0xBDCCCCCD, v0;
	vm0 =	vgt.f32 v5, $-1.000000010e-01;
	v6 =	vld [tilespmem:s2+$0xFFFFFE30]  }
0x195: {  	[tilespmem:s2+$0xFFFFFE20] =	vst v1;
	v1 =	vadd.f32 v3, v7;
	v3 =	vsel vm0, $0xBDCCCCCD, v0;
	vm0 =	vgt.f32 v4, $-1.000000010e-01;
	v7 =	vld [tilespmem:s2+$0xFFFFFEB0]  }
0x196: {  	[tilespmem:s2+$0xFFFFFEA0] =	vst v2;
	v2 =	vadd.f32 v3, v5;
	v3 =	vsel vm0, $0xBDCCCCCD, v0;
	vm0 =	vgt.f32 v8, $-1.000000010e-01;
	v5 =	vld [tilespmem:s2+$0xFFFFFF30]  }
0x197: {  	[tilespmem:s2+$0xFFFFFF20] =	vst v1;
	v1 =	vadd.f32 v3, v4;
	v3 =	vsel vm0, $0xBDCCCCCD, v0;
	vm0 =	vgt.f32 v10, $-1.000000010e-01;
	v4 =	vld [tilespmem:s2+$0xFFFFFFB0]  }
0x198: {  	[tilespmem:s2+$0xFFFFFFA0] =	vst v2;
	v2 =	vadd.f32 v3, v8;
	v3 =	vsel vm0, $0xBDCCCCCD, v0;
	vm0 =	vgt.f32 v9, $-1.000000010e-01;
	v8 =	vld [tilespmem:s2+$0x30]  }
0x199: {  	[tilespmem:s2+$0x20] =	vst v1;
	v1 =	vadd.f32 v3, v10;
	v3 =	vsel vm0, $0xBDCCCCCD, v0;
	vm0 =	vgt.f32 v6, $-1.000000010e-01;
	v10 =	vld [tilespmem:s2+$0xB0]  }
0x19a: {  	[tilespmem:s2+$0xA0] =	vst v2;
	v2 =	vadd.f32 v3, v9;
	v3 =	vsel vm0, $0xBDCCCCCD, v0;
	vm0 =	vgt.f32 v7, $-1.000000010e-01;
	v9 =	vld [tilespmem:s2+$0x130]  }
0x19b: {  	[tilespmem:s2+$0x120] =	vst v1;
	v1 =	vadd.f32 v3, v6;
	v3 =	vsel vm0, $0xBDCCCCCD, v0;
	vm0 =	vgt.f32 v5, $-1.000000010e-01;
	v6 =	vld [tilespmem:s2+$0x1B0]  }
0x19c: {  	[tilespmem:s2+$0x1A0] =	vst v2;
	v2 =	vadd.f32 v3, v7;
	v3 =	vsel vm0, $0xBDCCCCCD, v0;
	vm0 =	vgt.f32 v4, $-1.000000010e-01;
	v7 =	vld [tilespmem:s2+$0xFFFFFE40]  }
0x19d: {  	[tilespmem:s2+$0xFFFFFE30] =	vst v1;
	v1 =	vadd.f32 v3, v5;
	v3 =	vsel vm0, $0xBDCCCCCD, v0;
	vm0 =	vgt.f32 v8, $-1.000000010e-01;
	v5 =	vld [tilespmem:s2+$0xFFFFFEC0]  }
0x19e: {  	[tilespmem:s2+$0xFFFFFEB0] =	vst v2;
	v2 =	vadd.f32 v3, v4;
	v3 =	vsel vm0, $0xBDCCCCCD, v0;
	vm0 =	vgt.f32 v10, $-1.000000010e-01;
	v4 =	vld [tilespmem:s2+$0xFFFFFF40]  }
0x19f: {  	[tilespmem:s2+$0xFFFFFF30] =	vst v1;
	v1 =	vadd.f32 v3, v8;
	v3 =	vsel vm0, $0xBDCCCCCD, v0;
	vm0 =	vgt.f32 v9, $-1.000000010e-01;
	v8 =	vld [tilespmem:s2+$0xFFFFFFC0]  }
0x1a0: {  	[tilespmem:s2+$0xFFFFFFB0] =	vst v2;
	v2 =	vadd.f32 v3, v10;
	v3 =	vsel vm0, $0xBDCCCCCD, v0;
	vm0 =	vgt.f32 v6, $-1.000000010e-01;
	v10 =	vld [tilespmem:s2+$0x40]  }
0x1a1: {  	[tilespmem:s2+$0x30] =	vst v1;
	v1 =	vadd.f32 v3, v9;
	v3 =	vsel vm0, $0xBDCCCCCD, v0;
	vm0 =	vgt.f32 v7, $-1.000000010e-01;
	v9 =	vld [tilespmem:s2+$0xC0]  }
0x1a2: {  	[tilespmem:s2+$0xB0] =	vst v2;
	v2 =	vadd.f32 v3, v6;
	v3 =	vsel vm0, $0xBDCCCCCD, v0;
	vm0 =	vgt.f32 v5, $-1.000000010e-01;
	v6 =	vld [tilespmem:s2+$0x140]  }
0x1a3: {  	[tilespmem:s2+$0x130] =	vst v1;
	v1 =	vadd.f32 v3, v7;
	v3 =	vsel vm0, $0xBDCCCCCD, v0;
	vm0 =	vgt.f32 v4, $-1.000000010e-01;
	v7 =	vld [tilespmem:s2+$0x1C0]  }
0x1a4: {  	[tilespmem:s2+$0x1B0] =	vst v2;
	v2 =	vadd.f32 v3, v5;
	v3 =	vsel vm0, $0xBDCCCCCD, v0;
	vm0 =	vgt.f32 v8, $-1.000000010e-01;
	v5 =	vld [tilespmem:s2+$0xFFFFFE50]  }
0x1a5: {  	[tilespmem:s2+$0xFFFFFE40] =	vst v1;
	v1 =	vadd.f32 v3, v4;
	v3 =	vsel vm0, $0xBDCCCCCD, v0;
	vm0 =	vgt.f32 v10, $-1.000000010e-01;
	v4 =	vld [tilespmem:s2+$0xFFFFFED0]  }
0x1a6: {  	[tilespmem:s2+$0xFFFFFEC0] =	vst v2;
	v2 =	vadd.f32 v3, v8;
	v3 =	vsel vm0, $0xBDCCCCCD, v0;
	vm0 =	vgt.f32 v9, $-1.000000010e-01;
	v8 =	vld [tilespmem:s2+$0xFFFFFF50]  }
0x1a7: {  	[tilespmem:s2+$0xFFFFFF40] =	vst v1;
	v1 =	vadd.f32 v3, v10;
	v3 =	vsel vm0, $0xBDCCCCCD, v0;
	vm0 =	vgt.f32 v6, $-1.000000010e-01;
	v10 =	vld [tilespmem:s2+$0xFFFFFFD0]  }
0x1a8: {  	[tilespmem:s2+$0xFFFFFFC0] =	vst v2;
	v2 =	vadd.f32 v3, v9;
	v3 =	vsel vm0, $0xBDCCCCCD, v0;
	vm0 =	vgt.f32 v7, $-1.000000010e-01;
	v9 =	vld [tilespmem:s2+$0x50]  }
0x1a9: {  	[tilespmem:s2+$0x40] =	vst v1;
	v1 =	vadd.f32 v3, v6;
	v3 =	vsel vm0, $0xBDCCCCCD, v0;
	vm0 =	vgt.f32 v5, $-1.000000010e-01;
	v6 =	vld [tilespmem:s2+$0xD0]  }
0x1aa: {  	[tilespmem:s2+$0xC0] =	vst v2;
	v2 =	vadd.f32 v3, v7;
	v3 =	vsel vm0, $0xBDCCCCCD, v0;
	vm0 =	vgt.f32 v4, $-1.000000010e-01;
	v7 =	vld [tilespmem:s2+$0x150]  }
0x1ab: {  	[tilespmem:s2+$0x140] =	vst v1;
	v1 =	vadd.f32 v3, v5;
	v3 =	vsel vm0, $0xBDCCCCCD, v0;
	vm0 =	vgt.f32 v8, $-1.000000010e-01;
	v5 =	vld [tilespmem:s2+$0x1D0]  }
0x1ac: {  	[tilespmem:s2+$0x1C0] =	vst v2;
	v2 =	vadd.f32 v3, v4;
	v3 =	vsel vm0, $0xBDCCCCCD, v0;
	vm0 =	vgt.f32 v10, $-1.000000010e-01;
	v4 =	vld [tilespmem:s2+$0xFFFFFE60]  }
0x1ad: {  	[tilespmem:s2+$0xFFFFFE50] =	vst v1;
	v1 =	vadd.f32 v3, v8;
	v3 =	vsel vm0, $0xBDCCCCCD, v0;
	vm0 =	vgt.f32 v9, $-1.000000010e-01;
	v8 =	vld [tilespmem:s2+$0xFFFFFEE0]  }
0x1ae: {  	[tilespmem:s2+$0xFFFFFED0] =	vst v2;
	v2 =	vadd.f32 v3, v10;
	v3 =	vsel vm0, $0xBDCCCCCD, v0;
	vm0 =	vgt.f32 v6, $-1.000000010e-01;
	v10 =	vld [tilespmem:s2+$0xFFFFFF60]  }
0x1af: {  	[tilespmem:s2+$0xFFFFFF50] =	vst v1;
	v1 =	vadd.f32 v3, v9;
	v3 =	vsel vm0, $0xBDCCCCCD, v0;
	vm0 =	vgt.f32 v7, $-1.000000010e-01;
	v9 =	vld [tilespmem:s2+$0xFFFFFFE0]  }
0x1b0: {  	[tilespmem:s2+$0xFFFFFFD0] =	vst v2;
	v2 =	vadd.f32 v3, v6;
	v3 =	vsel vm0, $0xBDCCCCCD, v0;
	vm0 =	vgt.f32 v5, $-1.000000010e-01;
	v6 =	vld [tilespmem:s2+$0x60]  }
0x1b1: {  	[tilespmem:s2+$0x50] =	vst v1;
	v1 =	vadd.f32 v3, v7;
	v3 =	vsel vm0, $0xBDCCCCCD, v0;
	vm0 =	vgt.f32 v4, $-1.000000010e-01;
	v7 =	vld [tilespmem:s2+$0xE0]  }
0x1b2: {  	[tilespmem:s2+$0xD0] =	vst v2;
	v2 =	vadd.f32 v3, v5;
	v3 =	vsel vm0, $0xBDCCCCCD, v0;
	vm0 =	vgt.f32 v8, $-1.000000010e-01;
	v5 =	vld [tilespmem:s2+$0x160]  }
0x1b3: {  	[tilespmem:s2+$0x150] =	vst v1;
	v1 =	vadd.f32 v3, v4;
	v3 =	vsel vm0, $0xBDCCCCCD, v0;
	vm0 =	vgt.f32 v10, $-1.000000010e-01;
	v11 =	vld [tilespmem:s2+$0x1E0]  }
0x1b4: {  	[tilespmem:s2+$0x1D0] =	vst v2;
	v3 =	vadd.f32 v3, v8;
	v2 =	vsel vm0, $0xBDCCCCCD, v0;
	vm0 =	vgt.f32 v9, $-1.000000010e-01;
	v12 =	vld [tilespmem:s2+$0xFFFFFE70]  }
0x1b5: {  	[tilespmem:s2+$0xFFFFFE60] =	vst v1;
	v1 =	vadd.f32 v2, v10;
	v4 =	vsel vm0, $0xBDCCCCCD, v0;
	vm0 =	vgt.f32 v6, $-1.000000010e-01;
	v2 =	vld [tilespmem:s2+$0xFFFFFEF0]  }
0x1b6: {  	[tilespmem:s2+$0xFFFFFEE0] =	vst v3;
	v8 =	vadd.f32 v4, v9;
	v4 =	vsel vm0, $0xBDCCCCCD, v0;
	vm0 =	vgt.f32 v7, $-1.000000010e-01;
	v3 =	vld [tilespmem:s2+$0xFFFFFF70]  }
.Ltmp2:
0x1b7: {  	[tilespmem:s2+$0xFFFFFF60] =	vst v1;
	v1 =	vadd.f32 v4, v6;
	v6 =	vsel vm0, $0xBDCCCCCD, v0;
	vm0 =	vgt.f32 v5, $-1.000000010e-01;
	v4 =	vld [tilespmem:s2+$0xFFFFFFF0];
	(pc) =	sbr.rel @p1 .LBB2_7-.Ltmp2, $4  }
0x1b8: {  	[tilespmem:s2+$0xFFFFFFE0] =	vst v8;
	v6 =	vadd.f32 v6, v7;
	v8 =	vsel vm0, $0xBDCCCCCD, v0;
	vm0 =	vgt.f32 v11, $-1.000000010e-01;
	v7 =	vld [tilespmem:s2+$0x70]  }
0x1b9: {  	[tilespmem:s2+$0x60] =	vst v1;
	v9 =	vadd.f32 v8, v5;
	v1 =	vsel vm0, $0xBDCCCCCD, v0;
	vm0 =	vgt.f32 v12, $-1.000000010e-01;
	v5 =	vld [tilespmem:s2+$0xF0]  }
0x1ba: {  	[tilespmem:s2+$0xE0] =	vst v6;
	v8 =	vadd.f32 v1, v11;
	v10 =	vsel vm0, $0xBDCCCCCD, v0;
	vm0 =	vgt.f32 v2, $-1.000000010e-01;
	v6 =	vld [tilespmem:s2+$0x170]  }
0x1bb: {  	s2 =	sadd.s32 $0x400, s2;
	v1 =	vld [tilespmem:s30+$0xFFFFFE00];
	[tilespmem:s30+$0x160] =	vst v9;
	v9 =	vadd.f32 v10, v12;
	v10 =	vsel vm0, $0xBDCCCCCD, v0;
	vm0 =	vgt.f32 v3, $-1.000000010e-01  }
0x1bc: {  	[tilespmem:s30+$0x1E0] =	vst v8;
	v2 =	vadd.f32 v10, v2;
	v8 =	vsel vm0, $0xBDCCCCCD, v0;
	vm0 =	vgt.f32 v4, $-1.000000010e-01  }
0x1bd: {  	[tilespmem:s30+$0xFFFFFE70] =	vst v9;
	v3 =	vadd.f32 v8, v3;
	v8 =	vsel vm0, $0xBDCCCCCD, v0;
	vm0 =	vgt.f32 v7, $-1.000000010e-01  }
0x1be: {  	[tilespmem:s30+$0xFFFFFEF0] =	vst v2;
	v2 =	vadd.f32 v8, v4;
	v4 =	vsel vm0, $0xBDCCCCCD, v0;
	vm0 =	vgt.f32 v5, $-1.000000010e-01  }
0x1bf: {  	[tilespmem:s30+$0xFFFFFF70] =	vst v3;
	v3 =	vadd.f32 v4, v7;
	v4 =	vsel vm0, $0xBDCCCCCD, v0;
	vm0 =	vgt.f32 v6, $-1.000000010e-01  }
0x1c0: {  	vm1 =	vgt.f32 v1, $-1.000000010e-01;
	[tilespmem:s30+$0xFFFFFFF0] =	vst v2;
	v2 =	vadd.f32 v4, v5;
	v4 =	vsel vm0, $0xBDCCCCCD, v0  }
0x1c1: {  	v5 =	vsel vm1, $0xBDCCCCCD, v0;
	[tilespmem:s30+$0x70] =	vst v3;
	v3 =	vadd.f32 v4, v6  }
0x1c2: {  	v1 =	vadd.f32 v5, v1;
	[tilespmem:s30+$0xF0] =	vst v2  }
0x1c3: {  	[tilespmem:s30+$0x170] =	vst v3  }
0x1c4: {  	s0 =	sadd.s32 s3, s28;
	[tilespmem:s30+$0xFFFFFE00] =	vst v1  }
0x1c5: {  	[hbm4b:s0+s4] =	stream.linear.scatter [tilespmem:s14], [sflag:$0x7], $0x4000, $0x38;
	[tilespmem:$0x10000] =	vst v63  }
0x1c6: {  	_ =	swait.ge [sflag:s20], $0x4000  }
0x1c7: {  	s2 =	simm.s32 @!p0 $0x0;
	[sflag:s20] =	ssyncset.done $0x0  }
0x1c8: {  	s0 =	sadd.s32 @!p0 s12, s26;
	s26 =	simm.s32 @!p0 $0x4000;
	[sflag:s20] =	ssyncadd.s32 $0xFFFFC000  }
0x1c9: {  	[tilespmem:s26], [sflag:$0x2] =	stream.linear.gather @!p0 [hbm4b:s0+s2], $0x4000, $0x38;
	[tilespmem:$0x10000] =	vst v63  }
0x1ca: {  	_ =	swait.ge [sflag:s21], $0x4000  }
0x1cb: {  	[sflag:s21] =	ssyncset.done $0x0  }
0x1cc: {  	s26 =	simm.s32 $0xC200;
	[sflag:s21] =	ssyncadd.s32 $0xFFFFC000  }
0x1cd: {  	v1 =	vld [tilespmem:s26+$0x1F0]  }
0x1ce: {  	v2 =	vld [tilespmem:s26+$0xFFFFFE80]  }
0x1cf: {  	v3 =	vld [tilespmem:s26+$0xFFFFFF00]  }
0x1d0: {  	v4 =	vld [tilespmem:s26+$0xFFFFFF80]  }
0x1d1: {  	v5 =	vld [tilespmem:s26+$0x0]  }
0x1d2: {  	v6 =	vld [tilespmem:s26+$0x80];
	vm0 =	vgt.f32 v1, $-1.000000010e-01  }
0x1d3: {  	v7 =	vld [tilespmem:s26+$0x100];
	vm1 =	vgt.f32 v2, $-1.000000010e-01;
	v8 =	vsel vm0, $0xBDCCCCCD, v0  }
0x1d4: {  	v10 =	vld [tilespmem:s26+$0x180];
	v9 =	vsel vm1, $0xBDCCCCCD, v0;
	vm0 =	vgt.f32 v3, $-1.000000010e-01;
	v1 =	vadd.f32 v8, v1  }
0x1d5: {  	v2 =	vadd.f32 v9, v2;
	v8 =	vsel vm0, $0xBDCCCCCD, v0;
	vm0 =	vgt.f32 v4, $-1.000000010e-01;
	v9 =	vld [tilespmem:s26+$0xFFFFFE10]  }
0x1d6: {  	v11 =	vld [tilespmem:s26+$0xFFFFFE90];
	v3 =	vadd.f32 v8, v3;
	v8 =	vsel vm0, $0xBDCCCCCD, v0;
	vm0 =	vgt.f32 v5, $-1.000000010e-01;
	[tilespmem:s26+$0x1F0] =	vst v1  }
0x1d7: {  	[tilespmem:s26+$0xFFFFFE80] =	vst v2;
	v1 =	vadd.f32 v8, v4;
	v2 =	vsel vm0, $0xBDCCCCCD, v0;
	vm0 =	vgt.f32 v6, $-1.000000010e-01;
	v4 =	vld [tilespmem:s26+$0xFFFFFF10]  }
0x1d8: {  	[tilespmem:s26+$0xFFFFFF00] =	vst v3;
	v2 =	vadd.f32 v2, v5;
	v3 =	vsel vm0, $0xBDCCCCCD, v0;
	vm0 =	vgt.f32 v7, $-1.000000010e-01;
	v5 =	vld [tilespmem:s26+$0xFFFFFF90]  }
0x1d9: {  	[tilespmem:s26+$0xFFFFFF80] =	vst v1;
	v1 =	vadd.f32 v3, v6;
	v3 =	vsel vm0, $0xBDCCCCCD, v0;
	vm0 =	vgt.f32 v10, $-1.000000010e-01;
	v6 =	vld [tilespmem:s26+$0x10]  }
0x1da: {  	[tilespmem:s26+$0x0] =	vst v2;
	v2 =	vadd.f32 v3, v7;
	v3 =	vsel vm0, $0xBDCCCCCD, v0;
	vm0 =	vgt.f32 v9, $-1.000000010e-01;
	v7 =	vld [tilespmem:s26+$0x90]  }
0x1db: {  	v8 =	vld [tilespmem:s26+$0x110];
	[tilespmem:s26+$0x80] =	vst v1;
	v1 =	vadd.f32 v3, v10;
	v3 =	vsel vm0, $0xBDCCCCCD, v0;
	vm0 =	vgt.f32 v11, $-1.000000010e-01  }
0x1dc: {  	[tilespmem:s26+$0x100] =	vst v2;
	v2 =	vadd.f32 v3, v9;
	v3 =	vsel vm0, $0xBDCCCCCD, v0;
	vm0 =	vgt.f32 v4, $-1.000000010e-01;
	v9 =	vld [tilespmem:s26+$0x190]  }
0x1dd: {  	v10 =	vld [tilespmem:s26+$0xFFFFFE20];
	[tilespmem:s26+$0x180] =	vst v1;
	v1 =	vadd.f32 v3, v11;
	v3 =	vsel vm0, $0xBDCCCCCD, v0;
	vm0 =	vgt.f32 v5, $-1.000000010e-01  }
0x1de: {  	[tilespmem:s26+$0xFFFFFE10] =	vst v2;
	v2 =	vadd.f32 v3, v4;
	v3 =	vsel vm0, $0xBDCCCCCD, v0;
	vm0 =	vgt.f32 v6, $-1.000000010e-01;
	v4 =	vld [tilespmem:s26+$0xFFFFFEA0]  }
0x1df: {  	[tilespmem:s26+$0xFFFFFE90] =	vst v1;
	v1 =	vadd.f32 v3, v5;
	v3 =	vsel vm0, $0xBDCCCCCD, v0;
	vm0 =	vgt.f32 v7, $-1.000000010e-01;
	v5 =	vld [tilespmem:s26+$0xFFFFFF20]  }
0x1e0: {  	[tilespmem:s26+$0xFFFFFF10] =	vst v2;
	v2 =	vadd.f32 v3, v6;
	v3 =	vsel vm0, $0xBDCCCCCD, v0;
	vm0 =	vgt.f32 v8, $-1.000000010e-01;
	v6 =	vld [tilespmem:s26+$0xFFFFFFA0]  }
0x1e1: {  	[tilespmem:s26+$0xFFFFFF90] =	vst v1;
	v1 =	vadd.f32 v3, v7;
	v3 =	vsel vm0, $0xBDCCCCCD, v0;
	vm0 =	vgt.f32 v9, $-1.000000010e-01;
	v7 =	vld [tilespmem:s26+$0x20]  }
0x1e2: {  	[tilespmem:s26+$0x10] =	vst v2;
	v2 =	vadd.f32 v3, v8;
	v3 =	vsel vm0, $0xBDCCCCCD, v0;
	vm0 =	vgt.f32 v10, $-1.000000010e-01;
	v8 =	vld [tilespmem:s26+$0xA0]  }
0x1e3: {  	[tilespmem:s26+$0x90] =	vst v1;
	v1 =	vadd.f32 v3, v9;
	v3 =	vsel vm0, $0xBDCCCCCD, v0;
	vm0 =	vgt.f32 v4, $-1.000000010e-01;
	v9 =	vld [tilespmem:s26+$0x120]  }
0x1e4: {  	[tilespmem:s26+$0x110] =	vst v2;
	v2 =	vadd.f32 v3, v10;
	v3 =	vsel vm0, $0xBDCCCCCD, v0;
	vm0 =	vgt.f32 v5, $-1.000000010e-01;
	v10 =	vld [tilespmem:s26+$0x1A0]  }
0x1e5: {  	[tilespmem:s26+$0x190] =	vst v1;
	v1 =	vadd.f32 v3, v4;
	v3 =	vsel vm0, $0xBDCCCCCD, v0;
	vm0 =	vgt.f32 v6, $-1.000000010e-01;
	v4 =	vld [tilespmem:s26+$0xFFFFFE30]  }
0x1e6: {  	[tilespmem:s26+$0xFFFFFE20] =	vst v2;
	v2 =	vadd.f32 v3, v5;
	v3 =	vsel vm0, $0xBDCCCCCD, v0;
	vm0 =	vgt.f32 v7, $-1.000000010e-01;
	v5 =	vld [tilespmem:s26+$0xFFFFFEB0]  }
0x1e7: {  	[tilespmem:s26+$0xFFFFFEA0] =	vst v1;
	v1 =	vadd.f32 v3, v6;
	v3 =	vsel vm0, $0xBDCCCCCD, v0;
	vm0 =	vgt.f32 v8, $-1.000000010e-01;
	v6 =	vld [tilespmem:s26+$0xFFFFFF30]  }
0x1e8: {  	[tilespmem:s26+$0xFFFFFF20] =	vst v2;
	v2 =	vadd.f32 v3, v7;
	v3 =	vsel vm0, $0xBDCCCCCD, v0;
	vm0 =	vgt.f32 v9, $-1.000000010e-01;
	v7 =	vld [tilespmem:s26+$0xFFFFFFB0]  }
0x1e9: {  	[tilespmem:s26+$0xFFFFFFA0] =	vst v1;
	v1 =	vadd.f32 v3, v8;
	v3 =	vsel vm0, $0xBDCCCCCD, v0;
	vm0 =	vgt.f32 v10, $-1.000000010e-01;
	v8 =	vld [tilespmem:s26+$0x30]  }
0x1ea: {  	[tilespmem:s26+$0x20] =	vst v2;
	v2 =	vadd.f32 v3, v9;
	v3 =	vsel vm0, $0xBDCCCCCD, v0;
	vm0 =	vgt.f32 v4, $-1.000000010e-01;
	v9 =	vld [tilespmem:s26+$0xB0]  }
0x1eb: {  	[tilespmem:s26+$0xA0] =	vst v1;
	v1 =	vadd.f32 v3, v10;
	v3 =	vsel vm0, $0xBDCCCCCD, v0;
	vm0 =	vgt.f32 v5, $-1.000000010e-01;
	v10 =	vld [tilespmem:s26+$0x130]  }
0x1ec: {  	[tilespmem:s26+$0x120] =	vst v2;
	v2 =	vadd.f32 v3, v4;
	v3 =	vsel vm0, $0xBDCCCCCD, v0;
	vm0 =	vgt.f32 v6, $-1.000000010e-01;
	v4 =	vld [tilespmem:s26+$0x1B0]  }
0x1ed: {  	[tilespmem:s26+$0x1A0] =	vst v1;
	v1 =	vadd.f32 v3, v5;
	v3 =	vsel vm0, $0xBDCCCCCD, v0;
	vm0 =	vgt.f32 v7, $-1.000000010e-01;
	v5 =	vld [tilespmem:s26+$0xFFFFFE40]  }
0x1ee: {  	[tilespmem:s26+$0xFFFFFE30] =	vst v2;
	v2 =	vadd.f32 v3, v6;
	v3 =	vsel vm0, $0xBDCCCCCD, v0;
	vm0 =	vgt.f32 v8, $-1.000000010e-01;
	v6 =	vld [tilespmem:s26+$0xFFFFFEC0]  }
0x1ef: {  	[tilespmem:s26+$0xFFFFFEB0] =	vst v1;
	v1 =	vadd.f32 v3, v7;
	v3 =	vsel vm0, $0xBDCCCCCD, v0;
	vm0 =	vgt.f32 v9, $-1.000000010e-01;
	v7 =	vld [tilespmem:s26+$0xFFFFFF40]  }
0x1f0: {  	[tilespmem:s26+$0xFFFFFF30] =	vst v2;
	v2 =	vadd.f32 v3, v8;
	v3 =	vsel vm0, $0xBDCCCCCD, v0;
	vm0 =	vgt.f32 v10, $-1.000000010e-01;
	v8 =	vld [tilespmem:s26+$0xFFFFFFC0]  }
0x1f1: {  	[tilespmem:s26+$0xFFFFFFB0] =	vst v1;
	v1 =	vadd.f32 v3, v9;
	v3 =	vsel vm0, $0xBDCCCCCD, v0;
	vm0 =	vgt.f32 v4, $-1.000000010e-01;
	v9 =	vld [tilespmem:s26+$0x40]  }
0x1f2: {  	[tilespmem:s26+$0x30] =	vst v2;
	v2 =	vadd.f32 v3, v10;
	v3 =	vsel vm0, $0xBDCCCCCD, v0;
	vm0 =	vgt.f32 v5, $-1.000000010e-01;
	v10 =	vld [tilespmem:s26+$0xC0]  }
0x1f3: {  	[tilespmem:s26+$0xB0] =	vst v1;
	v1 =	vadd.f32 v3, v4;
	v3 =	vsel vm0, $0xBDCCCCCD, v0;
	vm0 =	vgt.f32 v6, $-1.000000010e-01;
	v4 =	vld [tilespmem:s26+$0x140]  }
0x1f4: {  	[tilespmem:s26+$0x130] =	vst v2;
	v2 =	vadd.f32 v3, v5;
	v3 =	vsel vm0, $0xBDCCCCCD, v0;
	vm0 =	vgt.f32 v7, $-1.000000010e-01;
	v5 =	vld [tilespmem:s26+$0x1C0]  }
0x1f5: {  	[tilespmem:s26+$0x1B0] =	vst v1;
	v1 =	vadd.f32 v3, v6;
	v3 =	vsel vm0, $0xBDCCCCCD, v0;
	vm0 =	vgt.f32 v8, $-1.000000010e-01;
	v6 =	vld [tilespmem:s26+$0xFFFFFE50]  }
0x1f6: {  	[tilespmem:s26+$0xFFFFFE40] =	vst v2;
	v2 =	vadd.f32 v3, v7;
	v3 =	vsel vm0, $0xBDCCCCCD, v0;
	vm0 =	vgt.f32 v9, $-1.000000010e-01;
	v7 =	vld [tilespmem:s26+$0xFFFFFED0]  }
0x1f7: {  	[tilespmem:s26+$0xFFFFFEC0] =	vst v1;
	v1 =	vadd.f32 v3, v8;
	v3 =	vsel vm0, $0xBDCCCCCD, v0;
	vm0 =	vgt.f32 v10, $-1.000000010e-01;
	v8 =	vld [tilespmem:s26+$0xFFFFFF50]  }
0x1f8: {  	[tilespmem:s26+$0xFFFFFF40] =	vst v2;
	v2 =	vadd.f32 v3, v9;
	v3 =	vsel vm0, $0xBDCCCCCD, v0;
	vm0 =	vgt.f32 v4, $-1.000000010e-01;
	v9 =	vld [tilespmem:s26+$0xFFFFFFD0]  }
0x1f9: {  	[tilespmem:s26+$0xFFFFFFC0] =	vst v1;
	v1 =	vadd.f32 v3, v10;
	v3 =	vsel vm0, $0xBDCCCCCD, v0;
	vm0 =	vgt.f32 v5, $-1.000000010e-01;
	v10 =	vld [tilespmem:s26+$0x50]  }
0x1fa: {  	[tilespmem:s26+$0x40] =	vst v2;
	v2 =	vadd.f32 v3, v4;
	v3 =	vsel vm0, $0xBDCCCCCD, v0;
	vm0 =	vgt.f32 v6, $-1.000000010e-01;
	v4 =	vld [tilespmem:s26+$0xD0]  }
0x1fb: {  	[tilespmem:s26+$0xC0] =	vst v1;
	v1 =	vadd.f32 v3, v5;
	v3 =	vsel vm0, $0xBDCCCCCD, v0;
	vm0 =	vgt.f32 v7, $-1.000000010e-01;
	v5 =	vld [tilespmem:s26+$0x150]  }
0x1fc: {  	[tilespmem:s26+$0x140] =	vst v2;
	v2 =	vadd.f32 v3, v6;
	v3 =	vsel vm0, $0xBDCCCCCD, v0;
	vm0 =	vgt.f32 v8, $-1.000000010e-01;
	v6 =	vld [tilespmem:s26+$0x1D0]  }
0x1fd: {  	[tilespmem:s26+$0x1C0] =	vst v1;
	v1 =	vadd.f32 v3, v7;
	v3 =	vsel vm0, $0xBDCCCCCD, v0;
	vm0 =	vgt.f32 v9, $-1.000000010e-01;
	v7 =	vld [tilespmem:s26+$0xFFFFFE60]  }
0x1fe: {  	[tilespmem:s26+$0xFFFFFE50] =	vst v2;
	v2 =	vadd.f32 v3, v8;
	v3 =	vsel vm0, $0xBDCCCCCD, v0;
	vm0 =	vgt.f32 v10, $-1.000000010e-01;
	v8 =	vld [tilespmem:s26+$0xFFFFFEE0]  }
0x1ff: {  	[tilespmem:s26+$0xFFFFFED0] =	vst v1;
	v1 =	vadd.f32 v3, v9;
	v3 =	vsel vm0, $0xBDCCCCCD, v0;
	vm0 =	vgt.f32 v4, $-1.000000010e-01;
	v9 =	vld [tilespmem:s26+$0xFFFFFF60]  }
0x200: {  	[tilespmem:s26+$0xFFFFFF50] =	vst v2;
	v2 =	vadd.f32 v3, v10;
	v3 =	vsel vm0, $0xBDCCCCCD, v0;
	vm0 =	vgt.f32 v5, $-1.000000010e-01;
	v10 =	vld [tilespmem:s26+$0xFFFFFFE0]  }
0x201: {  	[tilespmem:s26+$0xFFFFFFD0] =	vst v1;
	v1 =	vadd.f32 v3, v4;
	v3 =	vsel vm0, $0xBDCCCCCD, v0;
	vm0 =	vgt.f32 v6, $-1.000000010e-01;
	v4 =	vld [tilespmem:s26+$0x60]  }
0x202: {  	[tilespmem:s26+$0x50] =	vst v2;
	v2 =	vadd.f32 v3, v5;
	v3 =	vsel vm0, $0xBDCCCCCD, v0;
	vm0 =	vgt.f32 v7, $-1.000000010e-01;
	v5 =	vld [tilespmem:s26+$0xE0]  }
0x203: {  	[tilespmem:s26+$0xD0] =	vst v1;
	v1 =	vadd.f32 v3, v6;
	v3 =	vsel vm0, $0xBDCCCCCD, v0;
	vm0 =	vgt.f32 v8, $-1.000000010e-01;
	v6 =	vld [tilespmem:s26+$0x160]  }
0x204: {  	v11 =	vld [tilespmem:s26+$0x1E0];
	[tilespmem:s26+$0x150] =	vst v2;
	v2 =	vadd.f32 v3, v7;
	v3 =	vsel vm0, $0xBDCCCCCD, v0;
	vm0 =	vgt.f32 v9, $-1.000000010e-01  }
0x205: {  	v12 =	vld [tilespmem:s26+$0xFFFFFE70];
	[tilespmem:s26+$0x1D0] =	vst v1;
	v1 =	vadd.f32 v3, v8;
	v3 =	vsel vm0, $0xBDCCCCCD, v0;
	vm0 =	vgt.f32 v10, $-1.000000010e-01  }
0x206: {  	[tilespmem:s26+$0xFFFFFE60] =	vst v2;
	v7 =	vadd.f32 v3, v9;
	v3 =	vsel vm0, $0xBDCCCCCD, v0;
	vm0 =	vgt.f32 v4, $-1.000000010e-01;
	v2 =	vld [tilespmem:s26+$0xFFFFFEF0]  }
0x207: {  	[tilespmem:s26+$0xFFFFFEE0] =	vst v1;
	v1 =	vadd.f32 v3, v10;
	v8 =	vsel vm0, $0xBDCCCCCD, v0;
	vm0 =	vgt.f32 v5, $-1.000000010e-01;
	v3 =	vld [tilespmem:s26+$0xFFFFFF70]  }
0x208: {  	[tilespmem:s26+$0xFFFFFF60] =	vst v7;
	v8 =	vadd.f32 v8, v4;
	v7 =	vsel vm0, $0xBDCCCCCD, v0;
	vm0 =	vgt.f32 v6, $-1.000000010e-01;
	v4 =	vld [tilespmem:s26+$0xFFFFFFF0]  }
0x209: {  	[tilespmem:s26+$0xFFFFFFE0] =	vst v1;
	v1 =	vadd.f32 v7, v5;
	v5 =	vsel vm0, $0xBDCCCCCD, v0;
	vm0 =	vgt.f32 v11, $-1.000000010e-01;
	v7 =	vld [tilespmem:s26+$0x70]  }
0x20a: {  	[tilespmem:s26+$0x60] =	vst v8;
	v9 =	vadd.f32 v5, v6;
	v6 =	vsel vm0, $0xBDCCCCCD, v0;
	vm0 =	vgt.f32 v12, $-1.000000010e-01;
	v5 =	vld [tilespmem:s26+$0xF0]  }
0x20b: {  	[tilespmem:s26+$0xE0] =	vst v1;
	v8 =	vadd.f32 v6, v11;
	v10 =	vsel vm0, $0xBDCCCCCD, v0;
	vm0 =	vgt.f32 v2, $-1.000000010e-01;
	v6 =	vld [tilespmem:s26+$0x170]  }
0x20c: {  	s0 =	simm.s32 $0x0;
	s2 =	simm.s32 $0xC600;
	v1 =	vld [tilespmem:s26+$0xFFFFFE00];
	[tilespmem:s26+$0x160] =	vst v9;
	v9 =	vadd.f32 v10, v12;
	v10 =	vsel vm0, $0xBDCCCCCD, v0;
	vm0 =	vgt.f32 v3, $-1.000000010e-01  }
.LBB2_9:
0x20d: {  	v11 =	vld [tilespmem:s2+$0x1F0];
	s0 =	sadd.s32 $0x80, s0;
	[tilespmem:s26+$0x1E0] =	vst v8;
	v2 =	vadd.f32 v10, v2;
	v8 =	vsel vm0, $0xBDCCCCCD, v0;
	vm0 =	vgt.f32 v4, $-1.000000010e-01  }
0x20e: {  	v10 =	vld [tilespmem:s2+$0xFFFFFE80];
	p0 =	slt.u32 s0, $0x780;
	[tilespmem:s26+$0xFFFFFE70] =	vst v9;
	v3 =	vadd.f32 v8, v3;
	v8 =	vsel vm0, $0xBDCCCCCD, v0;
	vm0 =	vgt.f32 v7, $-1.000000010e-01  }
0x20f: {  	v9 =	vld [tilespmem:s2+$0xFFFFFF00];
	[tilespmem:s26+$0xFFFFFEF0] =	vst v2;
	v2 =	vadd.f32 v8, v4;
	v4 =	vsel vm0, $0xBDCCCCCD, v0;
	vm0 =	vgt.f32 v5, $-1.000000010e-01  }
0x210: {  	v8 =	vld [tilespmem:s2+$0xFFFFFF80];
	[tilespmem:s26+$0xFFFFFF70] =	vst v3;
	v3 =	vadd.f32 v4, v7;
	v4 =	vsel vm0, $0xBDCCCCCD, v0;
	vm0 =	vgt.f32 v6, $-1.000000010e-01  }
0x211: {  	v7 =	vld [tilespmem:s2+$0x0];
	vm1 =	vgt.f32 v1, $-1.000000010e-01;
	[tilespmem:s26+$0xFFFFFFF0] =	vst v2;
	v2 =	vadd.f32 v4, v5;
	v4 =	vsel vm0, $0xBDCCCCCD, v0  }
0x212: {  	v5 =	vld [tilespmem:s2+$0x80];
	vm0 =	vgt.f32 v11, $-1.000000010e-01;
	v12 =	vsel vm1, $0xBDCCCCCD, v0;
	[tilespmem:s26+$0x70] =	vst v3;
	v3 =	vadd.f32 v4, v6  }
0x213: {  	vm1 =	vgt.f32 v10, $-1.000000010e-01;
	v4 =	vld [tilespmem:s2+$0x100];
	v6 =	vsel vm0, $0xBDCCCCCD, v0;
	v1 =	vadd.f32 v12, v1;
	[tilespmem:s26+$0xF0] =	vst v2  }
0x214: {  	v2 =	vsel vm1, $0xBDCCCCCD, v0;
	vm0 =	vgt.f32 v9, $-1.000000010e-01;
	v12 =	vld [tilespmem:s2+$0x180];
	v6 =	vadd.f32 v6, v11;
	[tilespmem:s26+$0x170] =	vst v3  }
0x215: {  	v2 =	vadd.f32 v2, v10;
	v3 =	vsel vm0, $0xBDCCCCCD, v0;
	vm0 =	vgt.f32 v8, $-1.000000010e-01;
	v10 =	vld [tilespmem:s2+$0xFFFFFE10];
	[tilespmem:s26+$0xFFFFFE00] =	vst v1;
	s26 =	smov.u32 s2  }
0x216: {  	v1 =	vadd.f32 v3, v9;
	v3 =	vsel vm0, $0xBDCCCCCD, v0;
	vm0 =	vgt.f32 v7, $-1.000000010e-01;
	v9 =	vld [tilespmem:s2+$0xFFFFFE90];
	[tilespmem:s2+$0x1F0] =	vst v6  }
0x217: {  	[tilespmem:s2+$0xFFFFFE80] =	vst v2;
	v2 =	vadd.f32 v3, v8;
	v3 =	vsel vm0, $0xBDCCCCCD, v0;
	vm0 =	vgt.f32 v5, $-1.000000010e-01;
	v6 =	vld [tilespmem:s2+$0xFFFFFF10]  }
0x218: {  	[tilespmem:s2+$0xFFFFFF00] =	vst v1;
	v1 =	vadd.f32 v3, v7;
	v3 =	vsel vm0, $0xBDCCCCCD, v0;
	vm0 =	vgt.f32 v4, $-1.000000010e-01;
	v7 =	vld [tilespmem:s2+$0xFFFFFF90]  }
0x219: {  	[tilespmem:s2+$0xFFFFFF80] =	vst v2;
	v2 =	vadd.f32 v3, v5;
	v3 =	vsel vm0, $0xBDCCCCCD, v0;
	vm0 =	vgt.f32 v12, $-1.000000010e-01;
	v5 =	vld [tilespmem:s2+$0x10]  }
0x21a: {  	[tilespmem:s2+$0x0] =	vst v1;
	v1 =	vadd.f32 v3, v4;
	v3 =	vsel vm0, $0xBDCCCCCD, v0;
	vm0 =	vgt.f32 v10, $-1.000000010e-01;
	v4 =	vld [tilespmem:s2+$0x90]  }
0x21b: {  	[tilespmem:s2+$0x80] =	vst v2;
	v2 =	vadd.f32 v3, v12;
	v3 =	vsel vm0, $0xBDCCCCCD, v0;
	vm0 =	vgt.f32 v9, $-1.000000010e-01;
	v8 =	vld [tilespmem:s2+$0x110]  }
0x21c: {  	[tilespmem:s2+$0x100] =	vst v1;
	v1 =	vadd.f32 v3, v10;
	v3 =	vsel vm0, $0xBDCCCCCD, v0;
	vm0 =	vgt.f32 v6, $-1.000000010e-01;
	v10 =	vld [tilespmem:s2+$0x190]  }
0x21d: {  	[tilespmem:s2+$0x180] =	vst v2;
	v2 =	vadd.f32 v3, v9;
	v3 =	vsel vm0, $0xBDCCCCCD, v0;
	vm0 =	vgt.f32 v7, $-1.000000010e-01;
	v9 =	vld [tilespmem:s2+$0xFFFFFE20]  }
0x21e: {  	[tilespmem:s2+$0xFFFFFE10] =	vst v1;
	v1 =	vadd.f32 v3, v6;
	v3 =	vsel vm0, $0xBDCCCCCD, v0;
	vm0 =	vgt.f32 v5, $-1.000000010e-01;
	v6 =	vld [tilespmem:s2+$0xFFFFFEA0]  }
0x21f: {  	[tilespmem:s2+$0xFFFFFE90] =	vst v2;
	v2 =	vadd.f32 v3, v7;
	v3 =	vsel vm0, $0xBDCCCCCD, v0;
	vm0 =	vgt.f32 v4, $-1.000000010e-01;
	v7 =	vld [tilespmem:s2+$0xFFFFFF20]  }
0x220: {  	[tilespmem:s2+$0xFFFFFF10] =	vst v1;
	v1 =	vadd.f32 v3, v5;
	v3 =	vsel vm0, $0xBDCCCCCD, v0;
	vm0 =	vgt.f32 v8, $-1.000000010e-01;
	v5 =	vld [tilespmem:s2+$0xFFFFFFA0]  }
0x221: {  	[tilespmem:s2+$0xFFFFFF90] =	vst v2;
	v2 =	vadd.f32 v3, v4;
	v3 =	vsel vm0, $0xBDCCCCCD, v0;
	vm0 =	vgt.f32 v10, $-1.000000010e-01;
	v4 =	vld [tilespmem:s2+$0x20]  }
0x222: {  	[tilespmem:s2+$0x10] =	vst v1;
	v1 =	vadd.f32 v3, v8;
	v3 =	vsel vm0, $0xBDCCCCCD, v0;
	vm0 =	vgt.f32 v9, $-1.000000010e-01;
	v8 =	vld [tilespmem:s2+$0xA0]  }
0x223: {  	[tilespmem:s2+$0x90] =	vst v2;
	v2 =	vadd.f32 v3, v10;
	v3 =	vsel vm0, $0xBDCCCCCD, v0;
	vm0 =	vgt.f32 v6, $-1.000000010e-01;
	v10 =	vld [tilespmem:s2+$0x120]  }
0x224: {  	[tilespmem:s2+$0x110] =	vst v1;
	v1 =	vadd.f32 v3, v9;
	v3 =	vsel vm0, $0xBDCCCCCD, v0;
	vm0 =	vgt.f32 v7, $-1.000000010e-01;
	v9 =	vld [tilespmem:s2+$0x1A0]  }
0x225: {  	[tilespmem:s2+$0x190] =	vst v2;
	v2 =	vadd.f32 v3, v6;
	v3 =	vsel vm0, $0xBDCCCCCD, v0;
	vm0 =	vgt.f32 v5, $-1.000000010e-01;
	v6 =	vld [tilespmem:s2+$0xFFFFFE30]  }
0x226: {  	[tilespmem:s2+$0xFFFFFE20] =	vst v1;
	v1 =	vadd.f32 v3, v7;
	v3 =	vsel vm0, $0xBDCCCCCD, v0;
	vm0 =	vgt.f32 v4, $-1.000000010e-01;
	v7 =	vld [tilespmem:s2+$0xFFFFFEB0]  }
0x227: {  	[tilespmem:s2+$0xFFFFFEA0] =	vst v2;
	v2 =	vadd.f32 v3, v5;
	v3 =	vsel vm0, $0xBDCCCCCD, v0;
	vm0 =	vgt.f32 v8, $-1.000000010e-01;
	v5 =	vld [tilespmem:s2+$0xFFFFFF30]  }
0x228: {  	[tilespmem:s2+$0xFFFFFF20] =	vst v1;
	v1 =	vadd.f32 v3, v4;
	v3 =	vsel vm0, $0xBDCCCCCD, v0;
	vm0 =	vgt.f32 v10, $-1.000000010e-01;
	v4 =	vld [tilespmem:s2+$0xFFFFFFB0]  }
0x229: {  	[tilespmem:s2+$0xFFFFFFA0] =	vst v2;
	v2 =	vadd.f32 v3, v8;
	v3 =	vsel vm0, $0xBDCCCCCD, v0;
	vm0 =	vgt.f32 v9, $-1.000000010e-01;
	v8 =	vld [tilespmem:s2+$0x30]  }
0x22a: {  	[tilespmem:s2+$0x20] =	vst v1;
	v1 =	vadd.f32 v3, v10;
	v3 =	vsel vm0, $0xBDCCCCCD, v0;
	vm0 =	vgt.f32 v6, $-1.000000010e-01;
	v10 =	vld [tilespmem:s2+$0xB0]  }
0x22b: {  	[tilespmem:s2+$0xA0] =	vst v2;
	v2 =	vadd.f32 v3, v9;
	v3 =	vsel vm0, $0xBDCCCCCD, v0;
	vm0 =	vgt.f32 v7, $-1.000000010e-01;
	v9 =	vld [tilespmem:s2+$0x130]  }
0x22c: {  	[tilespmem:s2+$0x120] =	vst v1;
	v1 =	vadd.f32 v3, v6;
	v3 =	vsel vm0, $0xBDCCCCCD, v0;
	vm0 =	vgt.f32 v5, $-1.000000010e-01;
	v6 =	vld [tilespmem:s2+$0x1B0]  }
0x22d: {  	[tilespmem:s2+$0x1A0] =	vst v2;
	v2 =	vadd.f32 v3, v7;
	v3 =	vsel vm0, $0xBDCCCCCD, v0;
	vm0 =	vgt.f32 v4, $-1.000000010e-01;
	v7 =	vld [tilespmem:s2+$0xFFFFFE40]  }
0x22e: {  	[tilespmem:s2+$0xFFFFFE30] =	vst v1;
	v1 =	vadd.f32 v3, v5;
	v3 =	vsel vm0, $0xBDCCCCCD, v0;
	vm0 =	vgt.f32 v8, $-1.000000010e-01;
	v5 =	vld [tilespmem:s2+$0xFFFFFEC0]  }
0x22f: {  	[tilespmem:s2+$0xFFFFFEB0] =	vst v2;
	v2 =	vadd.f32 v3, v4;
	v3 =	vsel vm0, $0xBDCCCCCD, v0;
	vm0 =	vgt.f32 v10, $-1.000000010e-01;
	v4 =	vld [tilespmem:s2+$0xFFFFFF40]  }
0x230: {  	[tilespmem:s2+$0xFFFFFF30] =	vst v1;
	v1 =	vadd.f32 v3, v8;
	v3 =	vsel vm0, $0xBDCCCCCD, v0;
	vm0 =	vgt.f32 v9, $-1.000000010e-01;
	v8 =	vld [tilespmem:s2+$0xFFFFFFC0]  }
0x231: {  	[tilespmem:s2+$0xFFFFFFB0] =	vst v2;
	v2 =	vadd.f32 v3, v10;
	v3 =	vsel vm0, $0xBDCCCCCD, v0;
	vm0 =	vgt.f32 v6, $-1.000000010e-01;
	v10 =	vld [tilespmem:s2+$0x40]  }
0x232: {  	[tilespmem:s2+$0x30] =	vst v1;
	v1 =	vadd.f32 v3, v9;
	v3 =	vsel vm0, $0xBDCCCCCD, v0;
	vm0 =	vgt.f32 v7, $-1.000000010e-01;
	v9 =	vld [tilespmem:s2+$0xC0]  }
0x233: {  	[tilespmem:s2+$0xB0] =	vst v2;
	v2 =	vadd.f32 v3, v6;
	v3 =	vsel vm0, $0xBDCCCCCD, v0;
	vm0 =	vgt.f32 v5, $-1.000000010e-01;
	v6 =	vld [tilespmem:s2+$0x140]  }
0x234: {  	[tilespmem:s2+$0x130] =	vst v1;
	v1 =	vadd.f32 v3, v7;
	v3 =	vsel vm0, $0xBDCCCCCD, v0;
	vm0 =	vgt.f32 v4, $-1.000000010e-01;
	v7 =	vld [tilespmem:s2+$0x1C0]  }
0x235: {  	[tilespmem:s2+$0x1B0] =	vst v2;
	v2 =	vadd.f32 v3, v5;
	v3 =	vsel vm0, $0xBDCCCCCD, v0;
	vm0 =	vgt.f32 v8, $-1.000000010e-01;
	v5 =	vld [tilespmem:s2+$0xFFFFFE50]  }
0x236: {  	[tilespmem:s2+$0xFFFFFE40] =	vst v1;
	v1 =	vadd.f32 v3, v4;
	v3 =	vsel vm0, $0xBDCCCCCD, v0;
	vm0 =	vgt.f32 v10, $-1.000000010e-01;
	v4 =	vld [tilespmem:s2+$0xFFFFFED0]  }
0x237: {  	[tilespmem:s2+$0xFFFFFEC0] =	vst v2;
	v2 =	vadd.f32 v3, v8;
	v3 =	vsel vm0, $0xBDCCCCCD, v0;
	vm0 =	vgt.f32 v9, $-1.000000010e-01;
	v8 =	vld [tilespmem:s2+$0xFFFFFF50]  }
0x238: {  	[tilespmem:s2+$0xFFFFFF40] =	vst v1;
	v1 =	vadd.f32 v3, v10;
	v3 =	vsel vm0, $0xBDCCCCCD, v0;
	vm0 =	vgt.f32 v6, $-1.000000010e-01;
	v10 =	vld [tilespmem:s2+$0xFFFFFFD0]  }
0x239: {  	[tilespmem:s2+$0xFFFFFFC0] =	vst v2;
	v2 =	vadd.f32 v3, v9;
	v3 =	vsel vm0, $0xBDCCCCCD, v0;
	vm0 =	vgt.f32 v7, $-1.000000010e-01;
	v9 =	vld [tilespmem:s2+$0x50]  }
0x23a: {  	[tilespmem:s2+$0x40] =	vst v1;
	v1 =	vadd.f32 v3, v6;
	v3 =	vsel vm0, $0xBDCCCCCD, v0;
	vm0 =	vgt.f32 v5, $-1.000000010e-01;
	v6 =	vld [tilespmem:s2+$0xD0]  }
0x23b: {  	[tilespmem:s2+$0xC0] =	vst v2;
	v2 =	vadd.f32 v3, v7;
	v3 =	vsel vm0, $0xBDCCCCCD, v0;
	vm0 =	vgt.f32 v4, $-1.000000010e-01;
	v7 =	vld [tilespmem:s2+$0x150]  }
0x23c: {  	[tilespmem:s2+$0x140] =	vst v1;
	v1 =	vadd.f32 v3, v5;
	v3 =	vsel vm0, $0xBDCCCCCD, v0;
	vm0 =	vgt.f32 v8, $-1.000000010e-01;
	v5 =	vld [tilespmem:s2+$0x1D0]  }
0x23d: {  	[tilespmem:s2+$0x1C0] =	vst v2;
	v2 =	vadd.f32 v3, v4;
	v3 =	vsel vm0, $0xBDCCCCCD, v0;
	vm0 =	vgt.f32 v10, $-1.000000010e-01;
	v4 =	vld [tilespmem:s2+$0xFFFFFE60]  }
0x23e: {  	[tilespmem:s2+$0xFFFFFE50] =	vst v1;
	v1 =	vadd.f32 v3, v8;
	v3 =	vsel vm0, $0xBDCCCCCD, v0;
	vm0 =	vgt.f32 v9, $-1.000000010e-01;
	v8 =	vld [tilespmem:s2+$0xFFFFFEE0]  }
0x23f: {  	[tilespmem:s2+$0xFFFFFED0] =	vst v2;
	v2 =	vadd.f32 v3, v10;
	v3 =	vsel vm0, $0xBDCCCCCD, v0;
	vm0 =	vgt.f32 v6, $-1.000000010e-01;
	v10 =	vld [tilespmem:s2+$0xFFFFFF60]  }
0x240: {  	[tilespmem:s2+$0xFFFFFF50] =	vst v1;
	v1 =	vadd.f32 v3, v9;
	v3 =	vsel vm0, $0xBDCCCCCD, v0;
	vm0 =	vgt.f32 v7, $-1.000000010e-01;
	v9 =	vld [tilespmem:s2+$0xFFFFFFE0]  }
0x241: {  	[tilespmem:s2+$0xFFFFFFD0] =	vst v2;
	v2 =	vadd.f32 v3, v6;
	v3 =	vsel vm0, $0xBDCCCCCD, v0;
	vm0 =	vgt.f32 v5, $-1.000000010e-01;
	v6 =	vld [tilespmem:s2+$0x60]  }
0x242: {  	[tilespmem:s2+$0x50] =	vst v1;
	v1 =	vadd.f32 v3, v7;
	v3 =	vsel vm0, $0xBDCCCCCD, v0;
	vm0 =	vgt.f32 v4, $-1.000000010e-01;
	v7 =	vld [tilespmem:s2+$0xE0]  }
0x243: {  	[tilespmem:s2+$0xD0] =	vst v2;
	v2 =	vadd.f32 v3, v5;
	v3 =	vsel vm0, $0xBDCCCCCD, v0;
	vm0 =	vgt.f32 v8, $-1.000000010e-01;
	v5 =	vld [tilespmem:s2+$0x160]  }
0x244: {  	[tilespmem:s2+$0x150] =	vst v1;
	v1 =	vadd.f32 v3, v4;
	v3 =	vsel vm0, $0xBDCCCCCD, v0;
	vm0 =	vgt.f32 v10, $-1.000000010e-01;
	v11 =	vld [tilespmem:s2+$0x1E0]  }
0x245: {  	[tilespmem:s2+$0x1D0] =	vst v2;
	v3 =	vadd.f32 v3, v8;
	v2 =	vsel vm0, $0xBDCCCCCD, v0;
	vm0 =	vgt.f32 v9, $-1.000000010e-01;
	v12 =	vld [tilespmem:s2+$0xFFFFFE70]  }
0x246: {  	[tilespmem:s2+$0xFFFFFE60] =	vst v1;
	v1 =	vadd.f32 v2, v10;
	v4 =	vsel vm0, $0xBDCCCCCD, v0;
	vm0 =	vgt.f32 v6, $-1.000000010e-01;
	v2 =	vld [tilespmem:s2+$0xFFFFFEF0]  }
0x247: {  	[tilespmem:s2+$0xFFFFFEE0] =	vst v3;
	v8 =	vadd.f32 v4, v9;
	v4 =	vsel vm0, $0xBDCCCCCD, v0;
	vm0 =	vgt.f32 v7, $-1.000000010e-01;
	v3 =	vld [tilespmem:s2+$0xFFFFFF70]  }
.Ltmp3:
0x248: {  	[tilespmem:s2+$0xFFFFFF60] =	vst v1;
	v1 =	vadd.f32 v4, v6;
	v6 =	vsel vm0, $0xBDCCCCCD, v0;
	vm0 =	vgt.f32 v5, $-1.000000010e-01;
	v4 =	vld [tilespmem:s2+$0xFFFFFFF0];
	(pc) =	sbr.rel @p0 .LBB2_9-.Ltmp3, $4  }
0x249: {  	[tilespmem:s2+$0xFFFFFFE0] =	vst v8;
	v6 =	vadd.f32 v6, v7;
	v8 =	vsel vm0, $0xBDCCCCCD, v0;
	vm0 =	vgt.f32 v11, $-1.000000010e-01;
	v7 =	vld [tilespmem:s2+$0x70]  }
0x24a: {  	[tilespmem:s2+$0x60] =	vst v1;
	v9 =	vadd.f32 v8, v5;
	v1 =	vsel vm0, $0xBDCCCCCD, v0;
	vm0 =	vgt.f32 v12, $-1.000000010e-01;
	v5 =	vld [tilespmem:s2+$0xF0]  }
0x24b: {  	[tilespmem:s2+$0xE0] =	vst v6;
	v8 =	vadd.f32 v1, v11;
	v10 =	vsel vm0, $0xBDCCCCCD, v0;
	vm0 =	vgt.f32 v2, $-1.000000010e-01;
	v6 =	vld [tilespmem:s2+$0x170]  }
0x24c: {  	s2 =	sadd.s32 $0x400, s2;
	v1 =	vld [tilespmem:s26+$0xFFFFFE00];
	[tilespmem:s26+$0x160] =	vst v9;
	v9 =	vadd.f32 v10, v12;
	v10 =	vsel vm0, $0xBDCCCCCD, v0;
	vm0 =	vgt.f32 v3, $-1.000000010e-01  }
0x24d: {  	[tilespmem:s26+$0x1E0] =	vst v8;
	v2 =	vadd.f32 v10, v2;
	v58 =	vsel vm0, $0xBDCCCCCD, v0;
	vm12 =	vgt.f32 v4, $-1.000000010e-01  }
0x24e: {  	[tilespmem:s26+$0xFFFFFE70] =	vst v9;
	v3 =	vadd.f32 v58, v3;
	v59 =	vsel vm12, $0xBDCCCCCD, v0;
	vm13 =	vgt.f32 v7, $-1.000000010e-01  }
0x24f: {  	[tilespmem:s26+$0xFFFFFEF0] =	vst v2;
	v2 =	vadd.f32 v59, v4;
	v60 =	vsel vm13, $0xBDCCCCCD, v0;
	vm14 =	vgt.f32 v5, $-1.000000010e-01  }
0x250: {  	s25 =	sadd.s32 $0x1, s25;
	[tilespmem:s26+$0xFFFFFF70] =	vst v3;
	v3 =	vadd.f32 v60, v7;
	v61 =	vsel vm14, $0xBDCCCCCD, v0;
	vm15 =	vgt.f32 v6, $-1.000000010e-01  }
0x251: {  	p0 =	sne.s32 s25, $0x20;
	vm1 =	vgt.f32 v1, $-1.000000010e-01;
	[tilespmem:s26+$0xFFFFFFF0] =	vst v2;
	v2 =	vadd.f32 v61, v5;
	v62 =	vsel vm15, $0xBDCCCCCD, v0  }
.Ltmp4:
0x252: {  	v63 =	vsel vm1, $0xBDCCCCCD, v0;
	[tilespmem:s26+$0x70] =	vst v3;
	v3 =	vadd.f32 v62, v6;
	(pc) =	sbr.rel @p0 .LBB2_2-.Ltmp4, $4  }
0x253: {  	v1 =	vadd.f32 v63, v1;
	[tilespmem:s26+$0xF0] =	vst v2  }
0x254: {  	[tilespmem:s26+$0x170] =	vst v3  }
0x255: {  	s0 =	sadd.s32 s3, s29;
	[tilespmem:s26+$0xFFFFFE00] =	vst v1  }
0x256: {  	[hbm4b:s0+s4] =	stream.linear.scatter [tilespmem:s16], [sflag:$0x8], $0x4000, $0x38;
	[tilespmem:$0x10000] =	vst v63  }
0x257: {  	s24 =	sadd.s32 $0x1, s24  }
0x258: {  	_ =	swait.ge [sflag:s22], $0x4000;
	p0 =	sne.s32 s24, s11  }
.Ltmp5:
0x259: {  	[sflag:s22] =	ssyncset.done $0x0;
	(pc) =	sbr.rel @p0 .LBB2_1-.Ltmp5, $4  }
0x25a: {  	[sflag:s22] =	ssyncadd.s32 $0xFFFFC000  }
0x25b: {  	_ =	swait.ge [sflag:s23], $0x4000  }
0x25c: {  	[sflag:s23] =	ssyncset.done $0x0  }
0x25d: {  	[sflag:s23] =	ssyncadd.s32 $0xFFFFC000  }
0x25e: {  	_ =	sfence.sel $0x180000  }
0x25f: {  	[bflag:$0x0] =	sbarrier.arrive $0xFFFF  }
0x260: {  	_ =	strace $0x90000047  }
0x261: {  	s0 =	stileid.u32;
	[bflag:$0x2] =	sbarrier.arrive $0xFFFF  }
0x262: {  	p0 =	sne.s32 s0, $0x0;
	s0 =	rddreg [dreg:$0x2]  }
0x263: {  	s0 =	sadd.s32 @!p0 $0x100000, s0  }
0x264: {  	[sflag:s0] =	ssyncadd.tile.s32 @!p0 $0x1;
	_ =	shalt  }
.Lfunc_end2:
_tile_overlayer_lowered:
.L_overlay_start_2:
0x265: {  	(tag) =	ssettag $0x2  }
0x266: {  	s0 =	rddreg [dreg:$0x0];
	s2 =	stileid.u32  }
0x267: {  	s1 =	rddreg [dreg:$0x1];
	p0 =	sne.s32 s2, $0x0  }
0x268: {  	s3 =	rddreg [dreg:$0x2];
	[bflag:$0x3] =	sbarrier.arrive $0xFFFF;
	s2 =	simm.s32 @!p0 $0x1C09  }
0x269: {  	[timem:s3], [sflag:s2] =	dma.local @!p0 [hbm:s0], s1  }
0x26a: {  	s0 =	simm.s32 @!p0 $0x9  }
0x26b: {  	_ =	swait.ge @!p0 [sflag:s0], s1  }
0x26c: {  	s1 =	ssub.s32 @!p0 $0x0, s1;
	[sflag:s0] =	ssyncset.done @!p0 $0x0  }
0x26d: {  	[sflag:s0] =	ssyncadd.s32 @!p0 s1  }
0x26e: {  	[bflag:$0x3] =	sbarrier.arrive $0xFFFF  }
0x26f: {  	_ =	shalt  }

</sc_bundles>
